<compile_context>
chip_gen: v7x
topology: tpu7x:2x2x1
jax: 0.10.2.dev20260603
libtpu: 0.0.44.dev20260713+nightly
codegen_flags: <defaults>
</compile_context>

<pallas_src>
import functools

import jax
import jax.numpy as jnp
from jax import lax
from jax.experimental import pallas as pl
from jax.experimental.pallas import tpu as pltpu
from jax.experimental.pallas import tpu_sc as plsc

_EPS = 1e-8


def _sim_z_block(x_ref, p_ref, a_ref, simT_ref, z_ref):
    xb = x_ref[:, :]
    p = p_ref[:, :]
    xnorm = jnp.sqrt(jnp.sum(xb * xb, axis=1, keepdims=True))
    pnorm = jnp.sqrt(jnp.sum(p * p, axis=1, keepdims=True))
    xn = xb / (xnorm + _EPS)
    pn = p / (pnorm + _EPS)
    sT = jax.lax.dot_general(
        pn, xn, (((1,), (1,)), ((), ())),
        preferred_element_type=jnp.float32)
    simT_ref[:, :] = jnp.abs(sT)
    z = jax.lax.dot_general(
        xb.astype(jnp.bfloat16), a_ref[:, :], (((1,), (1,)), ((), ())),
        preferred_element_type=jnp.float32)
    z_ref[:, :] = z.astype(jnp.bfloat16)


def _delta_block(z_ref, wT_ref, b_ref, o_ref, *, rank):
    wT = wT_ref[:, :]
    e = wT.shape[0]
    er = b_ref.shape[0]
    row_e = jax.lax.broadcasted_iota(jnp.int32, (e, er), 0)
    col_e = jax.lax.broadcasted_iota(jnp.int32, (e, er), 1) // rank
    exp_m = (row_e == col_e).astype(jnp.float32)
    w_exp = jax.lax.dot_general(
        wT, exp_m, (((0,), (0,)), ((), ())),
        precision=jax.lax.Precision.HIGHEST,
        preferred_element_type=jnp.float32)
    u = (z_ref[:, :].astype(jnp.float32) * w_exp).astype(jnp.bfloat16)
    o_ref[:, :] = jax.lax.dot_general(
        u, b_ref[:, :], (((1,), (0,)), ((), ())),
        preferred_element_type=jnp.float32)


def _make_sc_router(n, e, n_workers, tokens_per_worker):
    mesh = plsc.VectorSubcoreMesh(
        core_axis_name="c", subcore_axis_name="s",
        num_cores=2, num_subcores=16)

    @functools.partial(
        pl.kernel,
        out_type=jax.ShapeDtypeStruct((e, n), jnp.float32),
        mesh=mesh,
        scratch_types=[
            pltpu.VMEM((e, tokens_per_worker), jnp.float32),
            pltpu.VMEM((e, tokens_per_worker), jnp.float32),
        ],
    )
    def route(simT_hbm, wT_hbm, simv, wv):
        n_cores = n_workers // 16
        wid = lax.axis_index("s") * n_cores + lax.axis_index("c")
        base = wid * tokens_per_worker
        pltpu.sync_copy(simT_hbm.at[:, pl.ds(base, tokens_per_worker)], simv)
        for j in range(tokens_per_worker // 16):
            sl = pl.ds(j * 16, 16)
            rows = [simv[ei, sl] for ei in range(e)]
            m1 = rows[0]
            for ei in range(1, e):
                m1 = jnp.maximum(m1, rows[ei])
            idx1 = jnp.zeros((16,), jnp.int32)
            for ei in range(e - 1, -1, -1):
                idx1 = jnp.where(rows[ei] == m1, ei, idx1)
            neg = jnp.full((16,), -1.0, jnp.float32)
            masked = [jnp.where(idx1 == ei, neg, rows[ei]) for ei in range(e)]
            m2 = masked[0]
            for ei in range(1, e):
                m2 = jnp.maximum(m2, masked[ei])
            idx2 = jnp.zeros((16,), jnp.int32)
            for ei in range(e - 1, -1, -1):
                idx2 = jnp.where(masked[ei] == m2, ei, idx2)
            ex = jnp.exp(m2 - m1)
            c1 = 1.0 / (1.0 + ex)
            c2 = 1.0 - c1
            for ei in range(e):
                wv[ei, sl] = jnp.where(
                    idx1 == ei, c1, jnp.where(idx2 == ei, c2, 0.0))
        pltpu.sync_copy(wv, wT_hbm.at[:, pl.ds(base, tokens_per_worker)])

    return route


def kernel(x, lora_A, lora_B, prototypes, scaling):
    bsz, seq, d = x.shape
    e, r, _ = lora_A.shape
    n = bsz * seq
    flat_x = x.reshape(n, d)
    a_stack = lora_A.reshape(e * r, d).astype(jnp.bfloat16)
    b_stack = (lora_B.transpose(0, 2, 1).reshape(e * r, d)
               * jnp.float32(scaling)).astype(jnp.bfloat16)

    tn = 1024
    grid = (n // tn,)
    sim_t, z = pl.pallas_call(
        _sim_z_block,
        grid=grid,
        in_specs=[
            pl.BlockSpec((tn, d), lambda i: (i, 0)),
            pl.BlockSpec((e, d), lambda i: (0, 0)),
            pl.BlockSpec((e * r, d), lambda i: (0, 0)),
        ],
        out_specs=[
            pl.BlockSpec((e, tn), lambda i: (0, i)),
            pl.BlockSpec((tn, e * r), lambda i: (i, 0)),
        ],
        out_shape=[
            jax.ShapeDtypeStruct((e, n), jnp.float32),
            jax.ShapeDtypeStruct((n, e * r), jnp.bfloat16),
        ],
    )(flat_x, prototypes, a_stack)

    n_workers = 32
    w_t = _make_sc_router(n, e, n_workers, n // n_workers)(sim_t)

    out = pl.pallas_call(
        functools.partial(_delta_block, rank=r),
        grid=grid,
        in_specs=[
            pl.BlockSpec((tn, e * r), lambda i: (i, 0)),
            pl.BlockSpec((e, tn), lambda i: (0, i)),
            pl.BlockSpec((e * r, d), lambda i: (0, 0)),
        ],
        out_specs=pl.BlockSpec((tn, d), lambda i: (i, 0)),
        out_shape=jax.ShapeDtypeStruct((n, d), jnp.float32),
    )(z, w_t, b_stack)
    return out.reshape(bsz, seq, d)

# --- scband reference (transcript-rebuilt; emitter-appended) ---
"""Pipeline reference for scband-arrow-lora-linear-layer-20959440404555 (READ-ONLY COPY).

The authoritative reference and input builder live on the scoring server;
editing this copy changes nothing except your own understanding.
"""

import jax, jax.numpy as jnp
import numpy as np

E, R, D = 8, 32, 2048
B, S = 2, 2048
TOP_K = 2
TEMP = 1.0
EPS = 1e-8


def _top_right_singular_vec(A, Bm, key, iters=15, eps=1e-8):
    # Power iteration on v -> A^T (B^T B) (A v); avoids forming Delta_W = B @ A.
    A32 = A.astype(jnp.float32)
    B32 = Bm.astype(jnp.float32)
    C = B32.T @ B32  # (r, r)
    v = jax.random.normal(key, (A32.shape[1],), dtype=jnp.float32)
    v = v / (jnp.linalg.norm(v) + eps)
    for _ in range(iters):
        w = A32.T @ (C @ (A32 @ v))
        v = w / (jnp.linalg.norm(w) + eps)
    return v


def setup_inputs(seed: int = 0) -> dict:
    key = jax.random.key(seed)
    kx, ka, kb, kp = jax.random.split(key, 4)
    x = jax.random.normal(kx, (B, S, D), dtype=jnp.float32)
    lora_A = jax.random.normal(ka, (E, R, D), dtype=jnp.float32) * 0.02  # stacked A weights (E, r, in)
    lora_B = jax.random.normal(kb, (E, D, R), dtype=jnp.float32) * 0.02  # stacked B weights (E, out, r)
    # build_prototypes: top right singular vector of B@A per expert (power iteration)
    protos = [_top_right_singular_vec(lora_A[e], lora_B[e], jax.random.fold_in(kp, e)) for e in range(E)]
    prototypes = jnp.stack(protos, axis=0)  # (E, in)
    return {"x": x, "lora_A": lora_A, "lora_B": lora_B, "prototypes": prototypes, "scaling": 2}


def reference(x, lora_A, lora_B, prototypes, scaling):
    bsz, seq, d = x.shape
    N = bsz * seq
    flat_x = x.reshape(N, d)
    # 1) cosine similarity between tokens and prototypes (sign-invariant)
    xn = flat_x / (jnp.linalg.norm(flat_x, axis=-1, keepdims=True) + EPS)
    pn = prototypes / (jnp.linalg.norm(prototypes, axis=-1, keepdims=True) + EPS)
    sim = jnp.abs(xn @ pn.T)  # (N, E)
    # 2) top-k experts per token, softmax with temperature
    top_vals, top_idx = jax.lax.top_k(sim, TOP_K)
    coeffs = jax.nn.softmax(top_vals / TEMP, axis=-1)  # (N, k)
    # dense routing weights (scatter coeffs to selected experts)
    w = jnp.zeros((N, E), dtype=flat_x.dtype).at[jnp.arange(N)[:, None], top_idx].set(coeffs)
    # 3) project tokens into each expert's low-rank space (A)
    z = jnp.einsum('erd,nd->ner', lora_A, flat_x)  # (N, E, r)
    # 5) weight contributions, then 4) map back via B and sum over experts
    u = w[:, :, None] * z  # (N, E, r)
    delta = jnp.einsum('ner,eor->no', u, lora_B)  # (N, out)
    # 6) dropout (identity at eval) + scaling, reshape
    delta = delta * scaling
    return delta.reshape(bsz, seq, -1)

if __name__ == "__main__":
    import jax
    _d = setup_inputs()
    print(jax.jit(kernel)(*tuple(_d.values())))

</pallas_src>

<mosaic_0001>
#map = affine_map<(d0, d1) -> (0, 0)>
module attributes {stable_mosaic.version = 14 : i64} {
  func.func @route(%arg0: i32, %arg1: i32, %arg2: memref<8x4096xf32, #tpu.memory_space<hbm>>, %arg3: memref<8x4096xf32, #tpu.memory_space<hbm>>, %arg4: memref<8x128xf32, #tpu.memory_space<vmem>>, %arg5: memref<8x128xf32, #tpu.memory_space<vmem>>) attributes {dimension_semantics = [#tpu.dimension_semantics<core_parallel>, #tpu.dimension_semantics<subcore_parallel>], iteration_bounds = array<i64: 2, 16>, scalar_prefetch = 0 : i64, scratch_operands = 2 : i64, tpu.core_type = #tpu.core_type<sc_vector_subcore>, window_params = [{transform_indices = #map}, {transform_indices = #map}]} {
    %mul3A = arith.constant 2 : i32
    %mul3A_0 = arith.muli %arg1, %mul3A : i32
    %add3A = arith.addi %mul3A_0, %arg0 : i32
    %mul3A_1 = arith.constant 128 : i32
    %mul3A_2 = arith.muli %add3A, %mul3A_1 : i32
    "tpu.region"() ({
      %run_scoped3A = tpu.sem_alloc : memref<!tpu.dma_semaphore, #tpu.memory_space<semaphore_mem>>
      %dma_start3A = arith.constant 0 : i32
      %dma_start3A_2353 = tpu.memref_slice %arg2[%dma_start3A, %mul3A_2] : memref<8x4096xf32, #tpu.memory_space<hbm>> -> memref<8x128xf32, #tpu.memory_space<hbm>>
      %dma_start3A_2354 = arith.constant 0 : i32
      %dma_start3A_2355 = tpu.memref_slice %arg2[%dma_start3A_2354, %mul3A_2] : memref<8x4096xf32, #tpu.memory_space<hbm>> -> memref<8x128xf32, #tpu.memory_space<hbm>>
      tpu.enqueue_dma source(%dma_start3A_2355 : memref<8x128xf32, #tpu.memory_space<hbm>>) target(%arg4 : memref<8x128xf32, #tpu.memory_space<vmem>>) target_semaphore(%run_scoped3A : memref<!tpu.dma_semaphore, #tpu.memory_space<semaphore_mem>>)
      %dma_wait3A = arith.constant 0 : i32
      %dma_wait3A_2356 = tpu.memref_slice %arg2[%dma_wait3A, %mul3A_2] : memref<8x4096xf32, #tpu.memory_space<hbm>> -> memref<8x128xf32, #tpu.memory_space<hbm>>
      %dma_wait3A_2357 = arith.constant 0 : i32
      %dma_wait3A_2358 = tpu.memref_slice %arg2[%dma_wait3A_2357, %mul3A_2] : memref<8x4096xf32, #tpu.memory_space<hbm>> -> memref<8x128xf32, #tpu.memory_space<hbm>>
      tpu.wait_dma2 semaphore(%run_scoped3A : memref<!tpu.dma_semaphore, #tpu.memory_space<semaphore_mem>>) src(%dma_wait3A_2358 : memref<8x128xf32, #tpu.memory_space<hbm>>) dst(%arg4 : memref<8x128xf32, #tpu.memory_space<vmem>>)
      tpu.yield
    }) : () -> ()
    %get3A = arith.constant 0 : i32
    %get3A_3 = arith.index_cast %get3A : i32 to index
    %get3A_4 = arith.constant 0 : index
    %get3A_5 = tpu.vector_load %arg4[%get3A_3, %get3A_4] {strides = array<i32>} : memref<8x128xf32, #tpu.memory_space<vmem>>, vector<1x16xf32>,
    %get3A_6 = vector.shape_cast %get3A_5 : vector<1x16xf32> to vector<16xf32>
    %get3A_7 = arith.constant 1 : i32
    %get3A_8 = arith.index_cast %get3A_7 : i32 to index
    %get3A_9 = arith.constant 0 : index
    %get3A_10 = tpu.vector_load %arg4[%get3A_8, %get3A_9] {strides = array<i32>} : memref<8x128xf32, #tpu.memory_space<vmem>>, vector<1x16xf32>,
    %get3A_11 = vector.shape_cast %get3A_10 : vector<1x16xf32> to vector<16xf32>
    %get3A_12 = arith.constant 2 : i32
    %get3A_13 = arith.index_cast %get3A_12 : i32 to index
    %get3A_14 = arith.constant 0 : index
    %get3A_15 = tpu.vector_load %arg4[%get3A_13, %get3A_14] {strides = array<i32>} : memref<8x128xf32, #tpu.memory_space<vmem>>, vector<1x16xf32>,
    %get3A_16 = vector.shape_cast %get3A_15 : vector<1x16xf32> to vector<16xf32>
    %get3A_17 = arith.constant 3 : i32
    %get3A_18 = arith.index_cast %get3A_17 : i32 to index
    %get3A_19 = arith.constant 0 : index
    %get3A_20 = tpu.vector_load %arg4[%get3A_18, %get3A_19] {strides = array<i32>} : memref<8x128xf32, #tpu.memory_space<vmem>>, vector<1x16xf32>,
    %get3A_21 = vector.shape_cast %get3A_20 : vector<1x16xf32> to vector<16xf32>
    %get3A_22 = arith.constant 4 : i32
    %get3A_23 = arith.index_cast %get3A_22 : i32 to index
    %get3A_24 = arith.constant 0 : index
    %get3A_25 = tpu.vector_load %arg4[%get3A_23, %get3A_24] {strides = array<i32>} : memref<8x128xf32, #tpu.memory_space<vmem>>, vector<1x16xf32>,
    %get3A_26 = vector.shape_cast %get3A_25 : vector<1x16xf32> to vector<16xf32>
    %get3A_27 = arith.constant 5 : i32
    %get3A_28 = arith.index_cast %get3A_27 : i32 to index
    %get3A_29 = arith.constant 0 : index
    %get3A_30 = tpu.vector_load %arg4[%get3A_28, %get3A_29] {strides = array<i32>} : memref<8x128xf32, #tpu.memory_space<vmem>>, vector<1x16xf32>,
    %get3A_31 = vector.shape_cast %get3A_30 : vector<1x16xf32> to vector<16xf32>
    %get3A_32 = arith.constant 6 : i32
    %get3A_33 = arith.index_cast %get3A_32 : i32 to index
    %get3A_34 = arith.constant 0 : index
    %get3A_35 = tpu.vector_load %arg4[%get3A_33, %get3A_34] {strides = array<i32>} : memref<8x128xf32, #tpu.memory_space<vmem>>, vector<1x16xf32>,
    %get3A_36 = vector.shape_cast %get3A_35 : vector<1x16xf32> to vector<16xf32>
    %get3A_37 = arith.constant 7 : i32
    %get3A_38 = arith.index_cast %get3A_37 : i32 to index
    %get3A_39 = arith.constant 0 : index
    %get3A_40 = tpu.vector_load %arg4[%get3A_38, %get3A_39] {strides = array<i32>} : memref<8x128xf32, #tpu.memory_space<vmem>>, vector<1x16xf32>,
    %get3A_41 = vector.shape_cast %get3A_40 : vector<1x16xf32> to vector<16xf32>
    %max3A = arith.maximumf %get3A_6, %get3A_11 : vector<16xf32>
    %max3A_42 = arith.maximumf %max3A, %get3A_16 : vector<16xf32>
    %max3A_43 = arith.maximumf %max3A_42, %get3A_21 : vector<16xf32>
    %max3A_44 = arith.maximumf %max3A_43, %get3A_26 : vector<16xf32>
    %max3A_45 = arith.maximumf %max3A_44, %get3A_31 : vector<16xf32>
    %max3A_46 = arith.maximumf %max3A_45, %get3A_36 : vector<16xf32>
    %max3A_47 = arith.maximumf %max3A_46, %get3A_41 : vector<16xf32>
    %broadcast_in_dim3A = arith.constant 0 : i32
    %broadcast_in_dim3A_48 = vector.broadcast %broadcast_in_dim3A : i32 to vector<16xi32>
    %eq3A = arith.cmpf oeq, %get3A_41, %max3A_47 : vector<16xf32>
    %jit3A = arith.constant 7 : i32
    %broadcast_in_dim3A_49 = vector.broadcast %jit3A : i32 to vector<16xi32>
    %select_n3A = arith.select %eq3A, %broadcast_in_dim3A_49, %broadcast_in_dim3A_48 : vector<16xi1>, vector<16xi32>
    %eq3A_50 = arith.cmpf oeq, %get3A_36, %max3A_47 : vector<16xf32>
    %jit3A_51 = arith.constant 6 : i32
    %broadcast_in_dim3A_52 = vector.broadcast %jit3A_51 : i32 to vector<16xi32>
    %select_n3A_53 = arith.select %eq3A_50, %broadcast_in_dim3A_52, %select_n3A : vector<16xi1>, vector<16xi32>
    %eq3A_54 = arith.cmpf oeq, %get3A_31, %max3A_47 : vector<16xf32>
    %jit3A_55 = arith.constant 5 : i32
    %broadcast_in_dim3A_56 = vector.broadcast %jit3A_55 : i32 to vector<16xi32>
    %select_n3A_57 = arith.select %eq3A_54, %broadcast_in_dim3A_56, %select_n3A_53 : vector<16xi1>, vector<16xi32>
    %eq3A_58 = arith.cmpf oeq, %get3A_26, %max3A_47 : vector<16xf32>
    %jit3A_59 = arith.constant 4 : i32
    %broadcast_in_dim3A_60 = vector.broadcast %jit3A_59 : i32 to vector<16xi32>
    %select_n3A_61 = arith.select %eq3A_58, %broadcast_in_dim3A_60, %select_n3A_57 : vector<16xi1>, vector<16xi32>
    %eq3A_62 = arith.cmpf oeq, %get3A_21, %max3A_47 : vector<16xf32>
    %jit3A_63 = arith.constant 3 : i32
    %broadcast_in_dim3A_64 = vector.broadcast %jit3A_63 : i32 to vector<16xi32>
    %select_n3A_65 = arith.select %eq3A_62, %broadcast_in_dim3A_64, %select_n3A_61 : vector<16xi1>, vector<16xi32>
    %eq3A_66 = arith.cmpf oeq, %get3A_16, %max3A_47 : vector<16xf32>
    %jit3A_67 = arith.constant 2 : i32
    %broadcast_in_dim3A_68 = vector.broadcast %jit3A_67 : i32 to vector<16xi32>
    %select_n3A_69 = arith.select %eq3A_66, %broadcast_in_dim3A_68, %select_n3A_65 : vector<16xi1>, vector<16xi32>
    %eq3A_70 = arith.cmpf oeq, %get3A_11, %max3A_47 : vector<16xf32>
    %jit3A_71 = arith.constant 1 : i32
    %broadcast_in_dim3A_72 = vector.broadcast %jit3A_71 : i32 to vector<16xi32>
    %select_n3A_73 = arith.select %eq3A_70, %broadcast_in_dim3A_72, %select_n3A_69 : vector<16xi1>, vector<16xi32>
    %eq3A_74 = arith.cmpf oeq, %get3A_6, %max3A_47 : vector<16xf32>
    %jit3A_75 = arith.constant 0 : i32
    %broadcast_in_dim3A_76 = vector.broadcast %jit3A_75 : i32 to vector<16xi32>
    %select_n3A_77 = arith.select %eq3A_74, %broadcast_in_dim3A_76, %select_n3A_73 : vector<16xi1>, vector<16xi32>
    %broadcast_in_dim3A_78 = arith.constant -1.000000e+00 : f32
    %broadcast_in_dim3A_79 = vector.broadcast %broadcast_in_dim3A_78 : f32 to vector<16xf32>
    %eq3A_80 = arith.constant 0 : i32
    %eq3A_81 = vector.broadcast %eq3A_80 : i32 to vector<16xi32>
    %eq3A_82 = arith.cmpi eq, %select_n3A_77, %eq3A_81 : vector<16xi32>
    %select_n3A_83 = arith.select %eq3A_82, %broadcast_in_dim3A_79, %get3A_6 : vector<16xi1>, vector<16xf32>
    %eq3A_84 = arith.constant 1 : i32
    %eq3A_85 = vector.broadcast %eq3A_84 : i32 to vector<16xi32>
    %eq3A_86 = arith.cmpi eq, %select_n3A_77, %eq3A_85 : vector<16xi32>
    %select_n3A_87 = arith.select %eq3A_86, %broadcast_in_dim3A_79, %get3A_11 : vector<16xi1>, vector<16xf32>
    %eq3A_88 = arith.constant 2 : i32
    %eq3A_89 = vector.broadcast %eq3A_88 : i32 to vector<16xi32>
    %eq3A_90 = arith.cmpi eq, %select_n3A_77, %eq3A_89 : vector<16xi32>
    %select_n3A_91 = arith.select %eq3A_90, %broadcast_in_dim3A_79, %get3A_16 : vector<16xi1>, vector<16xf32>
    %eq3A_92 = arith.constant 3 : i32
    %eq3A_93 = vector.broadcast %eq3A_92 : i32 to vector<16xi32>
    %eq3A_94 = arith.cmpi eq, %select_n3A_77, %eq3A_93 : vector<16xi32>
    %select_n3A_95 = arith.select %eq3A_94, %broadcast_in_dim3A_79, %get3A_21 : vector<16xi1>, vector<16xf32>
    %eq3A_96 = arith.constant 4 : i32
    %eq3A_97 = vector.broadcast %eq3A_96 : i32 to vector<16xi32>
    %eq3A_98 = arith.cmpi eq, %select_n3A_77, %eq3A_97 : vector<16xi32>
    %select_n3A_99 = arith.select %eq3A_98, %broadcast_in_dim3A_79, %get3A_26 : vector<16xi1>, vector<16xf32>
    %eq3A_100 = arith.constant 5 : i32
    %eq3A_101 = vector.broadcast %eq3A_100 : i32 to vector<16xi32>
    %eq3A_102 = arith.cmpi eq, %select_n3A_77, %eq3A_101 : vector<16xi32>
    %select_n3A_103 = arith.select %eq3A_102, %broadcast_in_dim3A_79, %get3A_31 : vector<16xi1>, vector<16xf32>
    %eq3A_104 = arith.constant 6 : i32
    %eq3A_105 = vector.broadcast %eq3A_104 : i32 to vector<16xi32>
    %eq3A_106 = arith.cmpi eq, %select_n3A_77, %eq3A_105 : vector<16xi32>
    %select_n3A_107 = arith.select %eq3A_106, %broadcast_in_dim3A_79, %get3A_36 : vector<16xi1>, vector<16xf32>
    %eq3A_108 = arith.constant 7 : i32
    %eq3A_109 = vector.broadcast %eq3A_108 : i32 to vector<16xi32>
    %eq3A_110 = arith.cmpi eq, %select_n3A_77, %eq3A_109 : vector<16xi32>
    %select_n3A_111 = arith.select %eq3A_110, %broadcast_in_dim3A_79, %get3A_41 : vector<16xi1>, vector<16xf32>
    %max3A_112 = arith.maximumf %select_n3A_83, %select_n3A_87 : vector<16xf32>
    %max3A_113 = arith.maximumf %max3A_112, %select_n3A_91 : vector<16xf32>
    %max3A_114 = arith.maximumf %max3A_113, %select_n3A_95 : vector<16xf32>
    %max3A_115 = arith.maximumf %max3A_114, %select_n3A_99 : vector<16xf32>
    %max3A_116 = arith.maximumf %max3A_115, %select_n3A_103 : vector<16xf32>
    %max3A_117 = arith.maximumf %max3A_116, %select_n3A_107 : vector<16xf32>
    %max3A_118 = arith.maximumf %max3A_117, %select_n3A_111 : vector<16xf32>
    %broadcast_in_dim3A_119 = arith.constant 0 : i32
    %broadcast_in_dim3A_120 = vector.broadcast %broadcast_in_dim3A_119 : i32 to vector<16xi32>
    %eq3A_121 = arith.cmpf oeq, %select_n3A_111, %max3A_118 : vector<16xf32>
    %jit3A_122 = arith.constant 7 : i32
    %broadcast_in_dim3A_123 = vector.broadcast %jit3A_122 : i32 to vector<16xi32>
    %select_n3A_124 = arith.select %eq3A_121, %broadcast_in_dim3A_123, %broadcast_in_dim3A_120 : vector<16xi1>, vector<16xi32>
    %eq3A_125 = arith.cmpf oeq, %select_n3A_107, %max3A_118 : vector<16xf32>
    %jit3A_126 = arith.constant 6 : i32
    %broadcast_in_dim3A_127 = vector.broadcast %jit3A_126 : i32 to vector<16xi32>
    %select_n3A_128 = arith.select %eq3A_125, %broadcast_in_dim3A_127, %select_n3A_124 : vector<16xi1>, vector<16xi32>
    %eq3A_129 = arith.cmpf oeq, %select_n3A_103, %max3A_118 : vector<16xf32>
    %jit3A_130 = arith.constant 5 : i32
    %broadcast_in_dim3A_131 = vector.broadcast %jit3A_130 : i32 to vector<16xi32>
    %select_n3A_132 = arith.select %eq3A_129, %broadcast_in_dim3A_131, %select_n3A_128 : vector<16xi1>, vector<16xi32>
    %eq3A_133 = arith.cmpf oeq, %select_n3A_99, %max3A_118 : vector<16xf32>
    %jit3A_134 = arith.constant 4 : i32
    %broadcast_in_dim3A_135 = vector.broadcast %jit3A_134 : i32 to vector<16xi32>
    %select_n3A_136 = arith.select %eq3A_133, %broadcast_in_dim3A_135, %select_n3A_132 : vector<16xi1>, vector<16xi32>
    %eq3A_137 = arith.cmpf oeq, %select_n3A_95, %max3A_118 : vector<16xf32>
    %jit3A_138 = arith.constant 3 : i32
    %broadcast_in_dim3A_139 = vector.broadcast %jit3A_138 : i32 to vector<16xi32>
    %select_n3A_140 = arith.select %eq3A_137, %broadcast_in_dim3A_139, %select_n3A_136 : vector<16xi1>, vector<16xi32>
    %eq3A_141 = arith.cmpf oeq, %select_n3A_91, %max3A_118 : vector<16xf32>
    %jit3A_142 = arith.constant 2 : i32
    %broadcast_in_dim3A_143 = vector.broadcast %jit3A_142 : i32 to vector<16xi32>
    %select_n3A_144 = arith.select %eq3A_141, %broadcast_in_dim3A_143, %select_n3A_140 : vector<16xi1>, vector<16xi32>
    %eq3A_145 = arith.cmpf oeq, %select_n3A_87, %max3A_118 : vector<16xf32>
    %jit3A_146 = arith.constant 1 : i32
    %broadcast_in_dim3A_147 = vector.broadcast %jit3A_146 : i32 to vector<16xi32>
    %select_n3A_148 = arith.select %eq3A_145, %broadcast_in_dim3A_147, %select_n3A_144 : vector<16xi1>, vector<16xi32>
    %eq3A_149 = arith.cmpf oeq, %select_n3A_83, %max3A_118 : vector<16xf32>
    %jit3A_150 = arith.constant 0 : i32
    %broadcast_in_dim3A_151 = vector.broadcast %jit3A_150 : i32 to vector<16xi32>
    %select_n3A_152 = arith.select %eq3A_149, %broadcast_in_dim3A_151, %select_n3A_148 : vector<16xi1>, vector<16xi32>
    %sub3A = arith.subf %max3A_118, %max3A_47 : vector<16xf32>
    %exp3A = math.exp %sub3A : vector<16xf32>
    %add3A_153 = arith.constant 1.000000e+00 : f32
    %add3A_154 = vector.broadcast %add3A_153 : f32 to vector<16xf32>
    %add3A_155 = arith.addf %add3A_154, %exp3A : vector<16xf32>
    %div3A = arith.constant 1.000000e+00 : f32
    %div3A_156 = vector.broadcast %div3A : f32 to vector<16xf32>
    %div3A_157 = arith.divf %div3A_156, %add3A_155 : vector<16xf32>
    %sub3A_158 = arith.constant 1.000000e+00 : f32
    %sub3A_159 = vector.broadcast %sub3A_158 : f32 to vector<16xf32>
    %sub3A_160 = arith.subf %sub3A_159, %div3A_157 : vector<16xf32>
    %eq3A_161 = arith.constant 0 : i32
    %eq3A_162 = vector.broadcast %eq3A_161 : i32 to vector<16xi32>
    %eq3A_163 = arith.cmpi eq, %select_n3A_77, %eq3A_162 : vector<16xi32>
    %eq3A_164 = arith.constant 0 : i32
    %eq3A_165 = vector.broadcast %eq3A_164 : i32 to vector<16xi32>
    %eq3A_166 = arith.cmpi eq, %select_n3A_152, %eq3A_165 : vector<16xi32>
    %jit3A_167 = arith.constant 0.000000e+00 : f32
    %broadcast_in_dim3A_168 = vector.broadcast %jit3A_167 : f32 to vector<16xf32>
    %select_n3A_169 = arith.select %eq3A_166, %sub3A_160, %broadcast_in_dim3A_168 : vector<16xi1>, vector<16xf32>
    %select_n3A_170 = arith.select %eq3A_163, %div3A_157, %select_n3A_169 : vector<16xi1>, vector<16xf32>
    %swap3A = arith.constant 0 : i32
    %swap3A_171 = arith.index_cast %swap3A : i32 to index
    %swap3A_172 = arith.constant 0 : index
    %swap3A_173 = tpu.vector_load %arg5[%swap3A_171, %swap3A_172] {strides = array<i32>} : memref<8x128xf32, #tpu.memory_space<vmem>>, vector<1x16xf32>,
    %swap3A_174 = vector.shape_cast %swap3A_173 : vector<1x16xf32> to vector<16xf32>
    %swap3A_175 = vector.shape_cast %select_n3A_170 : vector<16xf32> to vector<1x16xf32>
    tpu.vector_store %arg5[%swap3A_171, %swap3A_172], %swap3A_175 {strides = array<i32>} : memref<8x128xf32, #tpu.memory_space<vmem>>, vector<1x16xf32>,
    %eq3A_176 = arith.constant 1 : i32
    %eq3A_177 = vector.broadcast %eq3A_176 : i32 to vector<16xi32>
    %eq3A_178 = arith.cmpi eq, %select_n3A_77, %eq3A_177 : vector<16xi32>
    %eq3A_179 = arith.constant 1 : i32
    %eq3A_180 = vector.broadcast %eq3A_179 : i32 to vector<16xi32>
    %eq3A_181 = arith.cmpi eq, %select_n3A_152, %eq3A_180 : vector<16xi32>
    %jit3A_182 = arith.constant 0.000000e+00 : f32
    %broadcast_in_dim3A_183 = vector.broadcast %jit3A_182 : f32 to vector<16xf32>
    %select_n3A_184 = arith.select %eq3A_181, %sub3A_160, %broadcast_in_dim3A_183 : vector<16xi1>, vector<16xf32>
    %select_n3A_185 = arith.select %eq3A_178, %div3A_157, %select_n3A_184 : vector<16xi1>, vector<16xf32>
    %swap3A_186 = arith.constant 1 : i32
    %swap3A_187 = arith.index_cast %swap3A_186 : i32 to index
    %swap3A_188 = arith.constant 0 : index
    %swap3A_189 = tpu.vector_load %arg5[%swap3A_187, %swap3A_188] {strides = array<i32>} : memref<8x128xf32, #tpu.memory_space<vmem>>, vector<1x16xf32>,
    %swap3A_190 = vector.shape_cast %swap3A_189 : vector<1x16xf32> to vector<16xf32>
    %swap3A_191 = vector.shape_cast %select_n3A_185 : vector<16xf32> to vector<1x16xf32>
    tpu.vector_store %arg5[%swap3A_187, %swap3A_188], %swap3A_191 {strides = array<i32>} : memref<8x128xf32, #tpu.memory_space<vmem>>, vector<1x16xf32>,
    %eq3A_192 = arith.constant 2 : i32
    %eq3A_193 = vector.broadcast %eq3A_192 : i32 to vector<16xi32>
    %eq3A_194 = arith.cmpi eq, %select_n3A_77, %eq3A_193 : vector<16xi32>
    %eq3A_195 = arith.constant 2 : i32
    %eq3A_196 = vector.broadcast %eq3A_195 : i32 to vector<16xi32>
    %eq3A_197 = arith.cmpi eq, %select_n3A_152, %eq3A_196 : vector<16xi32>
    %jit3A_198 = arith.constant 0.000000e+00 : f32
    %broadcast_in_dim3A_199 = vector.broadcast %jit3A_198 : f32 to vector<16xf32>
    %select_n3A_200 = arith.select %eq3A_197, %sub3A_160, %broadcast_in_dim3A_199 : vector<16xi1>, vector<16xf32>
    %select_n3A_201 = arith.select %eq3A_194, %div3A_157, %select_n3A_200 : vector<16xi1>, vector<16xf32>
    %swap3A_202 = arith.constant 2 : i32
    %swap3A_203 = arith.index_cast %swap3A_202 : i32 to index
    %swap3A_204 = arith.constant 0 : index
    %swap3A_205 = tpu.vector_load %arg5[%swap3A_203, %swap3A_204] {strides = array<i32>} : memref<8x128xf32, #tpu.memory_space<vmem>>, vector<1x16xf32>,
    %swap3A_206 = vector.shape_cast %swap3A_205 : vector<1x16xf32> to vector<16xf32>
    %swap3A_207 = vector.shape_cast %select_n3A_201 : vector<16xf32> to vector<1x16xf32>
    tpu.vector_store %arg5[%swap3A_203, %swap3A_204], %swap3A_207 {strides = array<i32>} : memref<8x128xf32, #tpu.memory_space<vmem>>, vector<1x16xf32>,
    %eq3A_208 = arith.constant 3 : i32
    %eq3A_209 = vector.broadcast %eq3A_208 : i32 to vector<16xi32>
    %eq3A_210 = arith.cmpi eq, %select_n3A_77, %eq3A_209 : vector<16xi32>
    %eq3A_211 = arith.constant 3 : i32
    %eq3A_212 = vector.broadcast %eq3A_211 : i32 to vector<16xi32>
    %eq3A_213 = arith.cmpi eq, %select_n3A_152, %eq3A_212 : vector<16xi32>
    %jit3A_214 = arith.constant 0.000000e+00 : f32
    %broadcast_in_dim3A_215 = vector.broadcast %jit3A_214 : f32 to vector<16xf32>
    %select_n3A_216 = arith.select %eq3A_213, %sub3A_160, %broadcast_in_dim3A_215 : vector<16xi1>, vector<16xf32>
    %select_n3A_217 = arith.select %eq3A_210, %div3A_157, %select_n3A_216 : vector<16xi1>, vector<16xf32>
    %swap3A_218 = arith.constant 3 : i32
    %swap3A_219 = arith.index_cast %swap3A_218 : i32 to index
    %swap3A_220 = arith.constant 0 : index
    %swap3A_221 = tpu.vector_load %arg5[%swap3A_219, %swap3A_220] {strides = array<i32>} : memref<8x128xf32, #tpu.memory_space<vmem>>, vector<1x16xf32>,
    %swap3A_222 = vector.shape_cast %swap3A_221 : vector<1x16xf32> to vector<16xf32>
    %swap3A_223 = vector.shape_cast %select_n3A_217 : vector<16xf32> to vector<1x16xf32>
    tpu.vector_store %arg5[%swap3A_219, %swap3A_220], %swap3A_223 {strides = array<i32>} : memref<8x128xf32, #tpu.memory_space<vmem>>, vector<1x16xf32>,
    %eq3A_224 = arith.constant 4 : i32
    %eq3A_225 = vector.broadcast %eq3A_224 : i32 to vector<16xi32>
    %eq3A_226 = arith.cmpi eq, %select_n3A_77, %eq3A_225 : vector<16xi32>
    %eq3A_227 = arith.constant 4 : i32
    %eq3A_228 = vector.broadcast %eq3A_227 : i32 to vector<16xi32>
    %eq3A_229 = arith.cmpi eq, %select_n3A_152, %eq3A_228 : vector<16xi32>
    %jit3A_230 = arith.constant 0.000000e+00 : f32
    %broadcast_in_dim3A_231 = vector.broadcast %jit3A_230 : f32 to vector<16xf32>
    %select_n3A_232 = arith.select %eq3A_229, %sub3A_160, %broadcast_in_dim3A_231 : vector<16xi1>, vector<16xf32>
    %select_n3A_233 = arith.select %eq3A_226, %div3A_157, %select_n3A_232 : vector<16xi1>, vector<16xf32>
    %swap3A_234 = arith.constant 4 : i32
    %swap3A_235 = arith.index_cast %swap3A_234 : i32 to index
    %swap3A_236 = arith.constant 0 : index
    %swap3A_237 = tpu.vector_load %arg5[%swap3A_235, %swap3A_236] {strides = array<i32>} : memref<8x128xf32, #tpu.memory_space<vmem>>, vector<1x16xf32>,
    %swap3A_238 = vector.shape_cast %swap3A_237 : vector<1x16xf32> to vector<16xf32>
    %swap3A_239 = vector.shape_cast %select_n3A_233 : vector<16xf32> to vector<1x16xf32>
    tpu.vector_store %arg5[%swap3A_235, %swap3A_236], %swap3A_239 {strides = array<i32>} : memref<8x128xf32, #tpu.memory_space<vmem>>, vector<1x16xf32>,
    %eq3A_240 = arith.constant 5 : i32
    %eq3A_241 = vector.broadcast %eq3A_240 : i32 to vector<16xi32>
    %eq3A_242 = arith.cmpi eq, %select_n3A_77, %eq3A_241 : vector<16xi32>
    %eq3A_243 = arith.constant 5 : i32
    %eq3A_244 = vector.broadcast %eq3A_243 : i32 to vector<16xi32>
    %eq3A_245 = arith.cmpi eq, %select_n3A_152, %eq3A_244 : vector<16xi32>
    %jit3A_246 = arith.constant 0.000000e+00 : f32
    %broadcast_in_dim3A_247 = vector.broadcast %jit3A_246 : f32 to vector<16xf32>
    %select_n3A_248 = arith.select %eq3A_245, %sub3A_160, %broadcast_in_dim3A_247 : vector<16xi1>, vector<16xf32>
    %select_n3A_249 = arith.select %eq3A_242, %div3A_157, %select_n3A_248 : vector<16xi1>, vector<16xf32>
    %swap3A_250 = arith.constant 5 : i32
    %swap3A_251 = arith.index_cast %swap3A_250 : i32 to index
    %swap3A_252 = arith.constant 0 : index
    %swap3A_253 = tpu.vector_load %arg5[%swap3A_251, %swap3A_252] {strides = array<i32>} : memref<8x128xf32, #tpu.memory_space<vmem>>, vector<1x16xf32>,
    %swap3A_254 = vector.shape_cast %swap3A_253 : vector<1x16xf32> to vector<16xf32>
    %swap3A_255 = vector.shape_cast %select_n3A_249 : vector<16xf32> to vector<1x16xf32>
    tpu.vector_store %arg5[%swap3A_251, %swap3A_252], %swap3A_255 {strides = array<i32>} : memref<8x128xf32, #tpu.memory_space<vmem>>, vector<1x16xf32>,
    %eq3A_256 = arith.constant 6 : i32
    %eq3A_257 = vector.broadcast %eq3A_256 : i32 to vector<16xi32>
    %eq3A_258 = arith.cmpi eq, %select_n3A_77, %eq3A_257 : vector<16xi32>
    %eq3A_259 = arith.constant 6 : i32
    %eq3A_260 = vector.broadcast %eq3A_259 : i32 to vector<16xi32>
    %eq3A_261 = arith.cmpi eq, %select_n3A_152, %eq3A_260 : vector<16xi32>
    %jit3A_262 = arith.constant 0.000000e+00 : f32
    %broadcast_in_dim3A_263 = vector.broadcast %jit3A_262 : f32 to vector<16xf32>
    %select_n3A_264 = arith.select %eq3A_261, %sub3A_160, %broadcast_in_dim3A_263 : vector<16xi1>, vector<16xf32>
    %select_n3A_265 = arith.select %eq3A_258, %div3A_157, %select_n3A_264 : vector<16xi1>, vector<16xf32>
    %swap3A_266 = arith.constant 6 : i32
    %swap3A_267 = arith.index_cast %swap3A_266 : i32 to index
    %swap3A_268 = arith.constant 0 : index
    %swap3A_269 = tpu.vector_load %arg5[%swap3A_267, %swap3A_268] {strides = array<i32>} : memref<8x128xf32, #tpu.memory_space<vmem>>, vector<1x16xf32>,
    %swap3A_270 = vector.shape_cast %swap3A_269 : vector<1x16xf32> to vector<16xf32>
    %swap3A_271 = vector.shape_cast %select_n3A_265 : vector<16xf32> to vector<1x16xf32>
    tpu.vector_store %arg5[%swap3A_267, %swap3A_268], %swap3A_271 {strides = array<i32>} : memref<8x128xf32, #tpu.memory_space<vmem>>, vector<1x16xf32>,
    %eq3A_272 = arith.constant 7 : i32
    %eq3A_273 = vector.broadcast %eq3A_272 : i32 to vector<16xi32>
    %eq3A_274 = arith.cmpi eq, %select_n3A_77, %eq3A_273 : vector<16xi32>
    %eq3A_275 = arith.constant 7 : i32
    %eq3A_276 = vector.broadcast %eq3A_275 : i32 to vector<16xi32>
    %eq3A_277 = arith.cmpi eq, %select_n3A_152, %eq3A_276 : vector<16xi32>
    %jit3A_278 = arith.constant 0.000000e+00 : f32
    %broadcast_in_dim3A_279 = vector.broadcast %jit3A_278 : f32 to vector<16xf32>
    %select_n3A_280 = arith.select %eq3A_277, %sub3A_160, %broadcast_in_dim3A_279 : vector<16xi1>, vector<16xf32>
    %select_n3A_281 = arith.select %eq3A_274, %div3A_157, %select_n3A_280 : vector<16xi1>, vector<16xf32>
    %swap3A_282 = arith.constant 7 : i32
    %swap3A_283 = arith.index_cast %swap3A_282 : i32 to index
    %swap3A_284 = arith.constant 0 : index
    %swap3A_285 = tpu.vector_load %arg5[%swap3A_283, %swap3A_284] {strides = array<i32>} : memref<8x128xf32, #tpu.memory_space<vmem>>, vector<1x16xf32>,
    %swap3A_286 = vector.shape_cast %swap3A_285 : vector<1x16xf32> to vector<16xf32>
    %swap3A_287 = vector.shape_cast %select_n3A_281 : vector<16xf32> to vector<1x16xf32>
    tpu.vector_store %arg5[%swap3A_283, %swap3A_284], %swap3A_287 {strides = array<i32>} : memref<8x128xf32, #tpu.memory_space<vmem>>, vector<1x16xf32>,
    %get3A_288 = arith.constant 0 : i32
    %get3A_289 = arith.index_cast %get3A_288 : i32 to index
    %get3A_290 = arith.constant 16 : index
    %get3A_291 = tpu.vector_load %arg4[%get3A_289, %get3A_290] {strides = array<i32>} : memref<8x128xf32, #tpu.memory_space<vmem>>, vector<1x16xf32>,
    %get3A_292 = vector.shape_cast %get3A_291 : vector<1x16xf32> to vector<16xf32>
    %get3A_293 = arith.constant 1 : i32
    %get3A_294 = arith.index_cast %get3A_293 : i32 to index
    %get3A_295 = arith.constant 16 : index
    %get3A_296 = tpu.vector_load %arg4[%get3A_294, %get3A_295] {strides = array<i32>} : memref<8x128xf32, #tpu.memory_space<vmem>>, vector<1x16xf32>,
    %get3A_297 = vector.shape_cast %get3A_296 : vector<1x16xf32> to vector<16xf32>
    %get3A_298 = arith.constant 2 : i32
    %get3A_299 = arith.index_cast %get3A_298 : i32 to index
    %get3A_300 = arith.constant 16 : index
    %get3A_301 = tpu.vector_load %arg4[%get3A_299, %get3A_300] {strides = array<i32>} : memref<8x128xf32, #tpu.memory_space<vmem>>, vector<1x16xf32>,
    %get3A_302 = vector.shape_cast %get3A_301 : vector<1x16xf32> to vector<16xf32>
    %get3A_303 = arith.constant 3 : i32
    %get3A_304 = arith.index_cast %get3A_303 : i32 to index
    %get3A_305 = arith.constant 16 : index
    %get3A_306 = tpu.vector_load %arg4[%get3A_304, %get3A_305] {strides = array<i32>} : memref<8x128xf32, #tpu.memory_space<vmem>>, vector<1x16xf32>,
    %get3A_307 = vector.shape_cast %get3A_306 : vector<1x16xf32> to vector<16xf32>
    %get3A_308 = arith.constant 4 : i32
    %get3A_309 = arith.index_cast %get3A_308 : i32 to index
    %get3A_310 = arith.constant 16 : index
    %get3A_311 = tpu.vector_load %arg4[%get3A_309, %get3A_310] {strides = array<i32>} : memref<8x128xf32, #tpu.memory_space<vmem>>, vector<1x16xf32>,
    %get3A_312 = vector.shape_cast %get3A_311 : vector<1x16xf32> to vector<16xf32>
    %get3A_313 = arith.constant 5 : i32
    %get3A_314 = arith.index_cast %get3A_313 : i32 to index
    %get3A_315 = arith.constant 16 : index
    %get3A_316 = tpu.vector_load %arg4[%get3A_314, %get3A_315] {strides = array<i32>} : memref<8x128xf32, #tpu.memory_space<vmem>>, vector<1x16xf32>,
    %get3A_317 = vector.shape_cast %get3A_316 : vector<1x16xf32> to vector<16xf32>
    %get3A_318 = arith.constant 6 : i32
    %get3A_319 = arith.index_cast %get3A_318 : i32 to index
    %get3A_320 = arith.constant 16 : index
    %get3A_321 = tpu.vector_load %arg4[%get3A_319, %get3A_320] {strides = array<i32>} : memref<8x128xf32, #tpu.memory_space<vmem>>, vector<1x16xf32>,
    %get3A_322 = vector.shape_cast %get3A_321 : vector<1x16xf32> to vector<16xf32>
    %get3A_323 = arith.constant 7 : i32
    %get3A_324 = arith.index_cast %get3A_323 : i32 to index
    %get3A_325 = arith.constant 16 : index
    %get3A_326 = tpu.vector_load %arg4[%get3A_324, %get3A_325] {strides = array<i32>} : memref<8x128xf32, #tpu.memory_space<vmem>>, vector<1x16xf32>,
    %get3A_327 = vector.shape_cast %get3A_326 : vector<1x16xf32> to vector<16xf32>
    %max3A_328 = arith.maximumf %get3A_292, %get3A_297 : vector<16xf32>
    %max3A_329 = arith.maximumf %max3A_328, %get3A_302 : vector<16xf32>
    %max3A_330 = arith.maximumf %max3A_329, %get3A_307 : vector<16xf32>
    %max3A_331 = arith.maximumf %max3A_330, %get3A_312 : vector<16xf32>
    %max3A_332 = arith.maximumf %max3A_331, %get3A_317 : vector<16xf32>
    %max3A_333 = arith.maximumf %max3A_332, %get3A_322 : vector<16xf32>
    %max3A_334 = arith.maximumf %max3A_333, %get3A_327 : vector<16xf32>
    %broadcast_in_dim3A_335 = arith.constant 0 : i32
    %broadcast_in_dim3A_336 = vector.broadcast %broadcast_in_dim3A_335 : i32 to vector<16xi32>
    %eq3A_337 = arith.cmpf oeq, %get3A_327, %max3A_334 : vector<16xf32>
    %jit3A_338 = arith.constant 7 : i32
    %broadcast_in_dim3A_339 = vector.broadcast %jit3A_338 : i32 to vector<16xi32>
    %select_n3A_340 = arith.select %eq3A_337, %broadcast_in_dim3A_339, %broadcast_in_dim3A_336 : vector<16xi1>, vector<16xi32>
    %eq3A_341 = arith.cmpf oeq, %get3A_322, %max3A_334 : vector<16xf32>
    %jit3A_342 = arith.constant 6 : i32
    %broadcast_in_dim3A_343 = vector.broadcast %jit3A_342 : i32 to vector<16xi32>
    %select_n3A_344 = arith.select %eq3A_341, %broadcast_in_dim3A_343, %select_n3A_340 : vector<16xi1>, vector<16xi32>
    %eq3A_345 = arith.cmpf oeq, %get3A_317, %max3A_334 : vector<16xf32>
    %jit3A_346 = arith.constant 5 : i32
    %broadcast_in_dim3A_347 = vector.broadcast %jit3A_346 : i32 to vector<16xi32>
    %select_n3A_348 = arith.select %eq3A_345, %broadcast_in_dim3A_347, %select_n3A_344 : vector<16xi1>, vector<16xi32>
    %eq3A_349 = arith.cmpf oeq, %get3A_312, %max3A_334 : vector<16xf32>
    %jit3A_350 = arith.constant 4 : i32
    %broadcast_in_dim3A_351 = vector.broadcast %jit3A_350 : i32 to vector<16xi32>
    %select_n3A_352 = arith.select %eq3A_349, %broadcast_in_dim3A_351, %select_n3A_348 : vector<16xi1>, vector<16xi32>
    %eq3A_353 = arith.cmpf oeq, %get3A_307, %max3A_334 : vector<16xf32>
    %jit3A_354 = arith.constant 3 : i32
    %broadcast_in_dim3A_355 = vector.broadcast %jit3A_354 : i32 to vector<16xi32>
    %select_n3A_356 = arith.select %eq3A_353, %broadcast_in_dim3A_355, %select_n3A_352 : vector<16xi1>, vector<16xi32>
    %eq3A_357 = arith.cmpf oeq, %get3A_302, %max3A_334 : vector<16xf32>
    %jit3A_358 = arith.constant 2 : i32
    %broadcast_in_dim3A_359 = vector.broadcast %jit3A_358 : i32 to vector<16xi32>
    %select_n3A_360 = arith.select %eq3A_357, %broadcast_in_dim3A_359, %select_n3A_356 : vector<16xi1>, vector<16xi32>
    %eq3A_361 = arith.cmpf oeq, %get3A_297, %max3A_334 : vector<16xf32>
    %jit3A_362 = arith.constant 1 : i32
    %broadcast_in_dim3A_363 = vector.broadcast %jit3A_362 : i32 to vector<16xi32>
    %select_n3A_364 = arith.select %eq3A_361, %broadcast_in_dim3A_363, %select_n3A_360 : vector<16xi1>, vector<16xi32>
    %eq3A_365 = arith.cmpf oeq, %get3A_292, %max3A_334 : vector<16xf32>
    %jit3A_366 = arith.constant 0 : i32
    %broadcast_in_dim3A_367 = vector.broadcast %jit3A_366 : i32 to vector<16xi32>
    %select_n3A_368 = arith.select %eq3A_365, %broadcast_in_dim3A_367, %select_n3A_364 : vector<16xi1>, vector<16xi32>
    %broadcast_in_dim3A_369 = arith.constant -1.000000e+00 : f32
    %broadcast_in_dim3A_370 = vector.broadcast %broadcast_in_dim3A_369 : f32 to vector<16xf32>
    %eq3A_371 = arith.constant 0 : i32
    %eq3A_372 = vector.broadcast %eq3A_371 : i32 to vector<16xi32>
    %eq3A_373 = arith.cmpi eq, %select_n3A_368, %eq3A_372 : vector<16xi32>
    %select_n3A_374 = arith.select %eq3A_373, %broadcast_in_dim3A_370, %get3A_292 : vector<16xi1>, vector<16xf32>
    %eq3A_375 = arith.constant 1 : i32
    %eq3A_376 = vector.broadcast %eq3A_375 : i32 to vector<16xi32>
    %eq3A_377 = arith.cmpi eq, %select_n3A_368, %eq3A_376 : vector<16xi32>
    %select_n3A_378 = arith.select %eq3A_377, %broadcast_in_dim3A_370, %get3A_297 : vector<16xi1>, vector<16xf32>
    %eq3A_379 = arith.constant 2 : i32
    %eq3A_380 = vector.broadcast %eq3A_379 : i32 to vector<16xi32>
    %eq3A_381 = arith.cmpi eq, %select_n3A_368, %eq3A_380 : vector<16xi32>
    %select_n3A_382 = arith.select %eq3A_381, %broadcast_in_dim3A_370, %get3A_302 : vector<16xi1>, vector<16xf32>
    %eq3A_383 = arith.constant 3 : i32
    %eq3A_384 = vector.broadcast %eq3A_383 : i32 to vector<16xi32>
    %eq3A_385 = arith.cmpi eq, %select_n3A_368, %eq3A_384 : vector<16xi32>
    %select_n3A_386 = arith.select %eq3A_385, %broadcast_in_dim3A_370, %get3A_307 : vector<16xi1>, vector<16xf32>
    %eq3A_387 = arith.constant 4 : i32
    %eq3A_388 = vector.broadcast %eq3A_387 : i32 to vector<16xi32>
    %eq3A_389 = arith.cmpi eq, %select_n3A_368, %eq3A_388 : vector<16xi32>
    %select_n3A_390 = arith.select %eq3A_389, %broadcast_in_dim3A_370, %get3A_312 : vector<16xi1>, vector<16xf32>
    %eq3A_391 = arith.constant 5 : i32
    %eq3A_392 = vector.broadcast %eq3A_391 : i32 to vector<16xi32>
    %eq3A_393 = arith.cmpi eq, %select_n3A_368, %eq3A_392 : vector<16xi32>
    %select_n3A_394 = arith.select %eq3A_393, %broadcast_in_dim3A_370, %get3A_317 : vector<16xi1>, vector<16xf32>
    %eq3A_395 = arith.constant 6 : i32
    %eq3A_396 = vector.broadcast %eq3A_395 : i32 to vector<16xi32>
    %eq3A_397 = arith.cmpi eq, %select_n3A_368, %eq3A_396 : vector<16xi32>
    %select_n3A_398 = arith.select %eq3A_397, %broadcast_in_dim3A_370, %get3A_322 : vector<16xi1>, vector<16xf32>
    %eq3A_399 = arith.constant 7 : i32
    %eq3A_400 = vector.broadcast %eq3A_399 : i32 to vector<16xi32>
    %eq3A_401 = arith.cmpi eq, %select_n3A_368, %eq3A_400 : vector<16xi32>
    %select_n3A_402 = arith.select %eq3A_401, %broadcast_in_dim3A_370, %get3A_327 : vector<16xi1>, vector<16xf32>
    %max3A_403 = arith.maximumf %select_n3A_374, %select_n3A_378 : vector<16xf32>
    %max3A_404 = arith.maximumf %max3A_403, %select_n3A_382 : vector<16xf32>
    %max3A_405 = arith.maximumf %max3A_404, %select_n3A_386 : vector<16xf32>
    %max3A_406 = arith.maximumf %max3A_405, %select_n3A_390 : vector<16xf32>
    %max3A_407 = arith.maximumf %max3A_406, %select_n3A_394 : vector<16xf32>
    %max3A_408 = arith.maximumf %max3A_407, %select_n3A_398 : vector<16xf32>
    %max3A_409 = arith.maximumf %max3A_408, %select_n3A_402 : vector<16xf32>
    %broadcast_in_dim3A_410 = arith.constant 0 : i32
    %broadcast_in_dim3A_411 = vector.broadcast %broadcast_in_dim3A_410 : i32 to vector<16xi32>
    %eq3A_412 = arith.cmpf oeq, %select_n3A_402, %max3A_409 : vector<16xf32>
    %jit3A_413 = arith.constant 7 : i32
    %broadcast_in_dim3A_414 = vector.broadcast %jit3A_413 : i32 to vector<16xi32>
    %select_n3A_415 = arith.select %eq3A_412, %broadcast_in_dim3A_414, %broadcast_in_dim3A_411 : vector<16xi1>, vector<16xi32>
    %eq3A_416 = arith.cmpf oeq, %select_n3A_398, %max3A_409 : vector<16xf32>
    %jit3A_417 = arith.constant 6 : i32
    %broadcast_in_dim3A_418 = vector.broadcast %jit3A_417 : i32 to vector<16xi32>
    %select_n3A_419 = arith.select %eq3A_416, %broadcast_in_dim3A_418, %select_n3A_415 : vector<16xi1>, vector<16xi32>
    %eq3A_420 = arith.cmpf oeq, %select_n3A_394, %max3A_409 : vector<16xf32>
    %jit3A_421 = arith.constant 5 : i32
    %broadcast_in_dim3A_422 = vector.broadcast %jit3A_421 : i32 to vector<16xi32>
    %select_n3A_423 = arith.select %eq3A_420, %broadcast_in_dim3A_422, %select_n3A_419 : vector<16xi1>, vector<16xi32>
    %eq3A_424 = arith.cmpf oeq, %select_n3A_390, %max3A_409 : vector<16xf32>
    %jit3A_425 = arith.constant 4 : i32
    %broadcast_in_dim3A_426 = vector.broadcast %jit3A_425 : i32 to vector<16xi32>
    %select_n3A_427 = arith.select %eq3A_424, %broadcast_in_dim3A_426, %select_n3A_423 : vector<16xi1>, vector<16xi32>
    %eq3A_428 = arith.cmpf oeq, %select_n3A_386, %max3A_409 : vector<16xf32>
    %jit3A_429 = arith.constant 3 : i32
    %broadcast_in_dim3A_430 = vector.broadcast %jit3A_429 : i32 to vector<16xi32>
    %select_n3A_431 = arith.select %eq3A_428, %broadcast_in_dim3A_430, %select_n3A_427 : vector<16xi1>, vector<16xi32>
    %eq3A_432 = arith.cmpf oeq, %select_n3A_382, %max3A_409 : vector<16xf32>
    %jit3A_433 = arith.constant 2 : i32
    %broadcast_in_dim3A_434 = vector.broadcast %jit3A_433 : i32 to vector<16xi32>
    %select_n3A_435 = arith.select %eq3A_432, %broadcast_in_dim3A_434, %select_n3A_431 : vector<16xi1>, vector<16xi32>
    %eq3A_436 = arith.cmpf oeq, %select_n3A_378, %max3A_409 : vector<16xf32>
    %jit3A_437 = arith.constant 1 : i32
    %broadcast_in_dim3A_438 = vector.broadcast %jit3A_437 : i32 to vector<16xi32>
    %select_n3A_439 = arith.select %eq3A_436, %broadcast_in_dim3A_438, %select_n3A_435 : vector<16xi1>, vector<16xi32>
    %eq3A_440 = arith.cmpf oeq, %select_n3A_374, %max3A_409 : vector<16xf32>
    %jit3A_441 = arith.constant 0 : i32
    %broadcast_in_dim3A_442 = vector.broadcast %jit3A_441 : i32 to vector<16xi32>
    %select_n3A_443 = arith.select %eq3A_440, %broadcast_in_dim3A_442, %select_n3A_439 : vector<16xi1>, vector<16xi32>
    %sub3A_444 = arith.subf %max3A_409, %max3A_334 : vector<16xf32>
    %exp3A_445 = math.exp %sub3A_444 : vector<16xf32>
    %add3A_446 = arith.constant 1.000000e+00 : f32
    %add3A_447 = vector.broadcast %add3A_446 : f32 to vector<16xf32>
    %add3A_448 = arith.addf %add3A_447, %exp3A_445 : vector<16xf32>
    %div3A_449 = arith.constant 1.000000e+00 : f32
    %div3A_450 = vector.broadcast %div3A_449 : f32 to vector<16xf32>
    %div3A_451 = arith.divf %div3A_450, %add3A_448 : vector<16xf32>
    %sub3A_452 = arith.constant 1.000000e+00 : f32
    %sub3A_453 = vector.broadcast %sub3A_452 : f32 to vector<16xf32>
    %sub3A_454 = arith.subf %sub3A_453, %div3A_451 : vector<16xf32>
    %eq3A_455 = arith.constant 0 : i32
    %eq3A_456 = vector.broadcast %eq3A_455 : i32 to vector<16xi32>
    %eq3A_457 = arith.cmpi eq, %select_n3A_368, %eq3A_456 : vector<16xi32>
    %eq3A_458 = arith.constant 0 : i32
    %eq3A_459 = vector.broadcast %eq3A_458 : i32 to vector<16xi32>
    %eq3A_460 = arith.cmpi eq, %select_n3A_443, %eq3A_459 : vector<16xi32>
    %jit3A_461 = arith.constant 0.000000e+00 : f32
    %broadcast_in_dim3A_462 = vector.broadcast %jit3A_461 : f32 to vector<16xf32>
    %select_n3A_463 = arith.select %eq3A_460, %sub3A_454, %broadcast_in_dim3A_462 : vector<16xi1>, vector<16xf32>
    %select_n3A_464 = arith.select %eq3A_457, %div3A_451, %select_n3A_463 : vector<16xi1>, vector<16xf32>
    %swap3A_465 = arith.constant 0 : i32
    %swap3A_466 = arith.index_cast %swap3A_465 : i32 to index
    %swap3A_467 = arith.constant 16 : index
    %swap3A_468 = tpu.vector_load %arg5[%swap3A_466, %swap3A_467] {strides = array<i32>} : memref<8x128xf32, #tpu.memory_space<vmem>>, vector<1x16xf32>,
    %swap3A_469 = vector.shape_cast %swap3A_468 : vector<1x16xf32> to vector<16xf32>
    %swap3A_470 = vector.shape_cast %select_n3A_464 : vector<16xf32> to vector<1x16xf32>
    tpu.vector_store %arg5[%swap3A_466, %swap3A_467], %swap3A_470 {strides = array<i32>} : memref<8x128xf32, #tpu.memory_space<vmem>>, vector<1x16xf32>,
    %eq3A_471 = arith.constant 1 : i32
    %eq3A_472 = vector.broadcast %eq3A_471 : i32 to vector<16xi32>
    %eq3A_473 = arith.cmpi eq, %select_n3A_368, %eq3A_472 : vector<16xi32>
    %eq3A_474 = arith.constant 1 : i32
    %eq3A_475 = vector.broadcast %eq3A_474 : i32 to vector<16xi32>
    %eq3A_476 = arith.cmpi eq, %select_n3A_443, %eq3A_475 : vector<16xi32>
    %jit3A_477 = arith.constant 0.000000e+00 : f32
    %broadcast_in_dim3A_478 = vector.broadcast %jit3A_477 : f32 to vector<16xf32>
    %select_n3A_479 = arith.select %eq3A_476, %sub3A_454, %broadcast_in_dim3A_478 : vector<16xi1>, vector<16xf32>
    %select_n3A_480 = arith.select %eq3A_473, %div3A_451, %select_n3A_479 : vector<16xi1>, vector<16xf32>
    %swap3A_481 = arith.constant 1 : i32
    %swap3A_482 = arith.index_cast %swap3A_481 : i32 to index
    %swap3A_483 = arith.constant 16 : index
    %swap3A_484 = tpu.vector_load %arg5[%swap3A_482, %swap3A_483] {strides = array<i32>} : memref<8x128xf32, #tpu.memory_space<vmem>>, vector<1x16xf32>,
    %swap3A_485 = vector.shape_cast %swap3A_484 : vector<1x16xf32> to vector<16xf32>
    %swap3A_486 = vector.shape_cast %select_n3A_480 : vector<16xf32> to vector<1x16xf32>
    tpu.vector_store %arg5[%swap3A_482, %swap3A_483], %swap3A_486 {strides = array<i32>} : memref<8x128xf32, #tpu.memory_space<vmem>>, vector<1x16xf32>,
    %eq3A_487 = arith.constant 2 : i32
    %eq3A_488 = vector.broadcast %eq3A_487 : i32 to vector<16xi32>
    %eq3A_489 = arith.cmpi eq, %select_n3A_368, %eq3A_488 : vector<16xi32>
    %eq3A_490 = arith.constant 2 : i32
    %eq3A_491 = vector.broadcast %eq3A_490 : i32 to vector<16xi32>
    %eq3A_492 = arith.cmpi eq, %select_n3A_443, %eq3A_491 : vector<16xi32>
    %jit3A_493 = arith.constant 0.000000e+00 : f32
    %broadcast_in_dim3A_494 = vector.broadcast %jit3A_493 : f32 to vector<16xf32>
    %select_n3A_495 = arith.select %eq3A_492, %sub3A_454, %broadcast_in_dim3A_494 : vector<16xi1>, vector<16xf32>
    %select_n3A_496 = arith.select %eq3A_489, %div3A_451, %select_n3A_495 : vector<16xi1>, vector<16xf32>
    %swap3A_497 = arith.constant 2 : i32
    %swap3A_498 = arith.index_cast %swap3A_497 : i32 to index
    %swap3A_499 = arith.constant 16 : index
    %swap3A_500 = tpu.vector_load %arg5[%swap3A_498, %swap3A_499] {strides = array<i32>} : memref<8x128xf32, #tpu.memory_space<vmem>>, vector<1x16xf32>,
    %swap3A_501 = vector.shape_cast %swap3A_500 : vector<1x16xf32> to vector<16xf32>
    %swap3A_502 = vector.shape_cast %select_n3A_496 : vector<16xf32> to vector<1x16xf32>
    tpu.vector_store %arg5[%swap3A_498, %swap3A_499], %swap3A_502 {strides = array<i32>} : memref<8x128xf32, #tpu.memory_space<vmem>>, vector<1x16xf32>,
    %eq3A_503 = arith.constant 3 : i32
    %eq3A_504 = vector.broadcast %eq3A_503 : i32 to vector<16xi32>
    %eq3A_505 = arith.cmpi eq, %select_n3A_368, %eq3A_504 : vector<16xi32>
    %eq3A_506 = arith.constant 3 : i32
    %eq3A_507 = vector.broadcast %eq3A_506 : i32 to vector<16xi32>
    %eq3A_508 = arith.cmpi eq, %select_n3A_443, %eq3A_507 : vector<16xi32>
    %jit3A_509 = arith.constant 0.000000e+00 : f32
    %broadcast_in_dim3A_510 = vector.broadcast %jit3A_509 : f32 to vector<16xf32>
    %select_n3A_511 = arith.select %eq3A_508, %sub3A_454, %broadcast_in_dim3A_510 : vector<16xi1>, vector<16xf32>
    %select_n3A_512 = arith.select %eq3A_505, %div3A_451, %select_n3A_511 : vector<16xi1>, vector<16xf32>
    %swap3A_513 = arith.constant 3 : i32
    %swap3A_514 = arith.index_cast %swap3A_513 : i32 to index
    %swap3A_515 = arith.constant 16 : index
    %swap3A_516 = tpu.vector_load %arg5[%swap3A_514, %swap3A_515] {strides = array<i32>} : memref<8x128xf32, #tpu.memory_space<vmem>>, vector<1x16xf32>,
    %swap3A_517 = vector.shape_cast %swap3A_516 : vector<1x16xf32> to vector<16xf32>
    %swap3A_518 = vector.shape_cast %select_n3A_512 : vector<16xf32> to vector<1x16xf32>
    tpu.vector_store %arg5[%swap3A_514, %swap3A_515], %swap3A_518 {strides = array<i32>} : memref<8x128xf32, #tpu.memory_space<vmem>>, vector<1x16xf32>,
    %eq3A_519 = arith.constant 4 : i32
    %eq3A_520 = vector.broadcast %eq3A_519 : i32 to vector<16xi32>
    %eq3A_521 = arith.cmpi eq, %select_n3A_368, %eq3A_520 : vector<16xi32>
    %eq3A_522 = arith.constant 4 : i32
    %eq3A_523 = vector.broadcast %eq3A_522 : i32 to vector<16xi32>
    %eq3A_524 = arith.cmpi eq, %select_n3A_443, %eq3A_523 : vector<16xi32>
    %jit3A_525 = arith.constant 0.000000e+00 : f32
    %broadcast_in_dim3A_526 = vector.broadcast %jit3A_525 : f32 to vector<16xf32>
    %select_n3A_527 = arith.select %eq3A_524, %sub3A_454, %broadcast_in_dim3A_526 : vector<16xi1>, vector<16xf32>
    %select_n3A_528 = arith.select %eq3A_521, %div3A_451, %select_n3A_527 : vector<16xi1>, vector<16xf32>
    %swap3A_529 = arith.constant 4 : i32
    %swap3A_530 = arith.index_cast %swap3A_529 : i32 to index
    %swap3A_531 = arith.constant 16 : index
    %swap3A_532 = tpu.vector_load %arg5[%swap3A_530, %swap3A_531] {strides = array<i32>} : memref<8x128xf32, #tpu.memory_space<vmem>>, vector<1x16xf32>,
    %swap3A_533 = vector.shape_cast %swap3A_532 : vector<1x16xf32> to vector<16xf32>
    %swap3A_534 = vector.shape_cast %select_n3A_528 : vector<16xf32> to vector<1x16xf32>
    tpu.vector_store %arg5[%swap3A_530, %swap3A_531], %swap3A_534 {strides = array<i32>} : memref<8x128xf32, #tpu.memory_space<vmem>>, vector<1x16xf32>,
    %eq3A_535 = arith.constant 5 : i32
    %eq3A_536 = vector.broadcast %eq3A_535 : i32 to vector<16xi32>
    %eq3A_537 = arith.cmpi eq, %select_n3A_368, %eq3A_536 : vector<16xi32>
    %eq3A_538 = arith.constant 5 : i32
    %eq3A_539 = vector.broadcast %eq3A_538 : i32 to vector<16xi32>
    %eq3A_540 = arith.cmpi eq, %select_n3A_443, %eq3A_539 : vector<16xi32>
    %jit3A_541 = arith.constant 0.000000e+00 : f32
    %broadcast_in_dim3A_542 = vector.broadcast %jit3A_541 : f32 to vector<16xf32>
    %select_n3A_543 = arith.select %eq3A_540, %sub3A_454, %broadcast_in_dim3A_542 : vector<16xi1>, vector<16xf32>
    %select_n3A_544 = arith.select %eq3A_537, %div3A_451, %select_n3A_543 : vector<16xi1>, vector<16xf32>
    %swap3A_545 = arith.constant 5 : i32
    %swap3A_546 = arith.index_cast %swap3A_545 : i32 to index
    %swap3A_547 = arith.constant 16 : index
    %swap3A_548 = tpu.vector_load %arg5[%swap3A_546, %swap3A_547] {strides = array<i32>} : memref<8x128xf32, #tpu.memory_space<vmem>>, vector<1x16xf32>,
    %swap3A_549 = vector.shape_cast %swap3A_548 : vector<1x16xf32> to vector<16xf32>
    %swap3A_550 = vector.shape_cast %select_n3A_544 : vector<16xf32> to vector<1x16xf32>
    tpu.vector_store %arg5[%swap3A_546, %swap3A_547], %swap3A_550 {strides = array<i32>} : memref<8x128xf32, #tpu.memory_space<vmem>>, vector<1x16xf32>,
    %eq3A_551 = arith.constant 6 : i32
    %eq3A_552 = vector.broadcast %eq3A_551 : i32 to vector<16xi32>
    %eq3A_553 = arith.cmpi eq, %select_n3A_368, %eq3A_552 : vector<16xi32>
    %eq3A_554 = arith.constant 6 : i32
    %eq3A_555 = vector.broadcast %eq3A_554 : i32 to vector<16xi32>
    %eq3A_556 = arith.cmpi eq, %select_n3A_443, %eq3A_555 : vector<16xi32>
    %jit3A_557 = arith.constant 0.000000e+00 : f32
    %broadcast_in_dim3A_558 = vector.broadcast %jit3A_557 : f32 to vector<16xf32>
    %select_n3A_559 = arith.select %eq3A_556, %sub3A_454, %broadcast_in_dim3A_558 : vector<16xi1>, vector<16xf32>
    %select_n3A_560 = arith.select %eq3A_553, %div3A_451, %select_n3A_559 : vector<16xi1>, vector<16xf32>
    %swap3A_561 = arith.constant 6 : i32
    %swap3A_562 = arith.index_cast %swap3A_561 : i32 to index
    %swap3A_563 = arith.constant 16 : index
    %swap3A_564 = tpu.vector_load %arg5[%swap3A_562, %swap3A_563] {strides = array<i32>} : memref<8x128xf32, #tpu.memory_space<vmem>>, vector<1x16xf32>,
    %swap3A_565 = vector.shape_cast %swap3A_564 : vector<1x16xf32> to vector<16xf32>
    %swap3A_566 = vector.shape_cast %select_n3A_560 : vector<16xf32> to vector<1x16xf32>
    tpu.vector_store %arg5[%swap3A_562, %swap3A_563], %swap3A_566 {strides = array<i32>} : memref<8x128xf32, #tpu.memory_space<vmem>>, vector<1x16xf32>,
    %eq3A_567 = arith.constant 7 : i32
    %eq3A_568 = vector.broadcast %eq3A_567 : i32 to vector<16xi32>
    %eq3A_569 = arith.cmpi eq, %select_n3A_368, %eq3A_568 : vector<16xi32>
    %eq3A_570 = arith.constant 7 : i32
    %eq3A_571 = vector.broadcast %eq3A_570 : i32 to vector<16xi32>
    %eq3A_572 = arith.cmpi eq, %select_n3A_443, %eq3A_571 : vector<16xi32>
    %jit3A_573 = arith.constant 0.000000e+00 : f32
    %broadcast_in_dim3A_574 = vector.broadcast %jit3A_573 : f32 to vector<16xf32>
    %select_n3A_575 = arith.select %eq3A_572, %sub3A_454, %broadcast_in_dim3A_574 : vector<16xi1>, vector<16xf32>
    %select_n3A_576 = arith.select %eq3A_569, %div3A_451, %select_n3A_575 : vector<16xi1>, vector<16xf32>
    %swap3A_577 = arith.constant 7 : i32
    %swap3A_578 = arith.index_cast %swap3A_577 : i32 to index
    %swap3A_579 = arith.constant 16 : index
    %swap3A_580 = tpu.vector_load %arg5[%swap3A_578, %swap3A_579] {strides = array<i32>} : memref<8x128xf32, #tpu.memory_space<vmem>>, vector<1x16xf32>,
    %swap3A_581 = vector.shape_cast %swap3A_580 : vector<1x16xf32> to vector<16xf32>
    %swap3A_582 = vector.shape_cast %select_n3A_576 : vector<16xf32> to vector<1x16xf32>
    tpu.vector_store %arg5[%swap3A_578, %swap3A_579], %swap3A_582 {strides = array<i32>} : memref<8x128xf32, #tpu.memory_space<vmem>>, vector<1x16xf32>,
    %get3A_583 = arith.constant 0 : i32
    %get3A_584 = arith.index_cast %get3A_583 : i32 to index
    %get3A_585 = arith.constant 32 : index
    %get3A_586 = tpu.vector_load %arg4[%get3A_584, %get3A_585] {strides = array<i32>} : memref<8x128xf32, #tpu.memory_space<vmem>>, vector<1x16xf32>,
    %get3A_587 = vector.shape_cast %get3A_586 : vector<1x16xf32> to vector<16xf32>
    %get3A_588 = arith.constant 1 : i32
    %get3A_589 = arith.index_cast %get3A_588 : i32 to index
    %get3A_590 = arith.constant 32 : index
    %get3A_591 = tpu.vector_load %arg4[%get3A_589, %get3A_590] {strides = array<i32>} : memref<8x128xf32, #tpu.memory_space<vmem>>, vector<1x16xf32>,
    %get3A_592 = vector.shape_cast %get3A_591 : vector<1x16xf32> to vector<16xf32>
    %get3A_593 = arith.constant 2 : i32
    %get3A_594 = arith.index_cast %get3A_593 : i32 to index
    %get3A_595 = arith.constant 32 : index
    %get3A_596 = tpu.vector_load %arg4[%get3A_594, %get3A_595] {strides = array<i32>} : memref<8x128xf32, #tpu.memory_space<vmem>>, vector<1x16xf32>,
    %get3A_597 = vector.shape_cast %get3A_596 : vector<1x16xf32> to vector<16xf32>
    %get3A_598 = arith.constant 3 : i32
    %get3A_599 = arith.index_cast %get3A_598 : i32 to index
    %get3A_600 = arith.constant 32 : index
    %get3A_601 = tpu.vector_load %arg4[%get3A_599, %get3A_600] {strides = array<i32>} : memref<8x128xf32, #tpu.memory_space<vmem>>, vector<1x16xf32>,
    %get3A_602 = vector.shape_cast %get3A_601 : vector<1x16xf32> to vector<16xf32>
    %get3A_603 = arith.constant 4 : i32
    %get3A_604 = arith.index_cast %get3A_603 : i32 to index
    %get3A_605 = arith.constant 32 : index
    %get3A_606 = tpu.vector_load %arg4[%get3A_604, %get3A_605] {strides = array<i32>} : memref<8x128xf32, #tpu.memory_space<vmem>>, vector<1x16xf32>,
    %get3A_607 = vector.shape_cast %get3A_606 : vector<1x16xf32> to vector<16xf32>
    %get3A_608 = arith.constant 5 : i32
    %get3A_609 = arith.index_cast %get3A_608 : i32 to index
    %get3A_610 = arith.constant 32 : index
    %get3A_611 = tpu.vector_load %arg4[%get3A_609, %get3A_610] {strides = array<i32>} : memref<8x128xf32, #tpu.memory_space<vmem>>, vector<1x16xf32>,
    %get3A_612 = vector.shape_cast %get3A_611 : vector<1x16xf32> to vector<16xf32>
    %get3A_613 = arith.constant 6 : i32
    %get3A_614 = arith.index_cast %get3A_613 : i32 to index
    %get3A_615 = arith.constant 32 : index
    %get3A_616 = tpu.vector_load %arg4[%get3A_614, %get3A_615] {strides = array<i32>} : memref<8x128xf32, #tpu.memory_space<vmem>>, vector<1x16xf32>,
    %get3A_617 = vector.shape_cast %get3A_616 : vector<1x16xf32> to vector<16xf32>
    %get3A_618 = arith.constant 7 : i32
    %get3A_619 = arith.index_cast %get3A_618 : i32 to index
    %get3A_620 = arith.constant 32 : index
    %get3A_621 = tpu.vector_load %arg4[%get3A_619, %get3A_620] {strides = array<i32>} : memref<8x128xf32, #tpu.memory_space<vmem>>, vector<1x16xf32>,
    %get3A_622 = vector.shape_cast %get3A_621 : vector<1x16xf32> to vector<16xf32>
    %max3A_623 = arith.maximumf %get3A_587, %get3A_592 : vector<16xf32>
    %max3A_624 = arith.maximumf %max3A_623, %get3A_597 : vector<16xf32>
    %max3A_625 = arith.maximumf %max3A_624, %get3A_602 : vector<16xf32>
    %max3A_626 = arith.maximumf %max3A_625, %get3A_607 : vector<16xf32>
    %max3A_627 = arith.maximumf %max3A_626, %get3A_612 : vector<16xf32>
    %max3A_628 = arith.maximumf %max3A_627, %get3A_617 : vector<16xf32>
    %max3A_629 = arith.maximumf %max3A_628, %get3A_622 : vector<16xf32>
    %broadcast_in_dim3A_630 = arith.constant 0 : i32
    %broadcast_in_dim3A_631 = vector.broadcast %broadcast_in_dim3A_630 : i32 to vector<16xi32>
    %eq3A_632 = arith.cmpf oeq, %get3A_622, %max3A_629 : vector<16xf32>
    %jit3A_633 = arith.constant 7 : i32
    %broadcast_in_dim3A_634 = vector.broadcast %jit3A_633 : i32 to vector<16xi32>
    %select_n3A_635 = arith.select %eq3A_632, %broadcast_in_dim3A_634, %broadcast_in_dim3A_631 : vector<16xi1>, vector<16xi32>
    %eq3A_636 = arith.cmpf oeq, %get3A_617, %max3A_629 : vector<16xf32>
    %jit3A_637 = arith.constant 6 : i32
    %broadcast_in_dim3A_638 = vector.broadcast %jit3A_637 : i32 to vector<16xi32>
    %select_n3A_639 = arith.select %eq3A_636, %broadcast_in_dim3A_638, %select_n3A_635 : vector<16xi1>, vector<16xi32>
    %eq3A_640 = arith.cmpf oeq, %get3A_612, %max3A_629 : vector<16xf32>
    %jit3A_641 = arith.constant 5 : i32
    %broadcast_in_dim3A_642 = vector.broadcast %jit3A_641 : i32 to vector<16xi32>
    %select_n3A_643 = arith.select %eq3A_640, %broadcast_in_dim3A_642, %select_n3A_639 : vector<16xi1>, vector<16xi32>
    %eq3A_644 = arith.cmpf oeq, %get3A_607, %max3A_629 : vector<16xf32>
    %jit3A_645 = arith.constant 4 : i32
    %broadcast_in_dim3A_646 = vector.broadcast %jit3A_645 : i32 to vector<16xi32>
    %select_n3A_647 = arith.select %eq3A_644, %broadcast_in_dim3A_646, %select_n3A_643 : vector<16xi1>, vector<16xi32>
    %eq3A_648 = arith.cmpf oeq, %get3A_602, %max3A_629 : vector<16xf32>
    %jit3A_649 = arith.constant 3 : i32
    %broadcast_in_dim3A_650 = vector.broadcast %jit3A_649 : i32 to vector<16xi32>
    %select_n3A_651 = arith.select %eq3A_648, %broadcast_in_dim3A_650, %select_n3A_647 : vector<16xi1>, vector<16xi32>
    %eq3A_652 = arith.cmpf oeq, %get3A_597, %max3A_629 : vector<16xf32>
    %jit3A_653 = arith.constant 2 : i32
    %broadcast_in_dim3A_654 = vector.broadcast %jit3A_653 : i32 to vector<16xi32>
    %select_n3A_655 = arith.select %eq3A_652, %broadcast_in_dim3A_654, %select_n3A_651 : vector<16xi1>, vector<16xi32>
    %eq3A_656 = arith.cmpf oeq, %get3A_592, %max3A_629 : vector<16xf32>
    %jit3A_657 = arith.constant 1 : i32
    %broadcast_in_dim3A_658 = vector.broadcast %jit3A_657 : i32 to vector<16xi32>
    %select_n3A_659 = arith.select %eq3A_656, %broadcast_in_dim3A_658, %select_n3A_655 : vector<16xi1>, vector<16xi32>
    %eq3A_660 = arith.cmpf oeq, %get3A_587, %max3A_629 : vector<16xf32>
    %jit3A_661 = arith.constant 0 : i32
    %broadcast_in_dim3A_662 = vector.broadcast %jit3A_661 : i32 to vector<16xi32>
    %select_n3A_663 = arith.select %eq3A_660, %broadcast_in_dim3A_662, %select_n3A_659 : vector<16xi1>, vector<16xi32>
    %broadcast_in_dim3A_664 = arith.constant -1.000000e+00 : f32
    %broadcast_in_dim3A_665 = vector.broadcast %broadcast_in_dim3A_664 : f32 to vector<16xf32>
    %eq3A_666 = arith.constant 0 : i32
    %eq3A_667 = vector.broadcast %eq3A_666 : i32 to vector<16xi32>
    %eq3A_668 = arith.cmpi eq, %select_n3A_663, %eq3A_667 : vector<16xi32>
    %select_n3A_669 = arith.select %eq3A_668, %broadcast_in_dim3A_665, %get3A_587 : vector<16xi1>, vector<16xf32>
    %eq3A_670 = arith.constant 1 : i32
    %eq3A_671 = vector.broadcast %eq3A_670 : i32 to vector<16xi32>
    %eq3A_672 = arith.cmpi eq, %select_n3A_663, %eq3A_671 : vector<16xi32>
    %select_n3A_673 = arith.select %eq3A_672, %broadcast_in_dim3A_665, %get3A_592 : vector<16xi1>, vector<16xf32>
    %eq3A_674 = arith.constant 2 : i32
    %eq3A_675 = vector.broadcast %eq3A_674 : i32 to vector<16xi32>
    %eq3A_676 = arith.cmpi eq, %select_n3A_663, %eq3A_675 : vector<16xi32>
    %select_n3A_677 = arith.select %eq3A_676, %broadcast_in_dim3A_665, %get3A_597 : vector<16xi1>, vector<16xf32>
    %eq3A_678 = arith.constant 3 : i32
    %eq3A_679 = vector.broadcast %eq3A_678 : i32 to vector<16xi32>
    %eq3A_680 = arith.cmpi eq, %select_n3A_663, %eq3A_679 : vector<16xi32>
    %select_n3A_681 = arith.select %eq3A_680, %broadcast_in_dim3A_665, %get3A_602 : vector<16xi1>, vector<16xf32>
    %eq3A_682 = arith.constant 4 : i32
    %eq3A_683 = vector.broadcast %eq3A_682 : i32 to vector<16xi32>
    %eq3A_684 = arith.cmpi eq, %select_n3A_663, %eq3A_683 : vector<16xi32>
    %select_n3A_685 = arith.select %eq3A_684, %broadcast_in_dim3A_665, %get3A_607 : vector<16xi1>, vector<16xf32>
    %eq3A_686 = arith.constant 5 : i32
    %eq3A_687 = vector.broadcast %eq3A_686 : i32 to vector<16xi32>
    %eq3A_688 = arith.cmpi eq, %select_n3A_663, %eq3A_687 : vector<16xi32>
    %select_n3A_689 = arith.select %eq3A_688, %broadcast_in_dim3A_665, %get3A_612 : vector<16xi1>, vector<16xf32>
    %eq3A_690 = arith.constant 6 : i32
    %eq3A_691 = vector.broadcast %eq3A_690 : i32 to vector<16xi32>
    %eq3A_692 = arith.cmpi eq, %select_n3A_663, %eq3A_691 : vector<16xi32>
    %select_n3A_693 = arith.select %eq3A_692, %broadcast_in_dim3A_665, %get3A_617 : vector<16xi1>, vector<16xf32>
    %eq3A_694 = arith.constant 7 : i32
    %eq3A_695 = vector.broadcast %eq3A_694 : i32 to vector<16xi32>
    %eq3A_696 = arith.cmpi eq, %select_n3A_663, %eq3A_695 : vector<16xi32>
    %select_n3A_697 = arith.select %eq3A_696, %broadcast_in_dim3A_665, %get3A_622 : vector<16xi1>, vector<16xf32>
    %max3A_698 = arith.maximumf %select_n3A_669, %select_n3A_673 : vector<16xf32>
    %max3A_699 = arith.maximumf %max3A_698, %select_n3A_677 : vector<16xf32>
    %max3A_700 = arith.maximumf %max3A_699, %select_n3A_681 : vector<16xf32>
    %max3A_701 = arith.maximumf %max3A_700, %select_n3A_685 : vector<16xf32>
    %max3A_702 = arith.maximumf %max3A_701, %select_n3A_689 : vector<16xf32>
    %max3A_703 = arith.maximumf %max3A_702, %select_n3A_693 : vector<16xf32>
    %max3A_704 = arith.maximumf %max3A_703, %select_n3A_697 : vector<16xf32>
    %broadcast_in_dim3A_705 = arith.constant 0 : i32
    %broadcast_in_dim3A_706 = vector.broadcast %broadcast_in_dim3A_705 : i32 to vector<16xi32>
    %eq3A_707 = arith.cmpf oeq, %select_n3A_697, %max3A_704 : vector<16xf32>
    %jit3A_708 = arith.constant 7 : i32
    %broadcast_in_dim3A_709 = vector.broadcast %jit3A_708 : i32 to vector<16xi32>
    %select_n3A_710 = arith.select %eq3A_707, %broadcast_in_dim3A_709, %broadcast_in_dim3A_706 : vector<16xi1>, vector<16xi32>
    %eq3A_711 = arith.cmpf oeq, %select_n3A_693, %max3A_704 : vector<16xf32>
    %jit3A_712 = arith.constant 6 : i32
    %broadcast_in_dim3A_713 = vector.broadcast %jit3A_712 : i32 to vector<16xi32>
    %select_n3A_714 = arith.select %eq3A_711, %broadcast_in_dim3A_713, %select_n3A_710 : vector<16xi1>, vector<16xi32>
    %eq3A_715 = arith.cmpf oeq, %select_n3A_689, %max3A_704 : vector<16xf32>
    %jit3A_716 = arith.constant 5 : i32
    %broadcast_in_dim3A_717 = vector.broadcast %jit3A_716 : i32 to vector<16xi32>
    %select_n3A_718 = arith.select %eq3A_715, %broadcast_in_dim3A_717, %select_n3A_714 : vector<16xi1>, vector<16xi32>
    %eq3A_719 = arith.cmpf oeq, %select_n3A_685, %max3A_704 : vector<16xf32>
    %jit3A_720 = arith.constant 4 : i32
    %broadcast_in_dim3A_721 = vector.broadcast %jit3A_720 : i32 to vector<16xi32>
    %select_n3A_722 = arith.select %eq3A_719, %broadcast_in_dim3A_721, %select_n3A_718 : vector<16xi1>, vector<16xi32>
    %eq3A_723 = arith.cmpf oeq, %select_n3A_681, %max3A_704 : vector<16xf32>
    %jit3A_724 = arith.constant 3 : i32
    %broadcast_in_dim3A_725 = vector.broadcast %jit3A_724 : i32 to vector<16xi32>
    %select_n3A_726 = arith.select %eq3A_723, %broadcast_in_dim3A_725, %select_n3A_722 : vector<16xi1>, vector<16xi32>
    %eq3A_727 = arith.cmpf oeq, %select_n3A_677, %max3A_704 : vector<16xf32>
    %jit3A_728 = arith.constant 2 : i32
    %broadcast_in_dim3A_729 = vector.broadcast %jit3A_728 : i32 to vector<16xi32>
    %select_n3A_730 = arith.select %eq3A_727, %broadcast_in_dim3A_729, %select_n3A_726 : vector<16xi1>, vector<16xi32>
    %eq3A_731 = arith.cmpf oeq, %select_n3A_673, %max3A_704 : vector<16xf32>
    %jit3A_732 = arith.constant 1 : i32
    %broadcast_in_dim3A_733 = vector.broadcast %jit3A_732 : i32 to vector<16xi32>
    %select_n3A_734 = arith.select %eq3A_731, %broadcast_in_dim3A_733, %select_n3A_730 : vector<16xi1>, vector<16xi32>
    %eq3A_735 = arith.cmpf oeq, %select_n3A_669, %max3A_704 : vector<16xf32>
    %jit3A_736 = arith.constant 0 : i32
    %broadcast_in_dim3A_737 = vector.broadcast %jit3A_736 : i32 to vector<16xi32>
    %select_n3A_738 = arith.select %eq3A_735, %broadcast_in_dim3A_737, %select_n3A_734 : vector<16xi1>, vector<16xi32>
    %sub3A_739 = arith.subf %max3A_704, %max3A_629 : vector<16xf32>
    %exp3A_740 = math.exp %sub3A_739 : vector<16xf32>
    %add3A_741 = arith.constant 1.000000e+00 : f32
    %add3A_742 = vector.broadcast %add3A_741 : f32 to vector<16xf32>
    %add3A_743 = arith.addf %add3A_742, %exp3A_740 : vector<16xf32>
    %div3A_744 = arith.constant 1.000000e+00 : f32
    %div3A_745 = vector.broadcast %div3A_744 : f32 to vector<16xf32>
    %div3A_746 = arith.divf %div3A_745, %add3A_743 : vector<16xf32>
    %sub3A_747 = arith.constant 1.000000e+00 : f32
    %sub3A_748 = vector.broadcast %sub3A_747 : f32 to vector<16xf32>
    %sub3A_749 = arith.subf %sub3A_748, %div3A_746 : vector<16xf32>
    %eq3A_750 = arith.constant 0 : i32
    %eq3A_751 = vector.broadcast %eq3A_750 : i32 to vector<16xi32>
    %eq3A_752 = arith.cmpi eq, %select_n3A_663, %eq3A_751 : vector<16xi32>
    %eq3A_753 = arith.constant 0 : i32
    %eq3A_754 = vector.broadcast %eq3A_753 : i32 to vector<16xi32>
    %eq3A_755 = arith.cmpi eq, %select_n3A_738, %eq3A_754 : vector<16xi32>
    %jit3A_756 = arith.constant 0.000000e+00 : f32
    %broadcast_in_dim3A_757 = vector.broadcast %jit3A_756 : f32 to vector<16xf32>
    %select_n3A_758 = arith.select %eq3A_755, %sub3A_749, %broadcast_in_dim3A_757 : vector<16xi1>, vector<16xf32>
    %select_n3A_759 = arith.select %eq3A_752, %div3A_746, %select_n3A_758 : vector<16xi1>, vector<16xf32>
    %swap3A_760 = arith.constant 0 : i32
    %swap3A_761 = arith.index_cast %swap3A_760 : i32 to index
    %swap3A_762 = arith.constant 32 : index
    %swap3A_763 = tpu.vector_load %arg5[%swap3A_761, %swap3A_762] {strides = array<i32>} : memref<8x128xf32, #tpu.memory_space<vmem>>, vector<1x16xf32>,
    %swap3A_764 = vector.shape_cast %swap3A_763 : vector<1x16xf32> to vector<16xf32>
    %swap3A_765 = vector.shape_cast %select_n3A_759 : vector<16xf32> to vector<1x16xf32>
    tpu.vector_store %arg5[%swap3A_761, %swap3A_762], %swap3A_765 {strides = array<i32>} : memref<8x128xf32, #tpu.memory_space<vmem>>, vector<1x16xf32>,
    %eq3A_766 = arith.constant 1 : i32
    %eq3A_767 = vector.broadcast %eq3A_766 : i32 to vector<16xi32>
    %eq3A_768 = arith.cmpi eq, %select_n3A_663, %eq3A_767 : vector<16xi32>
    %eq3A_769 = arith.constant 1 : i32
    %eq3A_770 = vector.broadcast %eq3A_769 : i32 to vector<16xi32>
    %eq3A_771 = arith.cmpi eq, %select_n3A_738, %eq3A_770 : vector<16xi32>
    %jit3A_772 = arith.constant 0.000000e+00 : f32
    %broadcast_in_dim3A_773 = vector.broadcast %jit3A_772 : f32 to vector<16xf32>
    %select_n3A_774 = arith.select %eq3A_771, %sub3A_749, %broadcast_in_dim3A_773 : vector<16xi1>, vector<16xf32>
    %select_n3A_775 = arith.select %eq3A_768, %div3A_746, %select_n3A_774 : vector<16xi1>, vector<16xf32>
    %swap3A_776 = arith.constant 1 : i32
    %swap3A_777 = arith.index_cast %swap3A_776 : i32 to index
    %swap3A_778 = arith.constant 32 : index
    %swap3A_779 = tpu.vector_load %arg5[%swap3A_777, %swap3A_778] {strides = array<i32>} : memref<8x128xf32, #tpu.memory_space<vmem>>, vector<1x16xf32>,
    %swap3A_780 = vector.shape_cast %swap3A_779 : vector<1x16xf32> to vector<16xf32>
    %swap3A_781 = vector.shape_cast %select_n3A_775 : vector<16xf32> to vector<1x16xf32>
    tpu.vector_store %arg5[%swap3A_777, %swap3A_778], %swap3A_781 {strides = array<i32>} : memref<8x128xf32, #tpu.memory_space<vmem>>, vector<1x16xf32>,
    %eq3A_782 = arith.constant 2 : i32
    %eq3A_783 = vector.broadcast %eq3A_782 : i32 to vector<16xi32>
    %eq3A_784 = arith.cmpi eq, %select_n3A_663, %eq3A_783 : vector<16xi32>
    %eq3A_785 = arith.constant 2 : i32
    %eq3A_786 = vector.broadcast %eq3A_785 : i32 to vector<16xi32>
    %eq3A_787 = arith.cmpi eq, %select_n3A_738, %eq3A_786 : vector<16xi32>
    %jit3A_788 = arith.constant 0.000000e+00 : f32
    %broadcast_in_dim3A_789 = vector.broadcast %jit3A_788 : f32 to vector<16xf32>
    %select_n3A_790 = arith.select %eq3A_787, %sub3A_749, %broadcast_in_dim3A_789 : vector<16xi1>, vector<16xf32>
    %select_n3A_791 = arith.select %eq3A_784, %div3A_746, %select_n3A_790 : vector<16xi1>, vector<16xf32>
    %swap3A_792 = arith.constant 2 : i32
    %swap3A_793 = arith.index_cast %swap3A_792 : i32 to index
    %swap3A_794 = arith.constant 32 : index
    %swap3A_795 = tpu.vector_load %arg5[%swap3A_793, %swap3A_794] {strides = array<i32>} : memref<8x128xf32, #tpu.memory_space<vmem>>, vector<1x16xf32>,
    %swap3A_796 = vector.shape_cast %swap3A_795 : vector<1x16xf32> to vector<16xf32>
    %swap3A_797 = vector.shape_cast %select_n3A_791 : vector<16xf32> to vector<1x16xf32>
    tpu.vector_store %arg5[%swap3A_793, %swap3A_794], %swap3A_797 {strides = array<i32>} : memref<8x128xf32, #tpu.memory_space<vmem>>, vector<1x16xf32>,
    %eq3A_798 = arith.constant 3 : i32
    %eq3A_799 = vector.broadcast %eq3A_798 : i32 to vector<16xi32>
    %eq3A_800 = arith.cmpi eq, %select_n3A_663, %eq3A_799 : vector<16xi32>
    %eq3A_801 = arith.constant 3 : i32
    %eq3A_802 = vector.broadcast %eq3A_801 : i32 to vector<16xi32>
    %eq3A_803 = arith.cmpi eq, %select_n3A_738, %eq3A_802 : vector<16xi32>
    %jit3A_804 = arith.constant 0.000000e+00 : f32
    %broadcast_in_dim3A_805 = vector.broadcast %jit3A_804 : f32 to vector<16xf32>
    %select_n3A_806 = arith.select %eq3A_803, %sub3A_749, %broadcast_in_dim3A_805 : vector<16xi1>, vector<16xf32>
    %select_n3A_807 = arith.select %eq3A_800, %div3A_746, %select_n3A_806 : vector<16xi1>, vector<16xf32>
    %swap3A_808 = arith.constant 3 : i32
    %swap3A_809 = arith.index_cast %swap3A_808 : i32 to index
    %swap3A_810 = arith.constant 32 : index
    %swap3A_811 = tpu.vector_load %arg5[%swap3A_809, %swap3A_810] {strides = array<i32>} : memref<8x128xf32, #tpu.memory_space<vmem>>, vector<1x16xf32>,
    %swap3A_812 = vector.shape_cast %swap3A_811 : vector<1x16xf32> to vector<16xf32>
    %swap3A_813 = vector.shape_cast %select_n3A_807 : vector<16xf32> to vector<1x16xf32>
    tpu.vector_store %arg5[%swap3A_809, %swap3A_810], %swap3A_813 {strides = array<i32>} : memref<8x128xf32, #tpu.memory_space<vmem>>, vector<1x16xf32>,
    %eq3A_814 = arith.constant 4 : i32
    %eq3A_815 = vector.broadcast %eq3A_814 : i32 to vector<16xi32>
    %eq3A_816 = arith.cmpi eq, %select_n3A_663, %eq3A_815 : vector<16xi32>
    %eq3A_817 = arith.constant 4 : i32
    %eq3A_818 = vector.broadcast %eq3A_817 : i32 to vector<16xi32>
    %eq3A_819 = arith.cmpi eq, %select_n3A_738, %eq3A_818 : vector<16xi32>
    %jit3A_820 = arith.constant 0.000000e+00 : f32
    %broadcast_in_dim3A_821 = vector.broadcast %jit3A_820 : f32 to vector<16xf32>
    %select_n3A_822 = arith.select %eq3A_819, %sub3A_749, %broadcast_in_dim3A_821 : vector<16xi1>, vector<16xf32>
    %select_n3A_823 = arith.select %eq3A_816, %div3A_746, %select_n3A_822 : vector<16xi1>, vector<16xf32>
    %swap3A_824 = arith.constant 4 : i32
    %swap3A_825 = arith.index_cast %swap3A_824 : i32 to index
    %swap3A_826 = arith.constant 32 : index
    %swap3A_827 = tpu.vector_load %arg5[%swap3A_825, %swap3A_826] {strides = array<i32>} : memref<8x128xf32, #tpu.memory_space<vmem>>, vector<1x16xf32>,
    %swap3A_828 = vector.shape_cast %swap3A_827 : vector<1x16xf32> to vector<16xf32>
    %swap3A_829 = vector.shape_cast %select_n3A_823 : vector<16xf32> to vector<1x16xf32>
    tpu.vector_store %arg5[%swap3A_825, %swap3A_826], %swap3A_829 {strides = array<i32>} : memref<8x128xf32, #tpu.memory_space<vmem>>, vector<1x16xf32>,
    %eq3A_830 = arith.constant 5 : i32
    %eq3A_831 = vector.broadcast %eq3A_830 : i32 to vector<16xi32>
    %eq3A_832 = arith.cmpi eq, %select_n3A_663, %eq3A_831 : vector<16xi32>
    %eq3A_833 = arith.constant 5 : i32
    %eq3A_834 = vector.broadcast %eq3A_833 : i32 to vector<16xi32>
    %eq3A_835 = arith.cmpi eq, %select_n3A_738, %eq3A_834 : vector<16xi32>
    %jit3A_836 = arith.constant 0.000000e+00 : f32
    %broadcast_in_dim3A_837 = vector.broadcast %jit3A_836 : f32 to vector<16xf32>
    %select_n3A_838 = arith.select %eq3A_835, %sub3A_749, %broadcast_in_dim3A_837 : vector<16xi1>, vector<16xf32>
    %select_n3A_839 = arith.select %eq3A_832, %div3A_746, %select_n3A_838 : vector<16xi1>, vector<16xf32>
    %swap3A_840 = arith.constant 5 : i32
    %swap3A_841 = arith.index_cast %swap3A_840 : i32 to index
    %swap3A_842 = arith.constant 32 : index
    %swap3A_843 = tpu.vector_load %arg5[%swap3A_841, %swap3A_842] {strides = array<i32>} : memref<8x128xf32, #tpu.memory_space<vmem>>, vector<1x16xf32>,
    %swap3A_844 = vector.shape_cast %swap3A_843 : vector<1x16xf32> to vector<16xf32>
    %swap3A_845 = vector.shape_cast %select_n3A_839 : vector<16xf32> to vector<1x16xf32>
    tpu.vector_store %arg5[%swap3A_841, %swap3A_842], %swap3A_845 {strides = array<i32>} : memref<8x128xf32, #tpu.memory_space<vmem>>, vector<1x16xf32>,
    %eq3A_846 = arith.constant 6 : i32
    %eq3A_847 = vector.broadcast %eq3A_846 : i32 to vector<16xi32>
    %eq3A_848 = arith.cmpi eq, %select_n3A_663, %eq3A_847 : vector<16xi32>
    %eq3A_849 = arith.constant 6 : i32
    %eq3A_850 = vector.broadcast %eq3A_849 : i32 to vector<16xi32>
    %eq3A_851 = arith.cmpi eq, %select_n3A_738, %eq3A_850 : vector<16xi32>
    %jit3A_852 = arith.constant 0.000000e+00 : f32
    %broadcast_in_dim3A_853 = vector.broadcast %jit3A_852 : f32 to vector<16xf32>
    %select_n3A_854 = arith.select %eq3A_851, %sub3A_749, %broadcast_in_dim3A_853 : vector<16xi1>, vector<16xf32>
    %select_n3A_855 = arith.select %eq3A_848, %div3A_746, %select_n3A_854 : vector<16xi1>, vector<16xf32>
    %swap3A_856 = arith.constant 6 : i32
    %swap3A_857 = arith.index_cast %swap3A_856 : i32 to index
    %swap3A_858 = arith.constant 32 : index
    %swap3A_859 = tpu.vector_load %arg5[%swap3A_857, %swap3A_858] {strides = array<i32>} : memref<8x128xf32, #tpu.memory_space<vmem>>, vector<1x16xf32>,
    %swap3A_860 = vector.shape_cast %swap3A_859 : vector<1x16xf32> to vector<16xf32>
    %swap3A_861 = vector.shape_cast %select_n3A_855 : vector<16xf32> to vector<1x16xf32>
    tpu.vector_store %arg5[%swap3A_857, %swap3A_858], %swap3A_861 {strides = array<i32>} : memref<8x128xf32, #tpu.memory_space<vmem>>, vector<1x16xf32>,
    %eq3A_862 = arith.constant 7 : i32
    %eq3A_863 = vector.broadcast %eq3A_862 : i32 to vector<16xi32>
    %eq3A_864 = arith.cmpi eq, %select_n3A_663, %eq3A_863 : vector<16xi32>
    %eq3A_865 = arith.constant 7 : i32
    %eq3A_866 = vector.broadcast %eq3A_865 : i32 to vector<16xi32>
    %eq3A_867 = arith.cmpi eq, %select_n3A_738, %eq3A_866 : vector<16xi32>
    %jit3A_868 = arith.constant 0.000000e+00 : f32
    %broadcast_in_dim3A_869 = vector.broadcast %jit3A_868 : f32 to vector<16xf32>
    %select_n3A_870 = arith.select %eq3A_867, %sub3A_749, %broadcast_in_dim3A_869 : vector<16xi1>, vector<16xf32>
    %select_n3A_871 = arith.select %eq3A_864, %div3A_746, %select_n3A_870 : vector<16xi1>, vector<16xf32>
    %swap3A_872 = arith.constant 7 : i32
    %swap3A_873 = arith.index_cast %swap3A_872 : i32 to index
    %swap3A_874 = arith.constant 32 : index
    %swap3A_875 = tpu.vector_load %arg5[%swap3A_873, %swap3A_874] {strides = array<i32>} : memref<8x128xf32, #tpu.memory_space<vmem>>, vector<1x16xf32>,
    %swap3A_876 = vector.shape_cast %swap3A_875 : vector<1x16xf32> to vector<16xf32>
    %swap3A_877 = vector.shape_cast %select_n3A_871 : vector<16xf32> to vector<1x16xf32>
    tpu.vector_store %arg5[%swap3A_873, %swap3A_874], %swap3A_877 {strides = array<i32>} : memref<8x128xf32, #tpu.memory_space<vmem>>, vector<1x16xf32>,
    %get3A_878 = arith.constant 0 : i32
    %get3A_879 = arith.index_cast %get3A_878 : i32 to index
    %get3A_880 = arith.constant 48 : index
    %get3A_881 = tpu.vector_load %arg4[%get3A_879, %get3A_880] {strides = array<i32>} : memref<8x128xf32, #tpu.memory_space<vmem>>, vector<1x16xf32>,
    %get3A_882 = vector.shape_cast %get3A_881 : vector<1x16xf32> to vector<16xf32>
    %get3A_883 = arith.constant 1 : i32
    %get3A_884 = arith.index_cast %get3A_883 : i32 to index
    %get3A_885 = arith.constant 48 : index
    %get3A_886 = tpu.vector_load %arg4[%get3A_884, %get3A_885] {strides = array<i32>} : memref<8x128xf32, #tpu.memory_space<vmem>>, vector<1x16xf32>,
    %get3A_887 = vector.shape_cast %get3A_886 : vector<1x16xf32> to vector<16xf32>
    %get3A_888 = arith.constant 2 : i32
    %get3A_889 = arith.index_cast %get3A_888 : i32 to index
    %get3A_890 = arith.constant 48 : index
    %get3A_891 = tpu.vector_load %arg4[%get3A_889, %get3A_890] {strides = array<i32>} : memref<8x128xf32, #tpu.memory_space<vmem>>, vector<1x16xf32>,
    %get3A_892 = vector.shape_cast %get3A_891 : vector<1x16xf32> to vector<16xf32>
    %get3A_893 = arith.constant 3 : i32
    %get3A_894 = arith.index_cast %get3A_893 : i32 to index
    %get3A_895 = arith.constant 48 : index
    %get3A_896 = tpu.vector_load %arg4[%get3A_894, %get3A_895] {strides = array<i32>} : memref<8x128xf32, #tpu.memory_space<vmem>>, vector<1x16xf32>,
    %get3A_897 = vector.shape_cast %get3A_896 : vector<1x16xf32> to vector<16xf32>
    %get3A_898 = arith.constant 4 : i32
    %get3A_899 = arith.index_cast %get3A_898 : i32 to index
    %get3A_900 = arith.constant 48 : index
    %get3A_901 = tpu.vector_load %arg4[%get3A_899, %get3A_900] {strides = array<i32>} : memref<8x128xf32, #tpu.memory_space<vmem>>, vector<1x16xf32>,
    %get3A_902 = vector.shape_cast %get3A_901 : vector<1x16xf32> to vector<16xf32>
    %get3A_903 = arith.constant 5 : i32
    %get3A_904 = arith.index_cast %get3A_903 : i32 to index
    %get3A_905 = arith.constant 48 : index
    %get3A_906 = tpu.vector_load %arg4[%get3A_904, %get3A_905] {strides = array<i32>} : memref<8x128xf32, #tpu.memory_space<vmem>>, vector<1x16xf32>,
    %get3A_907 = vector.shape_cast %get3A_906 : vector<1x16xf32> to vector<16xf32>
    %get3A_908 = arith.constant 6 : i32
    %get3A_909 = arith.index_cast %get3A_908 : i32 to index
    %get3A_910 = arith.constant 48 : index
    %get3A_911 = tpu.vector_load %arg4[%get3A_909, %get3A_910] {strides = array<i32>} : memref<8x128xf32, #tpu.memory_space<vmem>>, vector<1x16xf32>,
    %get3A_912 = vector.shape_cast %get3A_911 : vector<1x16xf32> to vector<16xf32>
    %get3A_913 = arith.constant 7 : i32
    %get3A_914 = arith.index_cast %get3A_913 : i32 to index
    %get3A_915 = arith.constant 48 : index
    %get3A_916 = tpu.vector_load %arg4[%get3A_914, %get3A_915] {strides = array<i32>} : memref<8x128xf32, #tpu.memory_space<vmem>>, vector<1x16xf32>,
    %get3A_917 = vector.shape_cast %get3A_916 : vector<1x16xf32> to vector<16xf32>
    %max3A_918 = arith.maximumf %get3A_882, %get3A_887 : vector<16xf32>
    %max3A_919 = arith.maximumf %max3A_918, %get3A_892 : vector<16xf32>
    %max3A_920 = arith.maximumf %max3A_919, %get3A_897 : vector<16xf32>
    %max3A_921 = arith.maximumf %max3A_920, %get3A_902 : vector<16xf32>
    %max3A_922 = arith.maximumf %max3A_921, %get3A_907 : vector<16xf32>
    %max3A_923 = arith.maximumf %max3A_922, %get3A_912 : vector<16xf32>
    %max3A_924 = arith.maximumf %max3A_923, %get3A_917 : vector<16xf32>
    %broadcast_in_dim3A_925 = arith.constant 0 : i32
    %broadcast_in_dim3A_926 = vector.broadcast %broadcast_in_dim3A_925 : i32 to vector<16xi32>
    %eq3A_927 = arith.cmpf oeq, %get3A_917, %max3A_924 : vector<16xf32>
    %jit3A_928 = arith.constant 7 : i32
    %broadcast_in_dim3A_929 = vector.broadcast %jit3A_928 : i32 to vector<16xi32>
    %select_n3A_930 = arith.select %eq3A_927, %broadcast_in_dim3A_929, %broadcast_in_dim3A_926 : vector<16xi1>, vector<16xi32>
    %eq3A_931 = arith.cmpf oeq, %get3A_912, %max3A_924 : vector<16xf32>
    %jit3A_932 = arith.constant 6 : i32
    %broadcast_in_dim3A_933 = vector.broadcast %jit3A_932 : i32 to vector<16xi32>
    %select_n3A_934 = arith.select %eq3A_931, %broadcast_in_dim3A_933, %select_n3A_930 : vector<16xi1>, vector<16xi32>
    %eq3A_935 = arith.cmpf oeq, %get3A_907, %max3A_924 : vector<16xf32>
    %jit3A_936 = arith.constant 5 : i32
    %broadcast_in_dim3A_937 = vector.broadcast %jit3A_936 : i32 to vector<16xi32>
    %select_n3A_938 = arith.select %eq3A_935, %broadcast_in_dim3A_937, %select_n3A_934 : vector<16xi1>, vector<16xi32>
    %eq3A_939 = arith.cmpf oeq, %get3A_902, %max3A_924 : vector<16xf32>
    %jit3A_940 = arith.constant 4 : i32
    %broadcast_in_dim3A_941 = vector.broadcast %jit3A_940 : i32 to vector<16xi32>
    %select_n3A_942 = arith.select %eq3A_939, %broadcast_in_dim3A_941, %select_n3A_938 : vector<16xi1>, vector<16xi32>
    %eq3A_943 = arith.cmpf oeq, %get3A_897, %max3A_924 : vector<16xf32>
    %jit3A_944 = arith.constant 3 : i32
    %broadcast_in_dim3A_945 = vector.broadcast %jit3A_944 : i32 to vector<16xi32>
    %select_n3A_946 = arith.select %eq3A_943, %broadcast_in_dim3A_945, %select_n3A_942 : vector<16xi1>, vector<16xi32>
    %eq3A_947 = arith.cmpf oeq, %get3A_892, %max3A_924 : vector<16xf32>
    %jit3A_948 = arith.constant 2 : i32
    %broadcast_in_dim3A_949 = vector.broadcast %jit3A_948 : i32 to vector<16xi32>
    %select_n3A_950 = arith.select %eq3A_947, %broadcast_in_dim3A_949, %select_n3A_946 : vector<16xi1>, vector<16xi32>
    %eq3A_951 = arith.cmpf oeq, %get3A_887, %max3A_924 : vector<16xf32>
    %jit3A_952 = arith.constant 1 : i32
    %broadcast_in_dim3A_953 = vector.broadcast %jit3A_952 : i32 to vector<16xi32>
    %select_n3A_954 = arith.select %eq3A_951, %broadcast_in_dim3A_953, %select_n3A_950 : vector<16xi1>, vector<16xi32>
    %eq3A_955 = arith.cmpf oeq, %get3A_882, %max3A_924 : vector<16xf32>
    %jit3A_956 = arith.constant 0 : i32
    %broadcast_in_dim3A_957 = vector.broadcast %jit3A_956 : i32 to vector<16xi32>
    %select_n3A_958 = arith.select %eq3A_955, %broadcast_in_dim3A_957, %select_n3A_954 : vector<16xi1>, vector<16xi32>
    %broadcast_in_dim3A_959 = arith.constant -1.000000e+00 : f32
    %broadcast_in_dim3A_960 = vector.broadcast %broadcast_in_dim3A_959 : f32 to vector<16xf32>
    %eq3A_961 = arith.constant 0 : i32
    %eq3A_962 = vector.broadcast %eq3A_961 : i32 to vector<16xi32>
    %eq3A_963 = arith.cmpi eq, %select_n3A_958, %eq3A_962 : vector<16xi32>
    %select_n3A_964 = arith.select %eq3A_963, %broadcast_in_dim3A_960, %get3A_882 : vector<16xi1>, vector<16xf32>
    %eq3A_965 = arith.constant 1 : i32
    %eq3A_966 = vector.broadcast %eq3A_965 : i32 to vector<16xi32>
    %eq3A_967 = arith.cmpi eq, %select_n3A_958, %eq3A_966 : vector<16xi32>
    %select_n3A_968 = arith.select %eq3A_967, %broadcast_in_dim3A_960, %get3A_887 : vector<16xi1>, vector<16xf32>
    %eq3A_969 = arith.constant 2 : i32
    %eq3A_970 = vector.broadcast %eq3A_969 : i32 to vector<16xi32>
    %eq3A_971 = arith.cmpi eq, %select_n3A_958, %eq3A_970 : vector<16xi32>
    %select_n3A_972 = arith.select %eq3A_971, %broadcast_in_dim3A_960, %get3A_892 : vector<16xi1>, vector<16xf32>
    %eq3A_973 = arith.constant 3 : i32
    %eq3A_974 = vector.broadcast %eq3A_973 : i32 to vector<16xi32>
    %eq3A_975 = arith.cmpi eq, %select_n3A_958, %eq3A_974 : vector<16xi32>
    %select_n3A_976 = arith.select %eq3A_975, %broadcast_in_dim3A_960, %get3A_897 : vector<16xi1>, vector<16xf32>
    %eq3A_977 = arith.constant 4 : i32
    %eq3A_978 = vector.broadcast %eq3A_977 : i32 to vector<16xi32>
    %eq3A_979 = arith.cmpi eq, %select_n3A_958, %eq3A_978 : vector<16xi32>
    %select_n3A_980 = arith.select %eq3A_979, %broadcast_in_dim3A_960, %get3A_902 : vector<16xi1>, vector<16xf32>
    %eq3A_981 = arith.constant 5 : i32
    %eq3A_982 = vector.broadcast %eq3A_981 : i32 to vector<16xi32>
    %eq3A_983 = arith.cmpi eq, %select_n3A_958, %eq3A_982 : vector<16xi32>
    %select_n3A_984 = arith.select %eq3A_983, %broadcast_in_dim3A_960, %get3A_907 : vector<16xi1>, vector<16xf32>
    %eq3A_985 = arith.constant 6 : i32
    %eq3A_986 = vector.broadcast %eq3A_985 : i32 to vector<16xi32>
    %eq3A_987 = arith.cmpi eq, %select_n3A_958, %eq3A_986 : vector<16xi32>
    %select_n3A_988 = arith.select %eq3A_987, %broadcast_in_dim3A_960, %get3A_912 : vector<16xi1>, vector<16xf32>
    %eq3A_989 = arith.constant 7 : i32
    %eq3A_990 = vector.broadcast %eq3A_989 : i32 to vector<16xi32>
    %eq3A_991 = arith.cmpi eq, %select_n3A_958, %eq3A_990 : vector<16xi32>
    %select_n3A_992 = arith.select %eq3A_991, %broadcast_in_dim3A_960, %get3A_917 : vector<16xi1>, vector<16xf32>
    %max3A_993 = arith.maximumf %select_n3A_964, %select_n3A_968 : vector<16xf32>
    %max3A_994 = arith.maximumf %max3A_993, %select_n3A_972 : vector<16xf32>
    %max3A_995 = arith.maximumf %max3A_994, %select_n3A_976 : vector<16xf32>
    %max3A_996 = arith.maximumf %max3A_995, %select_n3A_980 : vector<16xf32>
    %max3A_997 = arith.maximumf %max3A_996, %select_n3A_984 : vector<16xf32>
    %max3A_998 = arith.maximumf %max3A_997, %select_n3A_988 : vector<16xf32>
    %max3A_999 = arith.maximumf %max3A_998, %select_n3A_992 : vector<16xf32>
    %broadcast_in_dim3A_1000 = arith.constant 0 : i32
    %broadcast_in_dim3A_1001 = vector.broadcast %broadcast_in_dim3A_1000 : i32 to vector<16xi32>
    %eq3A_1002 = arith.cmpf oeq, %select_n3A_992, %max3A_999 : vector<16xf32>
    %jit3A_1003 = arith.constant 7 : i32
    %broadcast_in_dim3A_1004 = vector.broadcast %jit3A_1003 : i32 to vector<16xi32>
    %select_n3A_1005 = arith.select %eq3A_1002, %broadcast_in_dim3A_1004, %broadcast_in_dim3A_1001 : vector<16xi1>, vector<16xi32>
    %eq3A_1006 = arith.cmpf oeq, %select_n3A_988, %max3A_999 : vector<16xf32>
    %jit3A_1007 = arith.constant 6 : i32
    %broadcast_in_dim3A_1008 = vector.broadcast %jit3A_1007 : i32 to vector<16xi32>
    %select_n3A_1009 = arith.select %eq3A_1006, %broadcast_in_dim3A_1008, %select_n3A_1005 : vector<16xi1>, vector<16xi32>
    %eq3A_1010 = arith.cmpf oeq, %select_n3A_984, %max3A_999 : vector<16xf32>
    %jit3A_1011 = arith.constant 5 : i32
    %broadcast_in_dim3A_1012 = vector.broadcast %jit3A_1011 : i32 to vector<16xi32>
    %select_n3A_1013 = arith.select %eq3A_1010, %broadcast_in_dim3A_1012, %select_n3A_1009 : vector<16xi1>, vector<16xi32>
    %eq3A_1014 = arith.cmpf oeq, %select_n3A_980, %max3A_999 : vector<16xf32>
    %jit3A_1015 = arith.constant 4 : i32
    %broadcast_in_dim3A_1016 = vector.broadcast %jit3A_1015 : i32 to vector<16xi32>
    %select_n3A_1017 = arith.select %eq3A_1014, %broadcast_in_dim3A_1016, %select_n3A_1013 : vector<16xi1>, vector<16xi32>
    %eq3A_1018 = arith.cmpf oeq, %select_n3A_976, %max3A_999 : vector<16xf32>
    %jit3A_1019 = arith.constant 3 : i32
    %broadcast_in_dim3A_1020 = vector.broadcast %jit3A_1019 : i32 to vector<16xi32>
    %select_n3A_1021 = arith.select %eq3A_1018, %broadcast_in_dim3A_1020, %select_n3A_1017 : vector<16xi1>, vector<16xi32>
    %eq3A_1022 = arith.cmpf oeq, %select_n3A_972, %max3A_999 : vector<16xf32>
    %jit3A_1023 = arith.constant 2 : i32
    %broadcast_in_dim3A_1024 = vector.broadcast %jit3A_1023 : i32 to vector<16xi32>
    %select_n3A_1025 = arith.select %eq3A_1022, %broadcast_in_dim3A_1024, %select_n3A_1021 : vector<16xi1>, vector<16xi32>
    %eq3A_1026 = arith.cmpf oeq, %select_n3A_968, %max3A_999 : vector<16xf32>
    %jit3A_1027 = arith.constant 1 : i32
    %broadcast_in_dim3A_1028 = vector.broadcast %jit3A_1027 : i32 to vector<16xi32>
    %select_n3A_1029 = arith.select %eq3A_1026, %broadcast_in_dim3A_1028, %select_n3A_1025 : vector<16xi1>, vector<16xi32>
    %eq3A_1030 = arith.cmpf oeq, %select_n3A_964, %max3A_999 : vector<16xf32>
    %jit3A_1031 = arith.constant 0 : i32
    %broadcast_in_dim3A_1032 = vector.broadcast %jit3A_1031 : i32 to vector<16xi32>
    %select_n3A_1033 = arith.select %eq3A_1030, %broadcast_in_dim3A_1032, %select_n3A_1029 : vector<16xi1>, vector<16xi32>
    %sub3A_1034 = arith.subf %max3A_999, %max3A_924 : vector<16xf32>
    %exp3A_1035 = math.exp %sub3A_1034 : vector<16xf32>
    %add3A_1036 = arith.constant 1.000000e+00 : f32
    %add3A_1037 = vector.broadcast %add3A_1036 : f32 to vector<16xf32>
    %add3A_1038 = arith.addf %add3A_1037, %exp3A_1035 : vector<16xf32>
    %div3A_1039 = arith.constant 1.000000e+00 : f32
    %div3A_1040 = vector.broadcast %div3A_1039 : f32 to vector<16xf32>
    %div3A_1041 = arith.divf %div3A_1040, %add3A_1038 : vector<16xf32>
    %sub3A_1042 = arith.constant 1.000000e+00 : f32
    %sub3A_1043 = vector.broadcast %sub3A_1042 : f32 to vector<16xf32>
    %sub3A_1044 = arith.subf %sub3A_1043, %div3A_1041 : vector<16xf32>
    %eq3A_1045 = arith.constant 0 : i32
    %eq3A_1046 = vector.broadcast %eq3A_1045 : i32 to vector<16xi32>
    %eq3A_1047 = arith.cmpi eq, %select_n3A_958, %eq3A_1046 : vector<16xi32>
    %eq3A_1048 = arith.constant 0 : i32
    %eq3A_1049 = vector.broadcast %eq3A_1048 : i32 to vector<16xi32>
    %eq3A_1050 = arith.cmpi eq, %select_n3A_1033, %eq3A_1049 : vector<16xi32>
    %jit3A_1051 = arith.constant 0.000000e+00 : f32
    %broadcast_in_dim3A_1052 = vector.broadcast %jit3A_1051 : f32 to vector<16xf32>
    %select_n3A_1053 = arith.select %eq3A_1050, %sub3A_1044, %broadcast_in_dim3A_1052 : vector<16xi1>, vector<16xf32>
    %select_n3A_1054 = arith.select %eq3A_1047, %div3A_1041, %select_n3A_1053 : vector<16xi1>, vector<16xf32>
    %swap3A_1055 = arith.constant 0 : i32
    %swap3A_1056 = arith.index_cast %swap3A_1055 : i32 to index
    %swap3A_1057 = arith.constant 48 : index
    %swap3A_1058 = tpu.vector_load %arg5[%swap3A_1056, %swap3A_1057] {strides = array<i32>} : memref<8x128xf32, #tpu.memory_space<vmem>>, vector<1x16xf32>,
    %swap3A_1059 = vector.shape_cast %swap3A_1058 : vector<1x16xf32> to vector<16xf32>
    %swap3A_1060 = vector.shape_cast %select_n3A_1054 : vector<16xf32> to vector<1x16xf32>
    tpu.vector_store %arg5[%swap3A_1056, %swap3A_1057], %swap3A_1060 {strides = array<i32>} : memref<8x128xf32, #tpu.memory_space<vmem>>, vector<1x16xf32>,
    %eq3A_1061 = arith.constant 1 : i32
    %eq3A_1062 = vector.broadcast %eq3A_1061 : i32 to vector<16xi32>
    %eq3A_1063 = arith.cmpi eq, %select_n3A_958, %eq3A_1062 : vector<16xi32>
    %eq3A_1064 = arith.constant 1 : i32
    %eq3A_1065 = vector.broadcast %eq3A_1064 : i32 to vector<16xi32>
    %eq3A_1066 = arith.cmpi eq, %select_n3A_1033, %eq3A_1065 : vector<16xi32>
    %jit3A_1067 = arith.constant 0.000000e+00 : f32
    %broadcast_in_dim3A_1068 = vector.broadcast %jit3A_1067 : f32 to vector<16xf32>
    %select_n3A_1069 = arith.select %eq3A_1066, %sub3A_1044, %broadcast_in_dim3A_1068 : vector<16xi1>, vector<16xf32>
    %select_n3A_1070 = arith.select %eq3A_1063, %div3A_1041, %select_n3A_1069 : vector<16xi1>, vector<16xf32>
    %swap3A_1071 = arith.constant 1 : i32
    %swap3A_1072 = arith.index_cast %swap3A_1071 : i32 to index
    %swap3A_1073 = arith.constant 48 : index
    %swap3A_1074 = tpu.vector_load %arg5[%swap3A_1072, %swap3A_1073] {strides = array<i32>} : memref<8x128xf32, #tpu.memory_space<vmem>>, vector<1x16xf32>,
    %swap3A_1075 = vector.shape_cast %swap3A_1074 : vector<1x16xf32> to vector<16xf32>
    %swap3A_1076 = vector.shape_cast %select_n3A_1070 : vector<16xf32> to vector<1x16xf32>
    tpu.vector_store %arg5[%swap3A_1072, %swap3A_1073], %swap3A_1076 {strides = array<i32>} : memref<8x128xf32, #tpu.memory_space<vmem>>, vector<1x16xf32>,
    %eq3A_1077 = arith.constant 2 : i32
    %eq3A_1078 = vector.broadcast %eq3A_1077 : i32 to vector<16xi32>
    %eq3A_1079 = arith.cmpi eq, %select_n3A_958, %eq3A_1078 : vector<16xi32>
    %eq3A_1080 = arith.constant 2 : i32
    %eq3A_1081 = vector.broadcast %eq3A_1080 : i32 to vector<16xi32>
    %eq3A_1082 = arith.cmpi eq, %select_n3A_1033, %eq3A_1081 : vector<16xi32>
    %jit3A_1083 = arith.constant 0.000000e+00 : f32
    %broadcast_in_dim3A_1084 = vector.broadcast %jit3A_1083 : f32 to vector<16xf32>
    %select_n3A_1085 = arith.select %eq3A_1082, %sub3A_1044, %broadcast_in_dim3A_1084 : vector<16xi1>, vector<16xf32>
    %select_n3A_1086 = arith.select %eq3A_1079, %div3A_1041, %select_n3A_1085 : vector<16xi1>, vector<16xf32>
    %swap3A_1087 = arith.constant 2 : i32
    %swap3A_1088 = arith.index_cast %swap3A_1087 : i32 to index
    %swap3A_1089 = arith.constant 48 : index
    %swap3A_1090 = tpu.vector_load %arg5[%swap3A_1088, %swap3A_1089] {strides = array<i32>} : memref<8x128xf32, #tpu.memory_space<vmem>>, vector<1x16xf32>,
    %swap3A_1091 = vector.shape_cast %swap3A_1090 : vector<1x16xf32> to vector<16xf32>
    %swap3A_1092 = vector.shape_cast %select_n3A_1086 : vector<16xf32> to vector<1x16xf32>
    tpu.vector_store %arg5[%swap3A_1088, %swap3A_1089], %swap3A_1092 {strides = array<i32>} : memref<8x128xf32, #tpu.memory_space<vmem>>, vector<1x16xf32>,
    %eq3A_1093 = arith.constant 3 : i32
    %eq3A_1094 = vector.broadcast %eq3A_1093 : i32 to vector<16xi32>
    %eq3A_1095 = arith.cmpi eq, %select_n3A_958, %eq3A_1094 : vector<16xi32>
    %eq3A_1096 = arith.constant 3 : i32
    %eq3A_1097 = vector.broadcast %eq3A_1096 : i32 to vector<16xi32>
    %eq3A_1098 = arith.cmpi eq, %select_n3A_1033, %eq3A_1097 : vector<16xi32>
    %jit3A_1099 = arith.constant 0.000000e+00 : f32
    %broadcast_in_dim3A_1100 = vector.broadcast %jit3A_1099 : f32 to vector<16xf32>
    %select_n3A_1101 = arith.select %eq3A_1098, %sub3A_1044, %broadcast_in_dim3A_1100 : vector<16xi1>, vector<16xf32>
    %select_n3A_1102 = arith.select %eq3A_1095, %div3A_1041, %select_n3A_1101 : vector<16xi1>, vector<16xf32>
    %swap3A_1103 = arith.constant 3 : i32
    %swap3A_1104 = arith.index_cast %swap3A_1103 : i32 to index
    %swap3A_1105 = arith.constant 48 : index
    %swap3A_1106 = tpu.vector_load %arg5[%swap3A_1104, %swap3A_1105] {strides = array<i32>} : memref<8x128xf32, #tpu.memory_space<vmem>>, vector<1x16xf32>,
    %swap3A_1107 = vector.shape_cast %swap3A_1106 : vector<1x16xf32> to vector<16xf32>
    %swap3A_1108 = vector.shape_cast %select_n3A_1102 : vector<16xf32> to vector<1x16xf32>
    tpu.vector_store %arg5[%swap3A_1104, %swap3A_1105], %swap3A_1108 {strides = array<i32>} : memref<8x128xf32, #tpu.memory_space<vmem>>, vector<1x16xf32>,
    %eq3A_1109 = arith.constant 4 : i32
    %eq3A_1110 = vector.broadcast %eq3A_1109 : i32 to vector<16xi32>
    %eq3A_1111 = arith.cmpi eq, %select_n3A_958, %eq3A_1110 : vector<16xi32>
    %eq3A_1112 = arith.constant 4 : i32
    %eq3A_1113 = vector.broadcast %eq3A_1112 : i32 to vector<16xi32>
    %eq3A_1114 = arith.cmpi eq, %select_n3A_1033, %eq3A_1113 : vector<16xi32>
    %jit3A_1115 = arith.constant 0.000000e+00 : f32
    %broadcast_in_dim3A_1116 = vector.broadcast %jit3A_1115 : f32 to vector<16xf32>
    %select_n3A_1117 = arith.select %eq3A_1114, %sub3A_1044, %broadcast_in_dim3A_1116 : vector<16xi1>, vector<16xf32>
    %select_n3A_1118 = arith.select %eq3A_1111, %div3A_1041, %select_n3A_1117 : vector<16xi1>, vector<16xf32>
    %swap3A_1119 = arith.constant 4 : i32
    %swap3A_1120 = arith.index_cast %swap3A_1119 : i32 to index
    %swap3A_1121 = arith.constant 48 : index
    %swap3A_1122 = tpu.vector_load %arg5[%swap3A_1120, %swap3A_1121] {strides = array<i32>} : memref<8x128xf32, #tpu.memory_space<vmem>>, vector<1x16xf32>,
    %swap3A_1123 = vector.shape_cast %swap3A_1122 : vector<1x16xf32> to vector<16xf32>
    %swap3A_1124 = vector.shape_cast %select_n3A_1118 : vector<16xf32> to vector<1x16xf32>
    tpu.vector_store %arg5[%swap3A_1120, %swap3A_1121], %swap3A_1124 {strides = array<i32>} : memref<8x128xf32, #tpu.memory_space<vmem>>, vector<1x16xf32>,
    %eq3A_1125 = arith.constant 5 : i32
    %eq3A_1126 = vector.broadcast %eq3A_1125 : i32 to vector<16xi32>
    %eq3A_1127 = arith.cmpi eq, %select_n3A_958, %eq3A_1126 : vector<16xi32>
    %eq3A_1128 = arith.constant 5 : i32
    %eq3A_1129 = vector.broadcast %eq3A_1128 : i32 to vector<16xi32>
    %eq3A_1130 = arith.cmpi eq, %select_n3A_1033, %eq3A_1129 : vector<16xi32>
    %jit3A_1131 = arith.constant 0.000000e+00 : f32
    %broadcast_in_dim3A_1132 = vector.broadcast %jit3A_1131 : f32 to vector<16xf32>
    %select_n3A_1133 = arith.select %eq3A_1130, %sub3A_1044, %broadcast_in_dim3A_1132 : vector<16xi1>, vector<16xf32>
    %select_n3A_1134 = arith.select %eq3A_1127, %div3A_1041, %select_n3A_1133 : vector<16xi1>, vector<16xf32>
    %swap3A_1135 = arith.constant 5 : i32
    %swap3A_1136 = arith.index_cast %swap3A_1135 : i32 to index
    %swap3A_1137 = arith.constant 48 : index
    %swap3A_1138 = tpu.vector_load %arg5[%swap3A_1136, %swap3A_1137] {strides = array<i32>} : memref<8x128xf32, #tpu.memory_space<vmem>>, vector<1x16xf32>,
    %swap3A_1139 = vector.shape_cast %swap3A_1138 : vector<1x16xf32> to vector<16xf32>
    %swap3A_1140 = vector.shape_cast %select_n3A_1134 : vector<16xf32> to vector<1x16xf32>
    tpu.vector_store %arg5[%swap3A_1136, %swap3A_1137], %swap3A_1140 {strides = array<i32>} : memref<8x128xf32, #tpu.memory_space<vmem>>, vector<1x16xf32>,
    %eq3A_1141 = arith.constant 6 : i32
    %eq3A_1142 = vector.broadcast %eq3A_1141 : i32 to vector<16xi32>
    %eq3A_1143 = arith.cmpi eq, %select_n3A_958, %eq3A_1142 : vector<16xi32>
    %eq3A_1144 = arith.constant 6 : i32
    %eq3A_1145 = vector.broadcast %eq3A_1144 : i32 to vector<16xi32>
    %eq3A_1146 = arith.cmpi eq, %select_n3A_1033, %eq3A_1145 : vector<16xi32>
    %jit3A_1147 = arith.constant 0.000000e+00 : f32
    %broadcast_in_dim3A_1148 = vector.broadcast %jit3A_1147 : f32 to vector<16xf32>
    %select_n3A_1149 = arith.select %eq3A_1146, %sub3A_1044, %broadcast_in_dim3A_1148 : vector<16xi1>, vector<16xf32>
    %select_n3A_1150 = arith.select %eq3A_1143, %div3A_1041, %select_n3A_1149 : vector<16xi1>, vector<16xf32>
    %swap3A_1151 = arith.constant 6 : i32
    %swap3A_1152 = arith.index_cast %swap3A_1151 : i32 to index
    %swap3A_1153 = arith.constant 48 : index
    %swap3A_1154 = tpu.vector_load %arg5[%swap3A_1152, %swap3A_1153] {strides = array<i32>} : memref<8x128xf32, #tpu.memory_space<vmem>>, vector<1x16xf32>,
    %swap3A_1155 = vector.shape_cast %swap3A_1154 : vector<1x16xf32> to vector<16xf32>
    %swap3A_1156 = vector.shape_cast %select_n3A_1150 : vector<16xf32> to vector<1x16xf32>
    tpu.vector_store %arg5[%swap3A_1152, %swap3A_1153], %swap3A_1156 {strides = array<i32>} : memref<8x128xf32, #tpu.memory_space<vmem>>, vector<1x16xf32>,
    %eq3A_1157 = arith.constant 7 : i32
    %eq3A_1158 = vector.broadcast %eq3A_1157 : i32 to vector<16xi32>
    %eq3A_1159 = arith.cmpi eq, %select_n3A_958, %eq3A_1158 : vector<16xi32>
    %eq3A_1160 = arith.constant 7 : i32
    %eq3A_1161 = vector.broadcast %eq3A_1160 : i32 to vector<16xi32>
    %eq3A_1162 = arith.cmpi eq, %select_n3A_1033, %eq3A_1161 : vector<16xi32>
    %jit3A_1163 = arith.constant 0.000000e+00 : f32
    %broadcast_in_dim3A_1164 = vector.broadcast %jit3A_1163 : f32 to vector<16xf32>
    %select_n3A_1165 = arith.select %eq3A_1162, %sub3A_1044, %broadcast_in_dim3A_1164 : vector<16xi1>, vector<16xf32>
    %select_n3A_1166 = arith.select %eq3A_1159, %div3A_1041, %select_n3A_1165 : vector<16xi1>, vector<16xf32>
    %swap3A_1167 = arith.constant 7 : i32
    %swap3A_1168 = arith.index_cast %swap3A_1167 : i32 to index
    %swap3A_1169 = arith.constant 48 : index
    %swap3A_1170 = tpu.vector_load %arg5[%swap3A_1168, %swap3A_1169] {strides = array<i32>} : memref<8x128xf32, #tpu.memory_space<vmem>>, vector<1x16xf32>,
    %swap3A_1171 = vector.shape_cast %swap3A_1170 : vector<1x16xf32> to vector<16xf32>
    %swap3A_1172 = vector.shape_cast %select_n3A_1166 : vector<16xf32> to vector<1x16xf32>
    tpu.vector_store %arg5[%swap3A_1168, %swap3A_1169], %swap3A_1172 {strides = array<i32>} : memref<8x128xf32, #tpu.memory_space<vmem>>, vector<1x16xf32>,
    %get3A_1173 = arith.constant 0 : i32
    %get3A_1174 = arith.index_cast %get3A_1173 : i32 to index
    %get3A_1175 = arith.constant 64 : index
    %get3A_1176 = tpu.vector_load %arg4[%get3A_1174, %get3A_1175] {strides = array<i32>} : memref<8x128xf32, #tpu.memory_space<vmem>>, vector<1x16xf32>,
    %get3A_1177 = vector.shape_cast %get3A_1176 : vector<1x16xf32> to vector<16xf32>
    %get3A_1178 = arith.constant 1 : i32
    %get3A_1179 = arith.index_cast %get3A_1178 : i32 to index
    %get3A_1180 = arith.constant 64 : index
    %get3A_1181 = tpu.vector_load %arg4[%get3A_1179, %get3A_1180] {strides = array<i32>} : memref<8x128xf32, #tpu.memory_space<vmem>>, vector<1x16xf32>,
    %get3A_1182 = vector.shape_cast %get3A_1181 : vector<1x16xf32> to vector<16xf32>
    %get3A_1183 = arith.constant 2 : i32
    %get3A_1184 = arith.index_cast %get3A_1183 : i32 to index
    %get3A_1185 = arith.constant 64 : index
    %get3A_1186 = tpu.vector_load %arg4[%get3A_1184, %get3A_1185] {strides = array<i32>} : memref<8x128xf32, #tpu.memory_space<vmem>>, vector<1x16xf32>,
    %get3A_1187 = vector.shape_cast %get3A_1186 : vector<1x16xf32> to vector<16xf32>
    %get3A_1188 = arith.constant 3 : i32
    %get3A_1189 = arith.index_cast %get3A_1188 : i32 to index
    %get3A_1190 = arith.constant 64 : index
    %get3A_1191 = tpu.vector_load %arg4[%get3A_1189, %get3A_1190] {strides = array<i32>} : memref<8x128xf32, #tpu.memory_space<vmem>>, vector<1x16xf32>,
    %get3A_1192 = vector.shape_cast %get3A_1191 : vector<1x16xf32> to vector<16xf32>
    %get3A_1193 = arith.constant 4 : i32
    %get3A_1194 = arith.index_cast %get3A_1193 : i32 to index
    %get3A_1195 = arith.constant 64 : index
    %get3A_1196 = tpu.vector_load %arg4[%get3A_1194, %get3A_1195] {strides = array<i32>} : memref<8x128xf32, #tpu.memory_space<vmem>>, vector<1x16xf32>,
    %get3A_1197 = vector.shape_cast %get3A_1196 : vector<1x16xf32> to vector<16xf32>
    %get3A_1198 = arith.constant 5 : i32
    %get3A_1199 = arith.index_cast %get3A_1198 : i32 to index
    %get3A_1200 = arith.constant 64 : index
    %get3A_1201 = tpu.vector_load %arg4[%get3A_1199, %get3A_1200] {strides = array<i32>} : memref<8x128xf32, #tpu.memory_space<vmem>>, vector<1x16xf32>,
    %get3A_1202 = vector.shape_cast %get3A_1201 : vector<1x16xf32> to vector<16xf32>
    %get3A_1203 = arith.constant 6 : i32
    %get3A_1204 = arith.index_cast %get3A_1203 : i32 to index
    %get3A_1205 = arith.constant 64 : index
    %get3A_1206 = tpu.vector_load %arg4[%get3A_1204, %get3A_1205] {strides = array<i32>} : memref<8x128xf32, #tpu.memory_space<vmem>>, vector<1x16xf32>,
    %get3A_1207 = vector.shape_cast %get3A_1206 : vector<1x16xf32> to vector<16xf32>
    %get3A_1208 = arith.constant 7 : i32
    %get3A_1209 = arith.index_cast %get3A_1208 : i32 to index
    %get3A_1210 = arith.constant 64 : index
    %get3A_1211 = tpu.vector_load %arg4[%get3A_1209, %get3A_1210] {strides = array<i32>} : memref<8x128xf32, #tpu.memory_space<vmem>>, vector<1x16xf32>,
    %get3A_1212 = vector.shape_cast %get3A_1211 : vector<1x16xf32> to vector<16xf32>
    %max3A_1213 = arith.maximumf %get3A_1177, %get3A_1182 : vector<16xf32>
    %max3A_1214 = arith.maximumf %max3A_1213, %get3A_1187 : vector<16xf32>
    %max3A_1215 = arith.maximumf %max3A_1214, %get3A_1192 : vector<16xf32>
    %max3A_1216 = arith.maximumf %max3A_1215, %get3A_1197 : vector<16xf32>
    %max3A_1217 = arith.maximumf %max3A_1216, %get3A_1202 : vector<16xf32>
    %max3A_1218 = arith.maximumf %max3A_1217, %get3A_1207 : vector<16xf32>
    %max3A_1219 = arith.maximumf %max3A_1218, %get3A_1212 : vector<16xf32>
    %broadcast_in_dim3A_1220 = arith.constant 0 : i32
    %broadcast_in_dim3A_1221 = vector.broadcast %broadcast_in_dim3A_1220 : i32 to vector<16xi32>
    %eq3A_1222 = arith.cmpf oeq, %get3A_1212, %max3A_1219 : vector<16xf32>
    %jit3A_1223 = arith.constant 7 : i32
    %broadcast_in_dim3A_1224 = vector.broadcast %jit3A_1223 : i32 to vector<16xi32>
    %select_n3A_1225 = arith.select %eq3A_1222, %broadcast_in_dim3A_1224, %broadcast_in_dim3A_1221 : vector<16xi1>, vector<16xi32>
    %eq3A_1226 = arith.cmpf oeq, %get3A_1207, %max3A_1219 : vector<16xf32>
    %jit3A_1227 = arith.constant 6 : i32
    %broadcast_in_dim3A_1228 = vector.broadcast %jit3A_1227 : i32 to vector<16xi32>
    %select_n3A_1229 = arith.select %eq3A_1226, %broadcast_in_dim3A_1228, %select_n3A_1225 : vector<16xi1>, vector<16xi32>
    %eq3A_1230 = arith.cmpf oeq, %get3A_1202, %max3A_1219 : vector<16xf32>
    %jit3A_1231 = arith.constant 5 : i32
    %broadcast_in_dim3A_1232 = vector.broadcast %jit3A_1231 : i32 to vector<16xi32>
    %select_n3A_1233 = arith.select %eq3A_1230, %broadcast_in_dim3A_1232, %select_n3A_1229 : vector<16xi1>, vector<16xi32>
    %eq3A_1234 = arith.cmpf oeq, %get3A_1197, %max3A_1219 : vector<16xf32>
    %jit3A_1235 = arith.constant 4 : i32
    %broadcast_in_dim3A_1236 = vector.broadcast %jit3A_1235 : i32 to vector<16xi32>
    %select_n3A_1237 = arith.select %eq3A_1234, %broadcast_in_dim3A_1236, %select_n3A_1233 : vector<16xi1>, vector<16xi32>
    %eq3A_1238 = arith.cmpf oeq, %get3A_1192, %max3A_1219 : vector<16xf32>
    %jit3A_1239 = arith.constant 3 : i32
    %broadcast_in_dim3A_1240 = vector.broadcast %jit3A_1239 : i32 to vector<16xi32>
    %select_n3A_1241 = arith.select %eq3A_1238, %broadcast_in_dim3A_1240, %select_n3A_1237 : vector<16xi1>, vector<16xi32>
    %eq3A_1242 = arith.cmpf oeq, %get3A_1187, %max3A_1219 : vector<16xf32>
    %jit3A_1243 = arith.constant 2 : i32
    %broadcast_in_dim3A_1244 = vector.broadcast %jit3A_1243 : i32 to vector<16xi32>
    %select_n3A_1245 = arith.select %eq3A_1242, %broadcast_in_dim3A_1244, %select_n3A_1241 : vector<16xi1>, vector<16xi32>
    %eq3A_1246 = arith.cmpf oeq, %get3A_1182, %max3A_1219 : vector<16xf32>
    %jit3A_1247 = arith.constant 1 : i32
    %broadcast_in_dim3A_1248 = vector.broadcast %jit3A_1247 : i32 to vector<16xi32>
    %select_n3A_1249 = arith.select %eq3A_1246, %broadcast_in_dim3A_1248, %select_n3A_1245 : vector<16xi1>, vector<16xi32>
    %eq3A_1250 = arith.cmpf oeq, %get3A_1177, %max3A_1219 : vector<16xf32>
    %jit3A_1251 = arith.constant 0 : i32
    %broadcast_in_dim3A_1252 = vector.broadcast %jit3A_1251 : i32 to vector<16xi32>
    %select_n3A_1253 = arith.select %eq3A_1250, %broadcast_in_dim3A_1252, %select_n3A_1249 : vector<16xi1>, vector<16xi32>
    %broadcast_in_dim3A_1254 = arith.constant -1.000000e+00 : f32
    %broadcast_in_dim3A_1255 = vector.broadcast %broadcast_in_dim3A_1254 : f32 to vector<16xf32>
    %eq3A_1256 = arith.constant 0 : i32
    %eq3A_1257 = vector.broadcast %eq3A_1256 : i32 to vector<16xi32>
    %eq3A_1258 = arith.cmpi eq, %select_n3A_1253, %eq3A_1257 : vector<16xi32>
    %select_n3A_1259 = arith.select %eq3A_1258, %broadcast_in_dim3A_1255, %get3A_1177 : vector<16xi1>, vector<16xf32>
    %eq3A_1260 = arith.constant 1 : i32
    %eq3A_1261 = vector.broadcast %eq3A_1260 : i32 to vector<16xi32>
    %eq3A_1262 = arith.cmpi eq, %select_n3A_1253, %eq3A_1261 : vector<16xi32>
    %select_n3A_1263 = arith.select %eq3A_1262, %broadcast_in_dim3A_1255, %get3A_1182 : vector<16xi1>, vector<16xf32>
    %eq3A_1264 = arith.constant 2 : i32
    %eq3A_1265 = vector.broadcast %eq3A_1264 : i32 to vector<16xi32>
    %eq3A_1266 = arith.cmpi eq, %select_n3A_1253, %eq3A_1265 : vector<16xi32>
    %select_n3A_1267 = arith.select %eq3A_1266, %broadcast_in_dim3A_1255, %get3A_1187 : vector<16xi1>, vector<16xf32>
    %eq3A_1268 = arith.constant 3 : i32
    %eq3A_1269 = vector.broadcast %eq3A_1268 : i32 to vector<16xi32>
    %eq3A_1270 = arith.cmpi eq, %select_n3A_1253, %eq3A_1269 : vector<16xi32>
    %select_n3A_1271 = arith.select %eq3A_1270, %broadcast_in_dim3A_1255, %get3A_1192 : vector<16xi1>, vector<16xf32>
    %eq3A_1272 = arith.constant 4 : i32
    %eq3A_1273 = vector.broadcast %eq3A_1272 : i32 to vector<16xi32>
    %eq3A_1274 = arith.cmpi eq, %select_n3A_1253, %eq3A_1273 : vector<16xi32>
    %select_n3A_1275 = arith.select %eq3A_1274, %broadcast_in_dim3A_1255, %get3A_1197 : vector<16xi1>, vector<16xf32>
    %eq3A_1276 = arith.constant 5 : i32
    %eq3A_1277 = vector.broadcast %eq3A_1276 : i32 to vector<16xi32>
    %eq3A_1278 = arith.cmpi eq, %select_n3A_1253, %eq3A_1277 : vector<16xi32>
    %select_n3A_1279 = arith.select %eq3A_1278, %broadcast_in_dim3A_1255, %get3A_1202 : vector<16xi1>, vector<16xf32>
    %eq3A_1280 = arith.constant 6 : i32
    %eq3A_1281 = vector.broadcast %eq3A_1280 : i32 to vector<16xi32>
    %eq3A_1282 = arith.cmpi eq, %select_n3A_1253, %eq3A_1281 : vector<16xi32>
    %select_n3A_1283 = arith.select %eq3A_1282, %broadcast_in_dim3A_1255, %get3A_1207 : vector<16xi1>, vector<16xf32>
    %eq3A_1284 = arith.constant 7 : i32
    %eq3A_1285 = vector.broadcast %eq3A_1284 : i32 to vector<16xi32>
    %eq3A_1286 = arith.cmpi eq, %select_n3A_1253, %eq3A_1285 : vector<16xi32>
    %select_n3A_1287 = arith.select %eq3A_1286, %broadcast_in_dim3A_1255, %get3A_1212 : vector<16xi1>, vector<16xf32>
    %max3A_1288 = arith.maximumf %select_n3A_1259, %select_n3A_1263 : vector<16xf32>
    %max3A_1289 = arith.maximumf %max3A_1288, %select_n3A_1267 : vector<16xf32>
    %max3A_1290 = arith.maximumf %max3A_1289, %select_n3A_1271 : vector<16xf32>
    %max3A_1291 = arith.maximumf %max3A_1290, %select_n3A_1275 : vector<16xf32>
    %max3A_1292 = arith.maximumf %max3A_1291, %select_n3A_1279 : vector<16xf32>
    %max3A_1293 = arith.maximumf %max3A_1292, %select_n3A_1283 : vector<16xf32>
    %max3A_1294 = arith.maximumf %max3A_1293, %select_n3A_1287 : vector<16xf32>
    %broadcast_in_dim3A_1295 = arith.constant 0 : i32
    %broadcast_in_dim3A_1296 = vector.broadcast %broadcast_in_dim3A_1295 : i32 to vector<16xi32>
    %eq3A_1297 = arith.cmpf oeq, %select_n3A_1287, %max3A_1294 : vector<16xf32>
    %jit3A_1298 = arith.constant 7 : i32
    %broadcast_in_dim3A_1299 = vector.broadcast %jit3A_1298 : i32 to vector<16xi32>
    %select_n3A_1300 = arith.select %eq3A_1297, %broadcast_in_dim3A_1299, %broadcast_in_dim3A_1296 : vector<16xi1>, vector<16xi32>
    %eq3A_1301 = arith.cmpf oeq, %select_n3A_1283, %max3A_1294 : vector<16xf32>
    %jit3A_1302 = arith.constant 6 : i32
    %broadcast_in_dim3A_1303 = vector.broadcast %jit3A_1302 : i32 to vector<16xi32>
    %select_n3A_1304 = arith.select %eq3A_1301, %broadcast_in_dim3A_1303, %select_n3A_1300 : vector<16xi1>, vector<16xi32>
    %eq3A_1305 = arith.cmpf oeq, %select_n3A_1279, %max3A_1294 : vector<16xf32>
    %jit3A_1306 = arith.constant 5 : i32
    %broadcast_in_dim3A_1307 = vector.broadcast %jit3A_1306 : i32 to vector<16xi32>
    %select_n3A_1308 = arith.select %eq3A_1305, %broadcast_in_dim3A_1307, %select_n3A_1304 : vector<16xi1>, vector<16xi32>
    %eq3A_1309 = arith.cmpf oeq, %select_n3A_1275, %max3A_1294 : vector<16xf32>
    %jit3A_1310 = arith.constant 4 : i32
    %broadcast_in_dim3A_1311 = vector.broadcast %jit3A_1310 : i32 to vector<16xi32>
    %select_n3A_1312 = arith.select %eq3A_1309, %broadcast_in_dim3A_1311, %select_n3A_1308 : vector<16xi1>, vector<16xi32>
    %eq3A_1313 = arith.cmpf oeq, %select_n3A_1271, %max3A_1294 : vector<16xf32>
    %jit3A_1314 = arith.constant 3 : i32
    %broadcast_in_dim3A_1315 = vector.broadcast %jit3A_1314 : i32 to vector<16xi32>
    %select_n3A_1316 = arith.select %eq3A_1313, %broadcast_in_dim3A_1315, %select_n3A_1312 : vector<16xi1>, vector<16xi32>
    %eq3A_1317 = arith.cmpf oeq, %select_n3A_1267, %max3A_1294 : vector<16xf32>
    %jit3A_1318 = arith.constant 2 : i32
    %broadcast_in_dim3A_1319 = vector.broadcast %jit3A_1318 : i32 to vector<16xi32>
    %select_n3A_1320 = arith.select %eq3A_1317, %broadcast_in_dim3A_1319, %select_n3A_1316 : vector<16xi1>, vector<16xi32>
    %eq3A_1321 = arith.cmpf oeq, %select_n3A_1263, %max3A_1294 : vector<16xf32>
    %jit3A_1322 = arith.constant 1 : i32
    %broadcast_in_dim3A_1323 = vector.broadcast %jit3A_1322 : i32 to vector<16xi32>
    %select_n3A_1324 = arith.select %eq3A_1321, %broadcast_in_dim3A_1323, %select_n3A_1320 : vector<16xi1>, vector<16xi32>
    %eq3A_1325 = arith.cmpf oeq, %select_n3A_1259, %max3A_1294 : vector<16xf32>
    %jit3A_1326 = arith.constant 0 : i32
    %broadcast_in_dim3A_1327 = vector.broadcast %jit3A_1326 : i32 to vector<16xi32>
    %select_n3A_1328 = arith.select %eq3A_1325, %broadcast_in_dim3A_1327, %select_n3A_1324 : vector<16xi1>, vector<16xi32>
    %sub3A_1329 = arith.subf %max3A_1294, %max3A_1219 : vector<16xf32>
    %exp3A_1330 = math.exp %sub3A_1329 : vector<16xf32>
    %add3A_1331 = arith.constant 1.000000e+00 : f32
    %add3A_1332 = vector.broadcast %add3A_1331 : f32 to vector<16xf32>
    %add3A_1333 = arith.addf %add3A_1332, %exp3A_1330 : vector<16xf32>
    %div3A_1334 = arith.constant 1.000000e+00 : f32
    %div3A_1335 = vector.broadcast %div3A_1334 : f32 to vector<16xf32>
    %div3A_1336 = arith.divf %div3A_1335, %add3A_1333 : vector<16xf32>
    %sub3A_1337 = arith.constant 1.000000e+00 : f32
    %sub3A_1338 = vector.broadcast %sub3A_1337 : f32 to vector<16xf32>
    %sub3A_1339 = arith.subf %sub3A_1338, %div3A_1336 : vector<16xf32>
    %eq3A_1340 = arith.constant 0 : i32
    %eq3A_1341 = vector.broadcast %eq3A_1340 : i32 to vector<16xi32>
    %eq3A_1342 = arith.cmpi eq, %select_n3A_1253, %eq3A_1341 : vector<16xi32>
    %eq3A_1343 = arith.constant 0 : i32
    %eq3A_1344 = vector.broadcast %eq3A_1343 : i32 to vector<16xi32>
    %eq3A_1345 = arith.cmpi eq, %select_n3A_1328, %eq3A_1344 : vector<16xi32>
    %jit3A_1346 = arith.constant 0.000000e+00 : f32
    %broadcast_in_dim3A_1347 = vector.broadcast %jit3A_1346 : f32 to vector<16xf32>
    %select_n3A_1348 = arith.select %eq3A_1345, %sub3A_1339, %broadcast_in_dim3A_1347 : vector<16xi1>, vector<16xf32>
    %select_n3A_1349 = arith.select %eq3A_1342, %div3A_1336, %select_n3A_1348 : vector<16xi1>, vector<16xf32>
    %swap3A_1350 = arith.constant 0 : i32
    %swap3A_1351 = arith.index_cast %swap3A_1350 : i32 to index
    %swap3A_1352 = arith.constant 64 : index
    %swap3A_1353 = tpu.vector_load %arg5[%swap3A_1351, %swap3A_1352] {strides = array<i32>} : memref<8x128xf32, #tpu.memory_space<vmem>>, vector<1x16xf32>,
    %swap3A_1354 = vector.shape_cast %swap3A_1353 : vector<1x16xf32> to vector<16xf32>
    %swap3A_1355 = vector.shape_cast %select_n3A_1349 : vector<16xf32> to vector<1x16xf32>
    tpu.vector_store %arg5[%swap3A_1351, %swap3A_1352], %swap3A_1355 {strides = array<i32>} : memref<8x128xf32, #tpu.memory_space<vmem>>, vector<1x16xf32>,
    %eq3A_1356 = arith.constant 1 : i32
    %eq3A_1357 = vector.broadcast %eq3A_1356 : i32 to vector<16xi32>
    %eq3A_1358 = arith.cmpi eq, %select_n3A_1253, %eq3A_1357 : vector<16xi32>
    %eq3A_1359 = arith.constant 1 : i32
    %eq3A_1360 = vector.broadcast %eq3A_1359 : i32 to vector<16xi32>
    %eq3A_1361 = arith.cmpi eq, %select_n3A_1328, %eq3A_1360 : vector<16xi32>
    %jit3A_1362 = arith.constant 0.000000e+00 : f32
    %broadcast_in_dim3A_1363 = vector.broadcast %jit3A_1362 : f32 to vector<16xf32>
    %select_n3A_1364 = arith.select %eq3A_1361, %sub3A_1339, %broadcast_in_dim3A_1363 : vector<16xi1>, vector<16xf32>
    %select_n3A_1365 = arith.select %eq3A_1358, %div3A_1336, %select_n3A_1364 : vector<16xi1>, vector<16xf32>
    %swap3A_1366 = arith.constant 1 : i32
    %swap3A_1367 = arith.index_cast %swap3A_1366 : i32 to index
    %swap3A_1368 = arith.constant 64 : index
    %swap3A_1369 = tpu.vector_load %arg5[%swap3A_1367, %swap3A_1368] {strides = array<i32>} : memref<8x128xf32, #tpu.memory_space<vmem>>, vector<1x16xf32>,
    %swap3A_1370 = vector.shape_cast %swap3A_1369 : vector<1x16xf32> to vector<16xf32>
    %swap3A_1371 = vector.shape_cast %select_n3A_1365 : vector<16xf32> to vector<1x16xf32>
    tpu.vector_store %arg5[%swap3A_1367, %swap3A_1368], %swap3A_1371 {strides = array<i32>} : memref<8x128xf32, #tpu.memory_space<vmem>>, vector<1x16xf32>,
    %eq3A_1372 = arith.constant 2 : i32
    %eq3A_1373 = vector.broadcast %eq3A_1372 : i32 to vector<16xi32>
    %eq3A_1374 = arith.cmpi eq, %select_n3A_1253, %eq3A_1373 : vector<16xi32>
    %eq3A_1375 = arith.constant 2 : i32
    %eq3A_1376 = vector.broadcast %eq3A_1375 : i32 to vector<16xi32>
    %eq3A_1377 = arith.cmpi eq, %select_n3A_1328, %eq3A_1376 : vector<16xi32>
    %jit3A_1378 = arith.constant 0.000000e+00 : f32
    %broadcast_in_dim3A_1379 = vector.broadcast %jit3A_1378 : f32 to vector<16xf32>
    %select_n3A_1380 = arith.select %eq3A_1377, %sub3A_1339, %broadcast_in_dim3A_1379 : vector<16xi1>, vector<16xf32>
    %select_n3A_1381 = arith.select %eq3A_1374, %div3A_1336, %select_n3A_1380 : vector<16xi1>, vector<16xf32>
    %swap3A_1382 = arith.constant 2 : i32
    %swap3A_1383 = arith.index_cast %swap3A_1382 : i32 to index
    %swap3A_1384 = arith.constant 64 : index
    %swap3A_1385 = tpu.vector_load %arg5[%swap3A_1383, %swap3A_1384] {strides = array<i32>} : memref<8x128xf32, #tpu.memory_space<vmem>>, vector<1x16xf32>,
    %swap3A_1386 = vector.shape_cast %swap3A_1385 : vector<1x16xf32> to vector<16xf32>
    %swap3A_1387 = vector.shape_cast %select_n3A_1381 : vector<16xf32> to vector<1x16xf32>
    tpu.vector_store %arg5[%swap3A_1383, %swap3A_1384], %swap3A_1387 {strides = array<i32>} : memref<8x128xf32, #tpu.memory_space<vmem>>, vector<1x16xf32>,
    %eq3A_1388 = arith.constant 3 : i32
    %eq3A_1389 = vector.broadcast %eq3A_1388 : i32 to vector<16xi32>
    %eq3A_1390 = arith.cmpi eq, %select_n3A_1253, %eq3A_1389 : vector<16xi32>
    %eq3A_1391 = arith.constant 3 : i32
    %eq3A_1392 = vector.broadcast %eq3A_1391 : i32 to vector<16xi32>
    %eq3A_1393 = arith.cmpi eq, %select_n3A_1328, %eq3A_1392 : vector<16xi32>
    %jit3A_1394 = arith.constant 0.000000e+00 : f32
    %broadcast_in_dim3A_1395 = vector.broadcast %jit3A_1394 : f32 to vector<16xf32>
    %select_n3A_1396 = arith.select %eq3A_1393, %sub3A_1339, %broadcast_in_dim3A_1395 : vector<16xi1>, vector<16xf32>
    %select_n3A_1397 = arith.select %eq3A_1390, %div3A_1336, %select_n3A_1396 : vector<16xi1>, vector<16xf32>
    %swap3A_1398 = arith.constant 3 : i32
    %swap3A_1399 = arith.index_cast %swap3A_1398 : i32 to index
    %swap3A_1400 = arith.constant 64 : index
    %swap3A_1401 = tpu.vector_load %arg5[%swap3A_1399, %swap3A_1400] {strides = array<i32>} : memref<8x128xf32, #tpu.memory_space<vmem>>, vector<1x16xf32>,
    %swap3A_1402 = vector.shape_cast %swap3A_1401 : vector<1x16xf32> to vector<16xf32>
    %swap3A_1403 = vector.shape_cast %select_n3A_1397 : vector<16xf32> to vector<1x16xf32>
    tpu.vector_store %arg5[%swap3A_1399, %swap3A_1400], %swap3A_1403 {strides = array<i32>} : memref<8x128xf32, #tpu.memory_space<vmem>>, vector<1x16xf32>,
    %eq3A_1404 = arith.constant 4 : i32
    %eq3A_1405 = vector.broadcast %eq3A_1404 : i32 to vector<16xi32>
    %eq3A_1406 = arith.cmpi eq, %select_n3A_1253, %eq3A_1405 : vector<16xi32>
    %eq3A_1407 = arith.constant 4 : i32
    %eq3A_1408 = vector.broadcast %eq3A_1407 : i32 to vector<16xi32>
    %eq3A_1409 = arith.cmpi eq, %select_n3A_1328, %eq3A_1408 : vector<16xi32>
    %jit3A_1410 = arith.constant 0.000000e+00 : f32
    %broadcast_in_dim3A_1411 = vector.broadcast %jit3A_1410 : f32 to vector<16xf32>
    %select_n3A_1412 = arith.select %eq3A_1409, %sub3A_1339, %broadcast_in_dim3A_1411 : vector<16xi1>, vector<16xf32>
    %select_n3A_1413 = arith.select %eq3A_1406, %div3A_1336, %select_n3A_1412 : vector<16xi1>, vector<16xf32>
    %swap3A_1414 = arith.constant 4 : i32
    %swap3A_1415 = arith.index_cast %swap3A_1414 : i32 to index
    %swap3A_1416 = arith.constant 64 : index
    %swap3A_1417 = tpu.vector_load %arg5[%swap3A_1415, %swap3A_1416] {strides = array<i32>} : memref<8x128xf32, #tpu.memory_space<vmem>>, vector<1x16xf32>,
    %swap3A_1418 = vector.shape_cast %swap3A_1417 : vector<1x16xf32> to vector<16xf32>
    %swap3A_1419 = vector.shape_cast %select_n3A_1413 : vector<16xf32> to vector<1x16xf32>
    tpu.vector_store %arg5[%swap3A_1415, %swap3A_1416], %swap3A_1419 {strides = array<i32>} : memref<8x128xf32, #tpu.memory_space<vmem>>, vector<1x16xf32>,
    %eq3A_1420 = arith.constant 5 : i32
    %eq3A_1421 = vector.broadcast %eq3A_1420 : i32 to vector<16xi32>
    %eq3A_1422 = arith.cmpi eq, %select_n3A_1253, %eq3A_1421 : vector<16xi32>
    %eq3A_1423 = arith.constant 5 : i32
    %eq3A_1424 = vector.broadcast %eq3A_1423 : i32 to vector<16xi32>
    %eq3A_1425 = arith.cmpi eq, %select_n3A_1328, %eq3A_1424 : vector<16xi32>
    %jit3A_1426 = arith.constant 0.000000e+00 : f32
    %broadcast_in_dim3A_1427 = vector.broadcast %jit3A_1426 : f32 to vector<16xf32>
    %select_n3A_1428 = arith.select %eq3A_1425, %sub3A_1339, %broadcast_in_dim3A_1427 : vector<16xi1>, vector<16xf32>
    %select_n3A_1429 = arith.select %eq3A_1422, %div3A_1336, %select_n3A_1428 : vector<16xi1>, vector<16xf32>
    %swap3A_1430 = arith.constant 5 : i32
    %swap3A_1431 = arith.index_cast %swap3A_1430 : i32 to index
    %swap3A_1432 = arith.constant 64 : index
    %swap3A_1433 = tpu.vector_load %arg5[%swap3A_1431, %swap3A_1432] {strides = array<i32>} : memref<8x128xf32, #tpu.memory_space<vmem>>, vector<1x16xf32>,
    %swap3A_1434 = vector.shape_cast %swap3A_1433 : vector<1x16xf32> to vector<16xf32>
    %swap3A_1435 = vector.shape_cast %select_n3A_1429 : vector<16xf32> to vector<1x16xf32>
    tpu.vector_store %arg5[%swap3A_1431, %swap3A_1432], %swap3A_1435 {strides = array<i32>} : memref<8x128xf32, #tpu.memory_space<vmem>>, vector<1x16xf32>,
    %eq3A_1436 = arith.constant 6 : i32
    %eq3A_1437 = vector.broadcast %eq3A_1436 : i32 to vector<16xi32>
    %eq3A_1438 = arith.cmpi eq, %select_n3A_1253, %eq3A_1437 : vector<16xi32>
    %eq3A_1439 = arith.constant 6 : i32
    %eq3A_1440 = vector.broadcast %eq3A_1439 : i32 to vector<16xi32>
    %eq3A_1441 = arith.cmpi eq, %select_n3A_1328, %eq3A_1440 : vector<16xi32>
    %jit3A_1442 = arith.constant 0.000000e+00 : f32
    %broadcast_in_dim3A_1443 = vector.broadcast %jit3A_1442 : f32 to vector<16xf32>
    %select_n3A_1444 = arith.select %eq3A_1441, %sub3A_1339, %broadcast_in_dim3A_1443 : vector<16xi1>, vector<16xf32>
    %select_n3A_1445 = arith.select %eq3A_1438, %div3A_1336, %select_n3A_1444 : vector<16xi1>, vector<16xf32>
    %swap3A_1446 = arith.constant 6 : i32
    %swap3A_1447 = arith.index_cast %swap3A_1446 : i32 to index
    %swap3A_1448 = arith.constant 64 : index
    %swap3A_1449 = tpu.vector_load %arg5[%swap3A_1447, %swap3A_1448] {strides = array<i32>} : memref<8x128xf32, #tpu.memory_space<vmem>>, vector<1x16xf32>,
    %swap3A_1450 = vector.shape_cast %swap3A_1449 : vector<1x16xf32> to vector<16xf32>
    %swap3A_1451 = vector.shape_cast %select_n3A_1445 : vector<16xf32> to vector<1x16xf32>
    tpu.vector_store %arg5[%swap3A_1447, %swap3A_1448], %swap3A_1451 {strides = array<i32>} : memref<8x128xf32, #tpu.memory_space<vmem>>, vector<1x16xf32>,
    %eq3A_1452 = arith.constant 7 : i32
    %eq3A_1453 = vector.broadcast %eq3A_1452 : i32 to vector<16xi32>
    %eq3A_1454 = arith.cmpi eq, %select_n3A_1253, %eq3A_1453 : vector<16xi32>
    %eq3A_1455 = arith.constant 7 : i32
    %eq3A_1456 = vector.broadcast %eq3A_1455 : i32 to vector<16xi32>
    %eq3A_1457 = arith.cmpi eq, %select_n3A_1328, %eq3A_1456 : vector<16xi32>
    %jit3A_1458 = arith.constant 0.000000e+00 : f32
    %broadcast_in_dim3A_1459 = vector.broadcast %jit3A_1458 : f32 to vector<16xf32>
    %select_n3A_1460 = arith.select %eq3A_1457, %sub3A_1339, %broadcast_in_dim3A_1459 : vector<16xi1>, vector<16xf32>
    %select_n3A_1461 = arith.select %eq3A_1454, %div3A_1336, %select_n3A_1460 : vector<16xi1>, vector<16xf32>
    %swap3A_1462 = arith.constant 7 : i32
    %swap3A_1463 = arith.index_cast %swap3A_1462 : i32 to index
    %swap3A_1464 = arith.constant 64 : index
    %swap3A_1465 = tpu.vector_load %arg5[%swap3A_1463, %swap3A_1464] {strides = array<i32>} : memref<8x128xf32, #tpu.memory_space<vmem>>, vector<1x16xf32>,
    %swap3A_1466 = vector.shape_cast %swap3A_1465 : vector<1x16xf32> to vector<16xf32>
    %swap3A_1467 = vector.shape_cast %select_n3A_1461 : vector<16xf32> to vector<1x16xf32>
    tpu.vector_store %arg5[%swap3A_1463, %swap3A_1464], %swap3A_1467 {strides = array<i32>} : memref<8x128xf32, #tpu.memory_space<vmem>>, vector<1x16xf32>,
    %get3A_1468 = arith.constant 0 : i32
    %get3A_1469 = arith.index_cast %get3A_1468 : i32 to index
    %get3A_1470 = arith.constant 80 : index
    %get3A_1471 = tpu.vector_load %arg4[%get3A_1469, %get3A_1470] {strides = array<i32>} : memref<8x128xf32, #tpu.memory_space<vmem>>, vector<1x16xf32>,
    %get3A_1472 = vector.shape_cast %get3A_1471 : vector<1x16xf32> to vector<16xf32>
    %get3A_1473 = arith.constant 1 : i32
    %get3A_1474 = arith.index_cast %get3A_1473 : i32 to index
    %get3A_1475 = arith.constant 80 : index
    %get3A_1476 = tpu.vector_load %arg4[%get3A_1474, %get3A_1475] {strides = array<i32>} : memref<8x128xf32, #tpu.memory_space<vmem>>, vector<1x16xf32>,
    %get3A_1477 = vector.shape_cast %get3A_1476 : vector<1x16xf32> to vector<16xf32>
    %get3A_1478 = arith.constant 2 : i32
    %get3A_1479 = arith.index_cast %get3A_1478 : i32 to index
    %get3A_1480 = arith.constant 80 : index
    %get3A_1481 = tpu.vector_load %arg4[%get3A_1479, %get3A_1480] {strides = array<i32>} : memref<8x128xf32, #tpu.memory_space<vmem>>, vector<1x16xf32>,
    %get3A_1482 = vector.shape_cast %get3A_1481 : vector<1x16xf32> to vector<16xf32>
    %get3A_1483 = arith.constant 3 : i32
    %get3A_1484 = arith.index_cast %get3A_1483 : i32 to index
    %get3A_1485 = arith.constant 80 : index
    %get3A_1486 = tpu.vector_load %arg4[%get3A_1484, %get3A_1485] {strides = array<i32>} : memref<8x128xf32, #tpu.memory_space<vmem>>, vector<1x16xf32>,
    %get3A_1487 = vector.shape_cast %get3A_1486 : vector<1x16xf32> to vector<16xf32>
    %get3A_1488 = arith.constant 4 : i32
    %get3A_1489 = arith.index_cast %get3A_1488 : i32 to index
    %get3A_1490 = arith.constant 80 : index
    %get3A_1491 = tpu.vector_load %arg4[%get3A_1489, %get3A_1490] {strides = array<i32>} : memref<8x128xf32, #tpu.memory_space<vmem>>, vector<1x16xf32>,
    %get3A_1492 = vector.shape_cast %get3A_1491 : vector<1x16xf32> to vector<16xf32>
    %get3A_1493 = arith.constant 5 : i32
    %get3A_1494 = arith.index_cast %get3A_1493 : i32 to index
    %get3A_1495 = arith.constant 80 : index
    %get3A_1496 = tpu.vector_load %arg4[%get3A_1494, %get3A_1495] {strides = array<i32>} : memref<8x128xf32, #tpu.memory_space<vmem>>, vector<1x16xf32>,
    %get3A_1497 = vector.shape_cast %get3A_1496 : vector<1x16xf32> to vector<16xf32>
    %get3A_1498 = arith.constant 6 : i32
    %get3A_1499 = arith.index_cast %get3A_1498 : i32 to index
    %get3A_1500 = arith.constant 80 : index
    %get3A_1501 = tpu.vector_load %arg4[%get3A_1499, %get3A_1500] {strides = array<i32>} : memref<8x128xf32, #tpu.memory_space<vmem>>, vector<1x16xf32>,
    %get3A_1502 = vector.shape_cast %get3A_1501 : vector<1x16xf32> to vector<16xf32>
    %get3A_1503 = arith.constant 7 : i32
    %get3A_1504 = arith.index_cast %get3A_1503 : i32 to index
    %get3A_1505 = arith.constant 80 : index
    %get3A_1506 = tpu.vector_load %arg4[%get3A_1504, %get3A_1505] {strides = array<i32>} : memref<8x128xf32, #tpu.memory_space<vmem>>, vector<1x16xf32>,
    %get3A_1507 = vector.shape_cast %get3A_1506 : vector<1x16xf32> to vector<16xf32>
    %max3A_1508 = arith.maximumf %get3A_1472, %get3A_1477 : vector<16xf32>
    %max3A_1509 = arith.maximumf %max3A_1508, %get3A_1482 : vector<16xf32>
    %max3A_1510 = arith.maximumf %max3A_1509, %get3A_1487 : vector<16xf32>
    %max3A_1511 = arith.maximumf %max3A_1510, %get3A_1492 : vector<16xf32>
    %max3A_1512 = arith.maximumf %max3A_1511, %get3A_1497 : vector<16xf32>
    %max3A_1513 = arith.maximumf %max3A_1512, %get3A_1502 : vector<16xf32>
    %max3A_1514 = arith.maximumf %max3A_1513, %get3A_1507 : vector<16xf32>
    %broadcast_in_dim3A_1515 = arith.constant 0 : i32
    %broadcast_in_dim3A_1516 = vector.broadcast %broadcast_in_dim3A_1515 : i32 to vector<16xi32>
    %eq3A_1517 = arith.cmpf oeq, %get3A_1507, %max3A_1514 : vector<16xf32>
    %jit3A_1518 = arith.constant 7 : i32
    %broadcast_in_dim3A_1519 = vector.broadcast %jit3A_1518 : i32 to vector<16xi32>
    %select_n3A_1520 = arith.select %eq3A_1517, %broadcast_in_dim3A_1519, %broadcast_in_dim3A_1516 : vector<16xi1>, vector<16xi32>
    %eq3A_1521 = arith.cmpf oeq, %get3A_1502, %max3A_1514 : vector<16xf32>
    %jit3A_1522 = arith.constant 6 : i32
    %broadcast_in_dim3A_1523 = vector.broadcast %jit3A_1522 : i32 to vector<16xi32>
    %select_n3A_1524 = arith.select %eq3A_1521, %broadcast_in_dim3A_1523, %select_n3A_1520 : vector<16xi1>, vector<16xi32>
    %eq3A_1525 = arith.cmpf oeq, %get3A_1497, %max3A_1514 : vector<16xf32>
    %jit3A_1526 = arith.constant 5 : i32
    %broadcast_in_dim3A_1527 = vector.broadcast %jit3A_1526 : i32 to vector<16xi32>
    %select_n3A_1528 = arith.select %eq3A_1525, %broadcast_in_dim3A_1527, %select_n3A_1524 : vector<16xi1>, vector<16xi32>
    %eq3A_1529 = arith.cmpf oeq, %get3A_1492, %max3A_1514 : vector<16xf32>
    %jit3A_1530 = arith.constant 4 : i32
    %broadcast_in_dim3A_1531 = vector.broadcast %jit3A_1530 : i32 to vector<16xi32>
    %select_n3A_1532 = arith.select %eq3A_1529, %broadcast_in_dim3A_1531, %select_n3A_1528 : vector<16xi1>, vector<16xi32>
    %eq3A_1533 = arith.cmpf oeq, %get3A_1487, %max3A_1514 : vector<16xf32>
    %jit3A_1534 = arith.constant 3 : i32
    %broadcast_in_dim3A_1535 = vector.broadcast %jit3A_1534 : i32 to vector<16xi32>
    %select_n3A_1536 = arith.select %eq3A_1533, %broadcast_in_dim3A_1535, %select_n3A_1532 : vector<16xi1>, vector<16xi32>
    %eq3A_1537 = arith.cmpf oeq, %get3A_1482, %max3A_1514 : vector<16xf32>
    %jit3A_1538 = arith.constant 2 : i32
    %broadcast_in_dim3A_1539 = vector.broadcast %jit3A_1538 : i32 to vector<16xi32>
    %select_n3A_1540 = arith.select %eq3A_1537, %broadcast_in_dim3A_1539, %select_n3A_1536 : vector<16xi1>, vector<16xi32>
    %eq3A_1541 = arith.cmpf oeq, %get3A_1477, %max3A_1514 : vector<16xf32>
    %jit3A_1542 = arith.constant 1 : i32
    %broadcast_in_dim3A_1543 = vector.broadcast %jit3A_1542 : i32 to vector<16xi32>
    %select_n3A_1544 = arith.select %eq3A_1541, %broadcast_in_dim3A_1543, %select_n3A_1540 : vector<16xi1>, vector<16xi32>
    %eq3A_1545 = arith.cmpf oeq, %get3A_1472, %max3A_1514 : vector<16xf32>
    %jit3A_1546 = arith.constant 0 : i32
    %broadcast_in_dim3A_1547 = vector.broadcast %jit3A_1546 : i32 to vector<16xi32>
    %select_n3A_1548 = arith.select %eq3A_1545, %broadcast_in_dim3A_1547, %select_n3A_1544 : vector<16xi1>, vector<16xi32>
    %broadcast_in_dim3A_1549 = arith.constant -1.000000e+00 : f32
    %broadcast_in_dim3A_1550 = vector.broadcast %broadcast_in_dim3A_1549 : f32 to vector<16xf32>
    %eq3A_1551 = arith.constant 0 : i32
    %eq3A_1552 = vector.broadcast %eq3A_1551 : i32 to vector<16xi32>
    %eq3A_1553 = arith.cmpi eq, %select_n3A_1548, %eq3A_1552 : vector<16xi32>
    %select_n3A_1554 = arith.select %eq3A_1553, %broadcast_in_dim3A_1550, %get3A_1472 : vector<16xi1>, vector<16xf32>
    %eq3A_1555 = arith.constant 1 : i32
    %eq3A_1556 = vector.broadcast %eq3A_1555 : i32 to vector<16xi32>
    %eq3A_1557 = arith.cmpi eq, %select_n3A_1548, %eq3A_1556 : vector<16xi32>
    %select_n3A_1558 = arith.select %eq3A_1557, %broadcast_in_dim3A_1550, %get3A_1477 : vector<16xi1>, vector<16xf32>
    %eq3A_1559 = arith.constant 2 : i32
    %eq3A_1560 = vector.broadcast %eq3A_1559 : i32 to vector<16xi32>
    %eq3A_1561 = arith.cmpi eq, %select_n3A_1548, %eq3A_1560 : vector<16xi32>
    %select_n3A_1562 = arith.select %eq3A_1561, %broadcast_in_dim3A_1550, %get3A_1482 : vector<16xi1>, vector<16xf32>
    %eq3A_1563 = arith.constant 3 : i32
    %eq3A_1564 = vector.broadcast %eq3A_1563 : i32 to vector<16xi32>
    %eq3A_1565 = arith.cmpi eq, %select_n3A_1548, %eq3A_1564 : vector<16xi32>
    %select_n3A_1566 = arith.select %eq3A_1565, %broadcast_in_dim3A_1550, %get3A_1487 : vector<16xi1>, vector<16xf32>
    %eq3A_1567 = arith.constant 4 : i32
    %eq3A_1568 = vector.broadcast %eq3A_1567 : i32 to vector<16xi32>
    %eq3A_1569 = arith.cmpi eq, %select_n3A_1548, %eq3A_1568 : vector<16xi32>
    %select_n3A_1570 = arith.select %eq3A_1569, %broadcast_in_dim3A_1550, %get3A_1492 : vector<16xi1>, vector<16xf32>
    %eq3A_1571 = arith.constant 5 : i32
    %eq3A_1572 = vector.broadcast %eq3A_1571 : i32 to vector<16xi32>
    %eq3A_1573 = arith.cmpi eq, %select_n3A_1548, %eq3A_1572 : vector<16xi32>
    %select_n3A_1574 = arith.select %eq3A_1573, %broadcast_in_dim3A_1550, %get3A_1497 : vector<16xi1>, vector<16xf32>
    %eq3A_1575 = arith.constant 6 : i32
    %eq3A_1576 = vector.broadcast %eq3A_1575 : i32 to vector<16xi32>
    %eq3A_1577 = arith.cmpi eq, %select_n3A_1548, %eq3A_1576 : vector<16xi32>
    %select_n3A_1578 = arith.select %eq3A_1577, %broadcast_in_dim3A_1550, %get3A_1502 : vector<16xi1>, vector<16xf32>
    %eq3A_1579 = arith.constant 7 : i32
    %eq3A_1580 = vector.broadcast %eq3A_1579 : i32 to vector<16xi32>
    %eq3A_1581 = arith.cmpi eq, %select_n3A_1548, %eq3A_1580 : vector<16xi32>
    %select_n3A_1582 = arith.select %eq3A_1581, %broadcast_in_dim3A_1550, %get3A_1507 : vector<16xi1>, vector<16xf32>
    %max3A_1583 = arith.maximumf %select_n3A_1554, %select_n3A_1558 : vector<16xf32>
    %max3A_1584 = arith.maximumf %max3A_1583, %select_n3A_1562 : vector<16xf32>
    %max3A_1585 = arith.maximumf %max3A_1584, %select_n3A_1566 : vector<16xf32>
    %max3A_1586 = arith.maximumf %max3A_1585, %select_n3A_1570 : vector<16xf32>
    %max3A_1587 = arith.maximumf %max3A_1586, %select_n3A_1574 : vector<16xf32>
    %max3A_1588 = arith.maximumf %max3A_1587, %select_n3A_1578 : vector<16xf32>
    %max3A_1589 = arith.maximumf %max3A_1588, %select_n3A_1582 : vector<16xf32>
    %broadcast_in_dim3A_1590 = arith.constant 0 : i32
    %broadcast_in_dim3A_1591 = vector.broadcast %broadcast_in_dim3A_1590 : i32 to vector<16xi32>
    %eq3A_1592 = arith.cmpf oeq, %select_n3A_1582, %max3A_1589 : vector<16xf32>
    %jit3A_1593 = arith.constant 7 : i32
    %broadcast_in_dim3A_1594 = vector.broadcast %jit3A_1593 : i32 to vector<16xi32>
    %select_n3A_1595 = arith.select %eq3A_1592, %broadcast_in_dim3A_1594, %broadcast_in_dim3A_1591 : vector<16xi1>, vector<16xi32>
    %eq3A_1596 = arith.cmpf oeq, %select_n3A_1578, %max3A_1589 : vector<16xf32>
    %jit3A_1597 = arith.constant 6 : i32
    %broadcast_in_dim3A_1598 = vector.broadcast %jit3A_1597 : i32 to vector<16xi32>
    %select_n3A_1599 = arith.select %eq3A_1596, %broadcast_in_dim3A_1598, %select_n3A_1595 : vector<16xi1>, vector<16xi32>
    %eq3A_1600 = arith.cmpf oeq, %select_n3A_1574, %max3A_1589 : vector<16xf32>
    %jit3A_1601 = arith.constant 5 : i32
    %broadcast_in_dim3A_1602 = vector.broadcast %jit3A_1601 : i32 to vector<16xi32>
    %select_n3A_1603 = arith.select %eq3A_1600, %broadcast_in_dim3A_1602, %select_n3A_1599 : vector<16xi1>, vector<16xi32>
    %eq3A_1604 = arith.cmpf oeq, %select_n3A_1570, %max3A_1589 : vector<16xf32>
    %jit3A_1605 = arith.constant 4 : i32
    %broadcast_in_dim3A_1606 = vector.broadcast %jit3A_1605 : i32 to vector<16xi32>
    %select_n3A_1607 = arith.select %eq3A_1604, %broadcast_in_dim3A_1606, %select_n3A_1603 : vector<16xi1>, vector<16xi32>
    %eq3A_1608 = arith.cmpf oeq, %select_n3A_1566, %max3A_1589 : vector<16xf32>
    %jit3A_1609 = arith.constant 3 : i32
    %broadcast_in_dim3A_1610 = vector.broadcast %jit3A_1609 : i32 to vector<16xi32>
    %select_n3A_1611 = arith.select %eq3A_1608, %broadcast_in_dim3A_1610, %select_n3A_1607 : vector<16xi1>, vector<16xi32>
    %eq3A_1612 = arith.cmpf oeq, %select_n3A_1562, %max3A_1589 : vector<16xf32>
    %jit3A_1613 = arith.constant 2 : i32
    %broadcast_in_dim3A_1614 = vector.broadcast %jit3A_1613 : i32 to vector<16xi32>
    %select_n3A_1615 = arith.select %eq3A_1612, %broadcast_in_dim3A_1614, %select_n3A_1611 : vector<16xi1>, vector<16xi32>
    %eq3A_1616 = arith.cmpf oeq, %select_n3A_1558, %max3A_1589 : vector<16xf32>
    %jit3A_1617 = arith.constant 1 : i32
    %broadcast_in_dim3A_1618 = vector.broadcast %jit3A_1617 : i32 to vector<16xi32>
    %select_n3A_1619 = arith.select %eq3A_1616, %broadcast_in_dim3A_1618, %select_n3A_1615 : vector<16xi1>, vector<16xi32>
    %eq3A_1620 = arith.cmpf oeq, %select_n3A_1554, %max3A_1589 : vector<16xf32>
    %jit3A_1621 = arith.constant 0 : i32
    %broadcast_in_dim3A_1622 = vector.broadcast %jit3A_1621 : i32 to vector<16xi32>
    %select_n3A_1623 = arith.select %eq3A_1620, %broadcast_in_dim3A_1622, %select_n3A_1619 : vector<16xi1>, vector<16xi32>
    %sub3A_1624 = arith.subf %max3A_1589, %max3A_1514 : vector<16xf32>
    %exp3A_1625 = math.exp %sub3A_1624 : vector<16xf32>
    %add3A_1626 = arith.constant 1.000000e+00 : f32
    %add3A_1627 = vector.broadcast %add3A_1626 : f32 to vector<16xf32>
    %add3A_1628 = arith.addf %add3A_1627, %exp3A_1625 : vector<16xf32>
    %div3A_1629 = arith.constant 1.000000e+00 : f32
    %div3A_1630 = vector.broadcast %div3A_1629 : f32 to vector<16xf32>
    %div3A_1631 = arith.divf %div3A_1630, %add3A_1628 : vector<16xf32>
    %sub3A_1632 = arith.constant 1.000000e+00 : f32
    %sub3A_1633 = vector.broadcast %sub3A_1632 : f32 to vector<16xf32>
    %sub3A_1634 = arith.subf %sub3A_1633, %div3A_1631 : vector<16xf32>
    %eq3A_1635 = arith.constant 0 : i32
    %eq3A_1636 = vector.broadcast %eq3A_1635 : i32 to vector<16xi32>
    %eq3A_1637 = arith.cmpi eq, %select_n3A_1548, %eq3A_1636 : vector<16xi32>
    %eq3A_1638 = arith.constant 0 : i32
    %eq3A_1639 = vector.broadcast %eq3A_1638 : i32 to vector<16xi32>
    %eq3A_1640 = arith.cmpi eq, %select_n3A_1623, %eq3A_1639 : vector<16xi32>
    %jit3A_1641 = arith.constant 0.000000e+00 : f32
    %broadcast_in_dim3A_1642 = vector.broadcast %jit3A_1641 : f32 to vector<16xf32>
    %select_n3A_1643 = arith.select %eq3A_1640, %sub3A_1634, %broadcast_in_dim3A_1642 : vector<16xi1>, vector<16xf32>
    %select_n3A_1644 = arith.select %eq3A_1637, %div3A_1631, %select_n3A_1643 : vector<16xi1>, vector<16xf32>
    %swap3A_1645 = arith.constant 0 : i32
    %swap3A_1646 = arith.index_cast %swap3A_1645 : i32 to index
    %swap3A_1647 = arith.constant 80 : index
    %swap3A_1648 = tpu.vector_load %arg5[%swap3A_1646, %swap3A_1647] {strides = array<i32>} : memref<8x128xf32, #tpu.memory_space<vmem>>, vector<1x16xf32>,
    %swap3A_1649 = vector.shape_cast %swap3A_1648 : vector<1x16xf32> to vector<16xf32>
    %swap3A_1650 = vector.shape_cast %select_n3A_1644 : vector<16xf32> to vector<1x16xf32>
    tpu.vector_store %arg5[%swap3A_1646, %swap3A_1647], %swap3A_1650 {strides = array<i32>} : memref<8x128xf32, #tpu.memory_space<vmem>>, vector<1x16xf32>,
    %eq3A_1651 = arith.constant 1 : i32
    %eq3A_1652 = vector.broadcast %eq3A_1651 : i32 to vector<16xi32>
    %eq3A_1653 = arith.cmpi eq, %select_n3A_1548, %eq3A_1652 : vector<16xi32>
    %eq3A_1654 = arith.constant 1 : i32
    %eq3A_1655 = vector.broadcast %eq3A_1654 : i32 to vector<16xi32>
    %eq3A_1656 = arith.cmpi eq, %select_n3A_1623, %eq3A_1655 : vector<16xi32>
    %jit3A_1657 = arith.constant 0.000000e+00 : f32
    %broadcast_in_dim3A_1658 = vector.broadcast %jit3A_1657 : f32 to vector<16xf32>
    %select_n3A_1659 = arith.select %eq3A_1656, %sub3A_1634, %broadcast_in_dim3A_1658 : vector<16xi1>, vector<16xf32>
    %select_n3A_1660 = arith.select %eq3A_1653, %div3A_1631, %select_n3A_1659 : vector<16xi1>, vector<16xf32>
    %swap3A_1661 = arith.constant 1 : i32
    %swap3A_1662 = arith.index_cast %swap3A_1661 : i32 to index
    %swap3A_1663 = arith.constant 80 : index
    %swap3A_1664 = tpu.vector_load %arg5[%swap3A_1662, %swap3A_1663] {strides = array<i32>} : memref<8x128xf32, #tpu.memory_space<vmem>>, vector<1x16xf32>,
    %swap3A_1665 = vector.shape_cast %swap3A_1664 : vector<1x16xf32> to vector<16xf32>
    %swap3A_1666 = vector.shape_cast %select_n3A_1660 : vector<16xf32> to vector<1x16xf32>
    tpu.vector_store %arg5[%swap3A_1662, %swap3A_1663], %swap3A_1666 {strides = array<i32>} : memref<8x128xf32, #tpu.memory_space<vmem>>, vector<1x16xf32>,
    %eq3A_1667 = arith.constant 2 : i32
    %eq3A_1668 = vector.broadcast %eq3A_1667 : i32 to vector<16xi32>
    %eq3A_1669 = arith.cmpi eq, %select_n3A_1548, %eq3A_1668 : vector<16xi32>
    %eq3A_1670 = arith.constant 2 : i32
    %eq3A_1671 = vector.broadcast %eq3A_1670 : i32 to vector<16xi32>
    %eq3A_1672 = arith.cmpi eq, %select_n3A_1623, %eq3A_1671 : vector<16xi32>
    %jit3A_1673 = arith.constant 0.000000e+00 : f32
    %broadcast_in_dim3A_1674 = vector.broadcast %jit3A_1673 : f32 to vector<16xf32>
    %select_n3A_1675 = arith.select %eq3A_1672, %sub3A_1634, %broadcast_in_dim3A_1674 : vector<16xi1>, vector<16xf32>
    %select_n3A_1676 = arith.select %eq3A_1669, %div3A_1631, %select_n3A_1675 : vector<16xi1>, vector<16xf32>
    %swap3A_1677 = arith.constant 2 : i32
    %swap3A_1678 = arith.index_cast %swap3A_1677 : i32 to index
    %swap3A_1679 = arith.constant 80 : index
    %swap3A_1680 = tpu.vector_load %arg5[%swap3A_1678, %swap3A_1679] {strides = array<i32>} : memref<8x128xf32, #tpu.memory_space<vmem>>, vector<1x16xf32>,
    %swap3A_1681 = vector.shape_cast %swap3A_1680 : vector<1x16xf32> to vector<16xf32>
    %swap3A_1682 = vector.shape_cast %select_n3A_1676 : vector<16xf32> to vector<1x16xf32>
    tpu.vector_store %arg5[%swap3A_1678, %swap3A_1679], %swap3A_1682 {strides = array<i32>} : memref<8x128xf32, #tpu.memory_space<vmem>>, vector<1x16xf32>,
    %eq3A_1683 = arith.constant 3 : i32
    %eq3A_1684 = vector.broadcast %eq3A_1683 : i32 to vector<16xi32>
    %eq3A_1685 = arith.cmpi eq, %select_n3A_1548, %eq3A_1684 : vector<16xi32>
    %eq3A_1686 = arith.constant 3 : i32
    %eq3A_1687 = vector.broadcast %eq3A_1686 : i32 to vector<16xi32>
    %eq3A_1688 = arith.cmpi eq, %select_n3A_1623, %eq3A_1687 : vector<16xi32>
    %jit3A_1689 = arith.constant 0.000000e+00 : f32
    %broadcast_in_dim3A_1690 = vector.broadcast %jit3A_1689 : f32 to vector<16xf32>
    %select_n3A_1691 = arith.select %eq3A_1688, %sub3A_1634, %broadcast_in_dim3A_1690 : vector<16xi1>, vector<16xf32>
    %select_n3A_1692 = arith.select %eq3A_1685, %div3A_1631, %select_n3A_1691 : vector<16xi1>, vector<16xf32>
    %swap3A_1693 = arith.constant 3 : i32
    %swap3A_1694 = arith.index_cast %swap3A_1693 : i32 to index
    %swap3A_1695 = arith.constant 80 : index
    %swap3A_1696 = tpu.vector_load %arg5[%swap3A_1694, %swap3A_1695] {strides = array<i32>} : memref<8x128xf32, #tpu.memory_space<vmem>>, vector<1x16xf32>,
    %swap3A_1697 = vector.shape_cast %swap3A_1696 : vector<1x16xf32> to vector<16xf32>
    %swap3A_1698 = vector.shape_cast %select_n3A_1692 : vector<16xf32> to vector<1x16xf32>
    tpu.vector_store %arg5[%swap3A_1694, %swap3A_1695], %swap3A_1698 {strides = array<i32>} : memref<8x128xf32, #tpu.memory_space<vmem>>, vector<1x16xf32>,
    %eq3A_1699 = arith.constant 4 : i32
    %eq3A_1700 = vector.broadcast %eq3A_1699 : i32 to vector<16xi32>
    %eq3A_1701 = arith.cmpi eq, %select_n3A_1548, %eq3A_1700 : vector<16xi32>
    %eq3A_1702 = arith.constant 4 : i32
    %eq3A_1703 = vector.broadcast %eq3A_1702 : i32 to vector<16xi32>
    %eq3A_1704 = arith.cmpi eq, %select_n3A_1623, %eq3A_1703 : vector<16xi32>
    %jit3A_1705 = arith.constant 0.000000e+00 : f32
    %broadcast_in_dim3A_1706 = vector.broadcast %jit3A_1705 : f32 to vector<16xf32>
    %select_n3A_1707 = arith.select %eq3A_1704, %sub3A_1634, %broadcast_in_dim3A_1706 : vector<16xi1>, vector<16xf32>
    %select_n3A_1708 = arith.select %eq3A_1701, %div3A_1631, %select_n3A_1707 : vector<16xi1>, vector<16xf32>
    %swap3A_1709 = arith.constant 4 : i32
    %swap3A_1710 = arith.index_cast %swap3A_1709 : i32 to index
    %swap3A_1711 = arith.constant 80 : index
    %swap3A_1712 = tpu.vector_load %arg5[%swap3A_1710, %swap3A_1711] {strides = array<i32>} : memref<8x128xf32, #tpu.memory_space<vmem>>, vector<1x16xf32>,
    %swap3A_1713 = vector.shape_cast %swap3A_1712 : vector<1x16xf32> to vector<16xf32>
    %swap3A_1714 = vector.shape_cast %select_n3A_1708 : vector<16xf32> to vector<1x16xf32>
    tpu.vector_store %arg5[%swap3A_1710, %swap3A_1711], %swap3A_1714 {strides = array<i32>} : memref<8x128xf32, #tpu.memory_space<vmem>>, vector<1x16xf32>,
    %eq3A_1715 = arith.constant 5 : i32
    %eq3A_1716 = vector.broadcast %eq3A_1715 : i32 to vector<16xi32>
    %eq3A_1717 = arith.cmpi eq, %select_n3A_1548, %eq3A_1716 : vector<16xi32>
    %eq3A_1718 = arith.constant 5 : i32
    %eq3A_1719 = vector.broadcast %eq3A_1718 : i32 to vector<16xi32>
    %eq3A_1720 = arith.cmpi eq, %select_n3A_1623, %eq3A_1719 : vector<16xi32>
    %jit3A_1721 = arith.constant 0.000000e+00 : f32
    %broadcast_in_dim3A_1722 = vector.broadcast %jit3A_1721 : f32 to vector<16xf32>
    %select_n3A_1723 = arith.select %eq3A_1720, %sub3A_1634, %broadcast_in_dim3A_1722 : vector<16xi1>, vector<16xf32>
    %select_n3A_1724 = arith.select %eq3A_1717, %div3A_1631, %select_n3A_1723 : vector<16xi1>, vector<16xf32>
    %swap3A_1725 = arith.constant 5 : i32
    %swap3A_1726 = arith.index_cast %swap3A_1725 : i32 to index
    %swap3A_1727 = arith.constant 80 : index
    %swap3A_1728 = tpu.vector_load %arg5[%swap3A_1726, %swap3A_1727] {strides = array<i32>} : memref<8x128xf32, #tpu.memory_space<vmem>>, vector<1x16xf32>,
    %swap3A_1729 = vector.shape_cast %swap3A_1728 : vector<1x16xf32> to vector<16xf32>
    %swap3A_1730 = vector.shape_cast %select_n3A_1724 : vector<16xf32> to vector<1x16xf32>
    tpu.vector_store %arg5[%swap3A_1726, %swap3A_1727], %swap3A_1730 {strides = array<i32>} : memref<8x128xf32, #tpu.memory_space<vmem>>, vector<1x16xf32>,
    %eq3A_1731 = arith.constant 6 : i32
    %eq3A_1732 = vector.broadcast %eq3A_1731 : i32 to vector<16xi32>
    %eq3A_1733 = arith.cmpi eq, %select_n3A_1548, %eq3A_1732 : vector<16xi32>
    %eq3A_1734 = arith.constant 6 : i32
    %eq3A_1735 = vector.broadcast %eq3A_1734 : i32 to vector<16xi32>
    %eq3A_1736 = arith.cmpi eq, %select_n3A_1623, %eq3A_1735 : vector<16xi32>
    %jit3A_1737 = arith.constant 0.000000e+00 : f32
    %broadcast_in_dim3A_1738 = vector.broadcast %jit3A_1737 : f32 to vector<16xf32>
    %select_n3A_1739 = arith.select %eq3A_1736, %sub3A_1634, %broadcast_in_dim3A_1738 : vector<16xi1>, vector<16xf32>
    %select_n3A_1740 = arith.select %eq3A_1733, %div3A_1631, %select_n3A_1739 : vector<16xi1>, vector<16xf32>
    %swap3A_1741 = arith.constant 6 : i32
    %swap3A_1742 = arith.index_cast %swap3A_1741 : i32 to index
    %swap3A_1743 = arith.constant 80 : index
    %swap3A_1744 = tpu.vector_load %arg5[%swap3A_1742, %swap3A_1743] {strides = array<i32>} : memref<8x128xf32, #tpu.memory_space<vmem>>, vector<1x16xf32>,
    %swap3A_1745 = vector.shape_cast %swap3A_1744 : vector<1x16xf32> to vector<16xf32>
    %swap3A_1746 = vector.shape_cast %select_n3A_1740 : vector<16xf32> to vector<1x16xf32>
    tpu.vector_store %arg5[%swap3A_1742, %swap3A_1743], %swap3A_1746 {strides = array<i32>} : memref<8x128xf32, #tpu.memory_space<vmem>>, vector<1x16xf32>,
    %eq3A_1747 = arith.constant 7 : i32
    %eq3A_1748 = vector.broadcast %eq3A_1747 : i32 to vector<16xi32>
    %eq3A_1749 = arith.cmpi eq, %select_n3A_1548, %eq3A_1748 : vector<16xi32>
    %eq3A_1750 = arith.constant 7 : i32
    %eq3A_1751 = vector.broadcast %eq3A_1750 : i32 to vector<16xi32>
    %eq3A_1752 = arith.cmpi eq, %select_n3A_1623, %eq3A_1751 : vector<16xi32>
    %jit3A_1753 = arith.constant 0.000000e+00 : f32
    %broadcast_in_dim3A_1754 = vector.broadcast %jit3A_1753 : f32 to vector<16xf32>
    %select_n3A_1755 = arith.select %eq3A_1752, %sub3A_1634, %broadcast_in_dim3A_1754 : vector<16xi1>, vector<16xf32>
    %select_n3A_1756 = arith.select %eq3A_1749, %div3A_1631, %select_n3A_1755 : vector<16xi1>, vector<16xf32>
    %swap3A_1757 = arith.constant 7 : i32
    %swap3A_1758 = arith.index_cast %swap3A_1757 : i32 to index
    %swap3A_1759 = arith.constant 80 : index
    %swap3A_1760 = tpu.vector_load %arg5[%swap3A_1758, %swap3A_1759] {strides = array<i32>} : memref<8x128xf32, #tpu.memory_space<vmem>>, vector<1x16xf32>,
    %swap3A_1761 = vector.shape_cast %swap3A_1760 : vector<1x16xf32> to vector<16xf32>
    %swap3A_1762 = vector.shape_cast %select_n3A_1756 : vector<16xf32> to vector<1x16xf32>
    tpu.vector_store %arg5[%swap3A_1758, %swap3A_1759], %swap3A_1762 {strides = array<i32>} : memref<8x128xf32, #tpu.memory_space<vmem>>, vector<1x16xf32>,
    %get3A_1763 = arith.constant 0 : i32
    %get3A_1764 = arith.index_cast %get3A_1763 : i32 to index
    %get3A_1765 = arith.constant 96 : index
    %get3A_1766 = tpu.vector_load %arg4[%get3A_1764, %get3A_1765] {strides = array<i32>} : memref<8x128xf32, #tpu.memory_space<vmem>>, vector<1x16xf32>,
    %get3A_1767 = vector.shape_cast %get3A_1766 : vector<1x16xf32> to vector<16xf32>
    %get3A_1768 = arith.constant 1 : i32
    %get3A_1769 = arith.index_cast %get3A_1768 : i32 to index
    %get3A_1770 = arith.constant 96 : index
    %get3A_1771 = tpu.vector_load %arg4[%get3A_1769, %get3A_1770] {strides = array<i32>} : memref<8x128xf32, #tpu.memory_space<vmem>>, vector<1x16xf32>,
    %get3A_1772 = vector.shape_cast %get3A_1771 : vector<1x16xf32> to vector<16xf32>
    %get3A_1773 = arith.constant 2 : i32
    %get3A_1774 = arith.index_cast %get3A_1773 : i32 to index
    %get3A_1775 = arith.constant 96 : index
    %get3A_1776 = tpu.vector_load %arg4[%get3A_1774, %get3A_1775] {strides = array<i32>} : memref<8x128xf32, #tpu.memory_space<vmem>>, vector<1x16xf32>,
    %get3A_1777 = vector.shape_cast %get3A_1776 : vector<1x16xf32> to vector<16xf32>
    %get3A_1778 = arith.constant 3 : i32
    %get3A_1779 = arith.index_cast %get3A_1778 : i32 to index
    %get3A_1780 = arith.constant 96 : index
    %get3A_1781 = tpu.vector_load %arg4[%get3A_1779, %get3A_1780] {strides = array<i32>} : memref<8x128xf32, #tpu.memory_space<vmem>>, vector<1x16xf32>,
    %get3A_1782 = vector.shape_cast %get3A_1781 : vector<1x16xf32> to vector<16xf32>
    %get3A_1783 = arith.constant 4 : i32
    %get3A_1784 = arith.index_cast %get3A_1783 : i32 to index
    %get3A_1785 = arith.constant 96 : index
    %get3A_1786 = tpu.vector_load %arg4[%get3A_1784, %get3A_1785] {strides = array<i32>} : memref<8x128xf32, #tpu.memory_space<vmem>>, vector<1x16xf32>,
    %get3A_1787 = vector.shape_cast %get3A_1786 : vector<1x16xf32> to vector<16xf32>
    %get3A_1788 = arith.constant 5 : i32
    %get3A_1789 = arith.index_cast %get3A_1788 : i32 to index
    %get3A_1790 = arith.constant 96 : index
    %get3A_1791 = tpu.vector_load %arg4[%get3A_1789, %get3A_1790] {strides = array<i32>} : memref<8x128xf32, #tpu.memory_space<vmem>>, vector<1x16xf32>,
    %get3A_1792 = vector.shape_cast %get3A_1791 : vector<1x16xf32> to vector<16xf32>
    %get3A_1793 = arith.constant 6 : i32
    %get3A_1794 = arith.index_cast %get3A_1793 : i32 to index
    %get3A_1795 = arith.constant 96 : index
    %get3A_1796 = tpu.vector_load %arg4[%get3A_1794, %get3A_1795] {strides = array<i32>} : memref<8x128xf32, #tpu.memory_space<vmem>>, vector<1x16xf32>,
    %get3A_1797 = vector.shape_cast %get3A_1796 : vector<1x16xf32> to vector<16xf32>
    %get3A_1798 = arith.constant 7 : i32
    %get3A_1799 = arith.index_cast %get3A_1798 : i32 to index
    %get3A_1800 = arith.constant 96 : index
    %get3A_1801 = tpu.vector_load %arg4[%get3A_1799, %get3A_1800] {strides = array<i32>} : memref<8x128xf32, #tpu.memory_space<vmem>>, vector<1x16xf32>,
    %get3A_1802 = vector.shape_cast %get3A_1801 : vector<1x16xf32> to vector<16xf32>
    %max3A_1803 = arith.maximumf %get3A_1767, %get3A_1772 : vector<16xf32>
    %max3A_1804 = arith.maximumf %max3A_1803, %get3A_1777 : vector<16xf32>
    %max3A_1805 = arith.maximumf %max3A_1804, %get3A_1782 : vector<16xf32>
    %max3A_1806 = arith.maximumf %max3A_1805, %get3A_1787 : vector<16xf32>
    %max3A_1807 = arith.maximumf %max3A_1806, %get3A_1792 : vector<16xf32>
    %max3A_1808 = arith.maximumf %max3A_1807, %get3A_1797 : vector<16xf32>
    %max3A_1809 = arith.maximumf %max3A_1808, %get3A_1802 : vector<16xf32>
    %broadcast_in_dim3A_1810 = arith.constant 0 : i32
    %broadcast_in_dim3A_1811 = vector.broadcast %broadcast_in_dim3A_1810 : i32 to vector<16xi32>
    %eq3A_1812 = arith.cmpf oeq, %get3A_1802, %max3A_1809 : vector<16xf32>
    %jit3A_1813 = arith.constant 7 : i32
    %broadcast_in_dim3A_1814 = vector.broadcast %jit3A_1813 : i32 to vector<16xi32>
    %select_n3A_1815 = arith.select %eq3A_1812, %broadcast_in_dim3A_1814, %broadcast_in_dim3A_1811 : vector<16xi1>, vector<16xi32>
    %eq3A_1816 = arith.cmpf oeq, %get3A_1797, %max3A_1809 : vector<16xf32>
    %jit3A_1817 = arith.constant 6 : i32
    %broadcast_in_dim3A_1818 = vector.broadcast %jit3A_1817 : i32 to vector<16xi32>
    %select_n3A_1819 = arith.select %eq3A_1816, %broadcast_in_dim3A_1818, %select_n3A_1815 : vector<16xi1>, vector<16xi32>
    %eq3A_1820 = arith.cmpf oeq, %get3A_1792, %max3A_1809 : vector<16xf32>
    %jit3A_1821 = arith.constant 5 : i32
    %broadcast_in_dim3A_1822 = vector.broadcast %jit3A_1821 : i32 to vector<16xi32>
    %select_n3A_1823 = arith.select %eq3A_1820, %broadcast_in_dim3A_1822, %select_n3A_1819 : vector<16xi1>, vector<16xi32>
    %eq3A_1824 = arith.cmpf oeq, %get3A_1787, %max3A_1809 : vector<16xf32>
    %jit3A_1825 = arith.constant 4 : i32
    %broadcast_in_dim3A_1826 = vector.broadcast %jit3A_1825 : i32 to vector<16xi32>
    %select_n3A_1827 = arith.select %eq3A_1824, %broadcast_in_dim3A_1826, %select_n3A_1823 : vector<16xi1>, vector<16xi32>
    %eq3A_1828 = arith.cmpf oeq, %get3A_1782, %max3A_1809 : vector<16xf32>
    %jit3A_1829 = arith.constant 3 : i32
    %broadcast_in_dim3A_1830 = vector.broadcast %jit3A_1829 : i32 to vector<16xi32>
    %select_n3A_1831 = arith.select %eq3A_1828, %broadcast_in_dim3A_1830, %select_n3A_1827 : vector<16xi1>, vector<16xi32>
    %eq3A_1832 = arith.cmpf oeq, %get3A_1777, %max3A_1809 : vector<16xf32>
    %jit3A_1833 = arith.constant 2 : i32
    %broadcast_in_dim3A_1834 = vector.broadcast %jit3A_1833 : i32 to vector<16xi32>
    %select_n3A_1835 = arith.select %eq3A_1832, %broadcast_in_dim3A_1834, %select_n3A_1831 : vector<16xi1>, vector<16xi32>
    %eq3A_1836 = arith.cmpf oeq, %get3A_1772, %max3A_1809 : vector<16xf32>
    %jit3A_1837 = arith.constant 1 : i32
    %broadcast_in_dim3A_1838 = vector.broadcast %jit3A_1837 : i32 to vector<16xi32>
    %select_n3A_1839 = arith.select %eq3A_1836, %broadcast_in_dim3A_1838, %select_n3A_1835 : vector<16xi1>, vector<16xi32>
    %eq3A_1840 = arith.cmpf oeq, %get3A_1767, %max3A_1809 : vector<16xf32>
    %jit3A_1841 = arith.constant 0 : i32
    %broadcast_in_dim3A_1842 = vector.broadcast %jit3A_1841 : i32 to vector<16xi32>
    %select_n3A_1843 = arith.select %eq3A_1840, %broadcast_in_dim3A_1842, %select_n3A_1839 : vector<16xi1>, vector<16xi32>
    %broadcast_in_dim3A_1844 = arith.constant -1.000000e+00 : f32
    %broadcast_in_dim3A_1845 = vector.broadcast %broadcast_in_dim3A_1844 : f32 to vector<16xf32>
    %eq3A_1846 = arith.constant 0 : i32
    %eq3A_1847 = vector.broadcast %eq3A_1846 : i32 to vector<16xi32>
    %eq3A_1848 = arith.cmpi eq, %select_n3A_1843, %eq3A_1847 : vector<16xi32>
    %select_n3A_1849 = arith.select %eq3A_1848, %broadcast_in_dim3A_1845, %get3A_1767 : vector<16xi1>, vector<16xf32>
    %eq3A_1850 = arith.constant 1 : i32
    %eq3A_1851 = vector.broadcast %eq3A_1850 : i32 to vector<16xi32>
    %eq3A_1852 = arith.cmpi eq, %select_n3A_1843, %eq3A_1851 : vector<16xi32>
    %select_n3A_1853 = arith.select %eq3A_1852, %broadcast_in_dim3A_1845, %get3A_1772 : vector<16xi1>, vector<16xf32>
    %eq3A_1854 = arith.constant 2 : i32
    %eq3A_1855 = vector.broadcast %eq3A_1854 : i32 to vector<16xi32>
    %eq3A_1856 = arith.cmpi eq, %select_n3A_1843, %eq3A_1855 : vector<16xi32>
    %select_n3A_1857 = arith.select %eq3A_1856, %broadcast_in_dim3A_1845, %get3A_1777 : vector<16xi1>, vector<16xf32>
    %eq3A_1858 = arith.constant 3 : i32
    %eq3A_1859 = vector.broadcast %eq3A_1858 : i32 to vector<16xi32>
    %eq3A_1860 = arith.cmpi eq, %select_n3A_1843, %eq3A_1859 : vector<16xi32>
    %select_n3A_1861 = arith.select %eq3A_1860, %broadcast_in_dim3A_1845, %get3A_1782 : vector<16xi1>, vector<16xf32>
    %eq3A_1862 = arith.constant 4 : i32
    %eq3A_1863 = vector.broadcast %eq3A_1862 : i32 to vector<16xi32>
    %eq3A_1864 = arith.cmpi eq, %select_n3A_1843, %eq3A_1863 : vector<16xi32>
    %select_n3A_1865 = arith.select %eq3A_1864, %broadcast_in_dim3A_1845, %get3A_1787 : vector<16xi1>, vector<16xf32>
    %eq3A_1866 = arith.constant 5 : i32
    %eq3A_1867 = vector.broadcast %eq3A_1866 : i32 to vector<16xi32>
    %eq3A_1868 = arith.cmpi eq, %select_n3A_1843, %eq3A_1867 : vector<16xi32>
    %select_n3A_1869 = arith.select %eq3A_1868, %broadcast_in_dim3A_1845, %get3A_1792 : vector<16xi1>, vector<16xf32>
    %eq3A_1870 = arith.constant 6 : i32
    %eq3A_1871 = vector.broadcast %eq3A_1870 : i32 to vector<16xi32>
    %eq3A_1872 = arith.cmpi eq, %select_n3A_1843, %eq3A_1871 : vector<16xi32>
    %select_n3A_1873 = arith.select %eq3A_1872, %broadcast_in_dim3A_1845, %get3A_1797 : vector<16xi1>, vector<16xf32>
    %eq3A_1874 = arith.constant 7 : i32
    %eq3A_1875 = vector.broadcast %eq3A_1874 : i32 to vector<16xi32>
    %eq3A_1876 = arith.cmpi eq, %select_n3A_1843, %eq3A_1875 : vector<16xi32>
    %select_n3A_1877 = arith.select %eq3A_1876, %broadcast_in_dim3A_1845, %get3A_1802 : vector<16xi1>, vector<16xf32>
    %max3A_1878 = arith.maximumf %select_n3A_1849, %select_n3A_1853 : vector<16xf32>
    %max3A_1879 = arith.maximumf %max3A_1878, %select_n3A_1857 : vector<16xf32>
    %max3A_1880 = arith.maximumf %max3A_1879, %select_n3A_1861 : vector<16xf32>
    %max3A_1881 = arith.maximumf %max3A_1880, %select_n3A_1865 : vector<16xf32>
    %max3A_1882 = arith.maximumf %max3A_1881, %select_n3A_1869 : vector<16xf32>
    %max3A_1883 = arith.maximumf %max3A_1882, %select_n3A_1873 : vector<16xf32>
    %max3A_1884 = arith.maximumf %max3A_1883, %select_n3A_1877 : vector<16xf32>
    %broadcast_in_dim3A_1885 = arith.constant 0 : i32
    %broadcast_in_dim3A_1886 = vector.broadcast %broadcast_in_dim3A_1885 : i32 to vector<16xi32>
    %eq3A_1887 = arith.cmpf oeq, %select_n3A_1877, %max3A_1884 : vector<16xf32>
    %jit3A_1888 = arith.constant 7 : i32
    %broadcast_in_dim3A_1889 = vector.broadcast %jit3A_1888 : i32 to vector<16xi32>
    %select_n3A_1890 = arith.select %eq3A_1887, %broadcast_in_dim3A_1889, %broadcast_in_dim3A_1886 : vector<16xi1>, vector<16xi32>
    %eq3A_1891 = arith.cmpf oeq, %select_n3A_1873, %max3A_1884 : vector<16xf32>
    %jit3A_1892 = arith.constant 6 : i32
    %broadcast_in_dim3A_1893 = vector.broadcast %jit3A_1892 : i32 to vector<16xi32>
    %select_n3A_1894 = arith.select %eq3A_1891, %broadcast_in_dim3A_1893, %select_n3A_1890 : vector<16xi1>, vector<16xi32>
    %eq3A_1895 = arith.cmpf oeq, %select_n3A_1869, %max3A_1884 : vector<16xf32>
    %jit3A_1896 = arith.constant 5 : i32
    %broadcast_in_dim3A_1897 = vector.broadcast %jit3A_1896 : i32 to vector<16xi32>
    %select_n3A_1898 = arith.select %eq3A_1895, %broadcast_in_dim3A_1897, %select_n3A_1894 : vector<16xi1>, vector<16xi32>
    %eq3A_1899 = arith.cmpf oeq, %select_n3A_1865, %max3A_1884 : vector<16xf32>
    %jit3A_1900 = arith.constant 4 : i32
    %broadcast_in_dim3A_1901 = vector.broadcast %jit3A_1900 : i32 to vector<16xi32>
    %select_n3A_1902 = arith.select %eq3A_1899, %broadcast_in_dim3A_1901, %select_n3A_1898 : vector<16xi1>, vector<16xi32>
    %eq3A_1903 = arith.cmpf oeq, %select_n3A_1861, %max3A_1884 : vector<16xf32>
    %jit3A_1904 = arith.constant 3 : i32
    %broadcast_in_dim3A_1905 = vector.broadcast %jit3A_1904 : i32 to vector<16xi32>
    %select_n3A_1906 = arith.select %eq3A_1903, %broadcast_in_dim3A_1905, %select_n3A_1902 : vector<16xi1>, vector<16xi32>
    %eq3A_1907 = arith.cmpf oeq, %select_n3A_1857, %max3A_1884 : vector<16xf32>
    %jit3A_1908 = arith.constant 2 : i32
    %broadcast_in_dim3A_1909 = vector.broadcast %jit3A_1908 : i32 to vector<16xi32>
    %select_n3A_1910 = arith.select %eq3A_1907, %broadcast_in_dim3A_1909, %select_n3A_1906 : vector<16xi1>, vector<16xi32>
    %eq3A_1911 = arith.cmpf oeq, %select_n3A_1853, %max3A_1884 : vector<16xf32>
    %jit3A_1912 = arith.constant 1 : i32
    %broadcast_in_dim3A_1913 = vector.broadcast %jit3A_1912 : i32 to vector<16xi32>
    %select_n3A_1914 = arith.select %eq3A_1911, %broadcast_in_dim3A_1913, %select_n3A_1910 : vector<16xi1>, vector<16xi32>
    %eq3A_1915 = arith.cmpf oeq, %select_n3A_1849, %max3A_1884 : vector<16xf32>
    %jit3A_1916 = arith.constant 0 : i32
    %broadcast_in_dim3A_1917 = vector.broadcast %jit3A_1916 : i32 to vector<16xi32>
    %select_n3A_1918 = arith.select %eq3A_1915, %broadcast_in_dim3A_1917, %select_n3A_1914 : vector<16xi1>, vector<16xi32>
    %sub3A_1919 = arith.subf %max3A_1884, %max3A_1809 : vector<16xf32>
    %exp3A_1920 = math.exp %sub3A_1919 : vector<16xf32>
    %add3A_1921 = arith.constant 1.000000e+00 : f32
    %add3A_1922 = vector.broadcast %add3A_1921 : f32 to vector<16xf32>
    %add3A_1923 = arith.addf %add3A_1922, %exp3A_1920 : vector<16xf32>
    %div3A_1924 = arith.constant 1.000000e+00 : f32
    %div3A_1925 = vector.broadcast %div3A_1924 : f32 to vector<16xf32>
    %div3A_1926 = arith.divf %div3A_1925, %add3A_1923 : vector<16xf32>
    %sub3A_1927 = arith.constant 1.000000e+00 : f32
    %sub3A_1928 = vector.broadcast %sub3A_1927 : f32 to vector<16xf32>
    %sub3A_1929 = arith.subf %sub3A_1928, %div3A_1926 : vector<16xf32>
    %eq3A_1930 = arith.constant 0 : i32
    %eq3A_1931 = vector.broadcast %eq3A_1930 : i32 to vector<16xi32>
    %eq3A_1932 = arith.cmpi eq, %select_n3A_1843, %eq3A_1931 : vector<16xi32>
    %eq3A_1933 = arith.constant 0 : i32
    %eq3A_1934 = vector.broadcast %eq3A_1933 : i32 to vector<16xi32>
    %eq3A_1935 = arith.cmpi eq, %select_n3A_1918, %eq3A_1934 : vector<16xi32>
    %jit3A_1936 = arith.constant 0.000000e+00 : f32
    %broadcast_in_dim3A_1937 = vector.broadcast %jit3A_1936 : f32 to vector<16xf32>
    %select_n3A_1938 = arith.select %eq3A_1935, %sub3A_1929, %broadcast_in_dim3A_1937 : vector<16xi1>, vector<16xf32>
    %select_n3A_1939 = arith.select %eq3A_1932, %div3A_1926, %select_n3A_1938 : vector<16xi1>, vector<16xf32>
    %swap3A_1940 = arith.constant 0 : i32
    %swap3A_1941 = arith.index_cast %swap3A_1940 : i32 to index
    %swap3A_1942 = arith.constant 96 : index
    %swap3A_1943 = tpu.vector_load %arg5[%swap3A_1941, %swap3A_1942] {strides = array<i32>} : memref<8x128xf32, #tpu.memory_space<vmem>>, vector<1x16xf32>,
    %swap3A_1944 = vector.shape_cast %swap3A_1943 : vector<1x16xf32> to vector<16xf32>
    %swap3A_1945 = vector.shape_cast %select_n3A_1939 : vector<16xf32> to vector<1x16xf32>
    tpu.vector_store %arg5[%swap3A_1941, %swap3A_1942], %swap3A_1945 {strides = array<i32>} : memref<8x128xf32, #tpu.memory_space<vmem>>, vector<1x16xf32>,
    %eq3A_1946 = arith.constant 1 : i32
    %eq3A_1947 = vector.broadcast %eq3A_1946 : i32 to vector<16xi32>
    %eq3A_1948 = arith.cmpi eq, %select_n3A_1843, %eq3A_1947 : vector<16xi32>
    %eq3A_1949 = arith.constant 1 : i32
    %eq3A_1950 = vector.broadcast %eq3A_1949 : i32 to vector<16xi32>
    %eq3A_1951 = arith.cmpi eq, %select_n3A_1918, %eq3A_1950 : vector<16xi32>
    %jit3A_1952 = arith.constant 0.000000e+00 : f32
    %broadcast_in_dim3A_1953 = vector.broadcast %jit3A_1952 : f32 to vector<16xf32>
    %select_n3A_1954 = arith.select %eq3A_1951, %sub3A_1929, %broadcast_in_dim3A_1953 : vector<16xi1>, vector<16xf32>
    %select_n3A_1955 = arith.select %eq3A_1948, %div3A_1926, %select_n3A_1954 : vector<16xi1>, vector<16xf32>
    %swap3A_1956 = arith.constant 1 : i32
    %swap3A_1957 = arith.index_cast %swap3A_1956 : i32 to index
    %swap3A_1958 = arith.constant 96 : index
    %swap3A_1959 = tpu.vector_load %arg5[%swap3A_1957, %swap3A_1958] {strides = array<i32>} : memref<8x128xf32, #tpu.memory_space<vmem>>, vector<1x16xf32>,
    %swap3A_1960 = vector.shape_cast %swap3A_1959 : vector<1x16xf32> to vector<16xf32>
    %swap3A_1961 = vector.shape_cast %select_n3A_1955 : vector<16xf32> to vector<1x16xf32>
    tpu.vector_store %arg5[%swap3A_1957, %swap3A_1958], %swap3A_1961 {strides = array<i32>} : memref<8x128xf32, #tpu.memory_space<vmem>>, vector<1x16xf32>,
    %eq3A_1962 = arith.constant 2 : i32
    %eq3A_1963 = vector.broadcast %eq3A_1962 : i32 to vector<16xi32>
    %eq3A_1964 = arith.cmpi eq, %select_n3A_1843, %eq3A_1963 : vector<16xi32>
    %eq3A_1965 = arith.constant 2 : i32
    %eq3A_1966 = vector.broadcast %eq3A_1965 : i32 to vector<16xi32>
    %eq3A_1967 = arith.cmpi eq, %select_n3A_1918, %eq3A_1966 : vector<16xi32>
    %jit3A_1968 = arith.constant 0.000000e+00 : f32
    %broadcast_in_dim3A_1969 = vector.broadcast %jit3A_1968 : f32 to vector<16xf32>
    %select_n3A_1970 = arith.select %eq3A_1967, %sub3A_1929, %broadcast_in_dim3A_1969 : vector<16xi1>, vector<16xf32>
    %select_n3A_1971 = arith.select %eq3A_1964, %div3A_1926, %select_n3A_1970 : vector<16xi1>, vector<16xf32>
    %swap3A_1972 = arith.constant 2 : i32
    %swap3A_1973 = arith.index_cast %swap3A_1972 : i32 to index
    %swap3A_1974 = arith.constant 96 : index
    %swap3A_1975 = tpu.vector_load %arg5[%swap3A_1973, %swap3A_1974] {strides = array<i32>} : memref<8x128xf32, #tpu.memory_space<vmem>>, vector<1x16xf32>,
    %swap3A_1976 = vector.shape_cast %swap3A_1975 : vector<1x16xf32> to vector<16xf32>
    %swap3A_1977 = vector.shape_cast %select_n3A_1971 : vector<16xf32> to vector<1x16xf32>
    tpu.vector_store %arg5[%swap3A_1973, %swap3A_1974], %swap3A_1977 {strides = array<i32>} : memref<8x128xf32, #tpu.memory_space<vmem>>, vector<1x16xf32>,
    %eq3A_1978 = arith.constant 3 : i32
    %eq3A_1979 = vector.broadcast %eq3A_1978 : i32 to vector<16xi32>
    %eq3A_1980 = arith.cmpi eq, %select_n3A_1843, %eq3A_1979 : vector<16xi32>
    %eq3A_1981 = arith.constant 3 : i32
    %eq3A_1982 = vector.broadcast %eq3A_1981 : i32 to vector<16xi32>
    %eq3A_1983 = arith.cmpi eq, %select_n3A_1918, %eq3A_1982 : vector<16xi32>
    %jit3A_1984 = arith.constant 0.000000e+00 : f32
    %broadcast_in_dim3A_1985 = vector.broadcast %jit3A_1984 : f32 to vector<16xf32>
    %select_n3A_1986 = arith.select %eq3A_1983, %sub3A_1929, %broadcast_in_dim3A_1985 : vector<16xi1>, vector<16xf32>
    %select_n3A_1987 = arith.select %eq3A_1980, %div3A_1926, %select_n3A_1986 : vector<16xi1>, vector<16xf32>
    %swap3A_1988 = arith.constant 3 : i32
    %swap3A_1989 = arith.index_cast %swap3A_1988 : i32 to index
    %swap3A_1990 = arith.constant 96 : index
    %swap3A_1991 = tpu.vector_load %arg5[%swap3A_1989, %swap3A_1990] {strides = array<i32>} : memref<8x128xf32, #tpu.memory_space<vmem>>, vector<1x16xf32>,
    %swap3A_1992 = vector.shape_cast %swap3A_1991 : vector<1x16xf32> to vector<16xf32>
    %swap3A_1993 = vector.shape_cast %select_n3A_1987 : vector<16xf32> to vector<1x16xf32>
    tpu.vector_store %arg5[%swap3A_1989, %swap3A_1990], %swap3A_1993 {strides = array<i32>} : memref<8x128xf32, #tpu.memory_space<vmem>>, vector<1x16xf32>,
    %eq3A_1994 = arith.constant 4 : i32
    %eq3A_1995 = vector.broadcast %eq3A_1994 : i32 to vector<16xi32>
    %eq3A_1996 = arith.cmpi eq, %select_n3A_1843, %eq3A_1995 : vector<16xi32>
    %eq3A_1997 = arith.constant 4 : i32
    %eq3A_1998 = vector.broadcast %eq3A_1997 : i32 to vector<16xi32>
    %eq3A_1999 = arith.cmpi eq, %select_n3A_1918, %eq3A_1998 : vector<16xi32>
    %jit3A_2000 = arith.constant 0.000000e+00 : f32
    %broadcast_in_dim3A_2001 = vector.broadcast %jit3A_2000 : f32 to vector<16xf32>
    %select_n3A_2002 = arith.select %eq3A_1999, %sub3A_1929, %broadcast_in_dim3A_2001 : vector<16xi1>, vector<16xf32>
    %select_n3A_2003 = arith.select %eq3A_1996, %div3A_1926, %select_n3A_2002 : vector<16xi1>, vector<16xf32>
    %swap3A_2004 = arith.constant 4 : i32
    %swap3A_2005 = arith.index_cast %swap3A_2004 : i32 to index
    %swap3A_2006 = arith.constant 96 : index
    %swap3A_2007 = tpu.vector_load %arg5[%swap3A_2005, %swap3A_2006] {strides = array<i32>} : memref<8x128xf32, #tpu.memory_space<vmem>>, vector<1x16xf32>,
    %swap3A_2008 = vector.shape_cast %swap3A_2007 : vector<1x16xf32> to vector<16xf32>
    %swap3A_2009 = vector.shape_cast %select_n3A_2003 : vector<16xf32> to vector<1x16xf32>
    tpu.vector_store %arg5[%swap3A_2005, %swap3A_2006], %swap3A_2009 {strides = array<i32>} : memref<8x128xf32, #tpu.memory_space<vmem>>, vector<1x16xf32>,
    %eq3A_2010 = arith.constant 5 : i32
    %eq3A_2011 = vector.broadcast %eq3A_2010 : i32 to vector<16xi32>
    %eq3A_2012 = arith.cmpi eq, %select_n3A_1843, %eq3A_2011 : vector<16xi32>
    %eq3A_2013 = arith.constant 5 : i32
    %eq3A_2014 = vector.broadcast %eq3A_2013 : i32 to vector<16xi32>
    %eq3A_2015 = arith.cmpi eq, %select_n3A_1918, %eq3A_2014 : vector<16xi32>
    %jit3A_2016 = arith.constant 0.000000e+00 : f32
    %broadcast_in_dim3A_2017 = vector.broadcast %jit3A_2016 : f32 to vector<16xf32>
    %select_n3A_2018 = arith.select %eq3A_2015, %sub3A_1929, %broadcast_in_dim3A_2017 : vector<16xi1>, vector<16xf32>
    %select_n3A_2019 = arith.select %eq3A_2012, %div3A_1926, %select_n3A_2018 : vector<16xi1>, vector<16xf32>
    %swap3A_2020 = arith.constant 5 : i32
    %swap3A_2021 = arith.index_cast %swap3A_2020 : i32 to index
    %swap3A_2022 = arith.constant 96 : index
    %swap3A_2023 = tpu.vector_load %arg5[%swap3A_2021, %swap3A_2022] {strides = array<i32>} : memref<8x128xf32, #tpu.memory_space<vmem>>, vector<1x16xf32>,
    %swap3A_2024 = vector.shape_cast %swap3A_2023 : vector<1x16xf32> to vector<16xf32>
    %swap3A_2025 = vector.shape_cast %select_n3A_2019 : vector<16xf32> to vector<1x16xf32>
    tpu.vector_store %arg5[%swap3A_2021, %swap3A_2022], %swap3A_2025 {strides = array<i32>} : memref<8x128xf32, #tpu.memory_space<vmem>>, vector<1x16xf32>,
    %eq3A_2026 = arith.constant 6 : i32
    %eq3A_2027 = vector.broadcast %eq3A_2026 : i32 to vector<16xi32>
    %eq3A_2028 = arith.cmpi eq, %select_n3A_1843, %eq3A_2027 : vector<16xi32>
    %eq3A_2029 = arith.constant 6 : i32
    %eq3A_2030 = vector.broadcast %eq3A_2029 : i32 to vector<16xi32>
    %eq3A_2031 = arith.cmpi eq, %select_n3A_1918, %eq3A_2030 : vector<16xi32>
    %jit3A_2032 = arith.constant 0.000000e+00 : f32
    %broadcast_in_dim3A_2033 = vector.broadcast %jit3A_2032 : f32 to vector<16xf32>
    %select_n3A_2034 = arith.select %eq3A_2031, %sub3A_1929, %broadcast_in_dim3A_2033 : vector<16xi1>, vector<16xf32>
    %select_n3A_2035 = arith.select %eq3A_2028, %div3A_1926, %select_n3A_2034 : vector<16xi1>, vector<16xf32>
    %swap3A_2036 = arith.constant 6 : i32
    %swap3A_2037 = arith.index_cast %swap3A_2036 : i32 to index
    %swap3A_2038 = arith.constant 96 : index
    %swap3A_2039 = tpu.vector_load %arg5[%swap3A_2037, %swap3A_2038] {strides = array<i32>} : memref<8x128xf32, #tpu.memory_space<vmem>>, vector<1x16xf32>,
    %swap3A_2040 = vector.shape_cast %swap3A_2039 : vector<1x16xf32> to vector<16xf32>
    %swap3A_2041 = vector.shape_cast %select_n3A_2035 : vector<16xf32> to vector<1x16xf32>
    tpu.vector_store %arg5[%swap3A_2037, %swap3A_2038], %swap3A_2041 {strides = array<i32>} : memref<8x128xf32, #tpu.memory_space<vmem>>, vector<1x16xf32>,
    %eq3A_2042 = arith.constant 7 : i32
    %eq3A_2043 = vector.broadcast %eq3A_2042 : i32 to vector<16xi32>
    %eq3A_2044 = arith.cmpi eq, %select_n3A_1843, %eq3A_2043 : vector<16xi32>
    %eq3A_2045 = arith.constant 7 : i32
    %eq3A_2046 = vector.broadcast %eq3A_2045 : i32 to vector<16xi32>
    %eq3A_2047 = arith.cmpi eq, %select_n3A_1918, %eq3A_2046 : vector<16xi32>
    %jit3A_2048 = arith.constant 0.000000e+00 : f32
    %broadcast_in_dim3A_2049 = vector.broadcast %jit3A_2048 : f32 to vector<16xf32>
    %select_n3A_2050 = arith.select %eq3A_2047, %sub3A_1929, %broadcast_in_dim3A_2049 : vector<16xi1>, vector<16xf32>
    %select_n3A_2051 = arith.select %eq3A_2044, %div3A_1926, %select_n3A_2050 : vector<16xi1>, vector<16xf32>
    %swap3A_2052 = arith.constant 7 : i32
    %swap3A_2053 = arith.index_cast %swap3A_2052 : i32 to index
    %swap3A_2054 = arith.constant 96 : index
    %swap3A_2055 = tpu.vector_load %arg5[%swap3A_2053, %swap3A_2054] {strides = array<i32>} : memref<8x128xf32, #tpu.memory_space<vmem>>, vector<1x16xf32>,
    %swap3A_2056 = vector.shape_cast %swap3A_2055 : vector<1x16xf32> to vector<16xf32>
    %swap3A_2057 = vector.shape_cast %select_n3A_2051 : vector<16xf32> to vector<1x16xf32>
    tpu.vector_store %arg5[%swap3A_2053, %swap3A_2054], %swap3A_2057 {strides = array<i32>} : memref<8x128xf32, #tpu.memory_space<vmem>>, vector<1x16xf32>,
    %get3A_2058 = arith.constant 0 : i32
    %get3A_2059 = arith.index_cast %get3A_2058 : i32 to index
    %get3A_2060 = arith.constant 112 : index
    %get3A_2061 = tpu.vector_load %arg4[%get3A_2059, %get3A_2060] {strides = array<i32>} : memref<8x128xf32, #tpu.memory_space<vmem>>, vector<1x16xf32>,
    %get3A_2062 = vector.shape_cast %get3A_2061 : vector<1x16xf32> to vector<16xf32>
    %get3A_2063 = arith.constant 1 : i32
    %get3A_2064 = arith.index_cast %get3A_2063 : i32 to index
    %get3A_2065 = arith.constant 112 : index
    %get3A_2066 = tpu.vector_load %arg4[%get3A_2064, %get3A_2065] {strides = array<i32>} : memref<8x128xf32, #tpu.memory_space<vmem>>, vector<1x16xf32>,
    %get3A_2067 = vector.shape_cast %get3A_2066 : vector<1x16xf32> to vector<16xf32>
    %get3A_2068 = arith.constant 2 : i32
    %get3A_2069 = arith.index_cast %get3A_2068 : i32 to index
    %get3A_2070 = arith.constant 112 : index
    %get3A_2071 = tpu.vector_load %arg4[%get3A_2069, %get3A_2070] {strides = array<i32>} : memref<8x128xf32, #tpu.memory_space<vmem>>, vector<1x16xf32>,
    %get3A_2072 = vector.shape_cast %get3A_2071 : vector<1x16xf32> to vector<16xf32>
    %get3A_2073 = arith.constant 3 : i32
    %get3A_2074 = arith.index_cast %get3A_2073 : i32 to index
    %get3A_2075 = arith.constant 112 : index
    %get3A_2076 = tpu.vector_load %arg4[%get3A_2074, %get3A_2075] {strides = array<i32>} : memref<8x128xf32, #tpu.memory_space<vmem>>, vector<1x16xf32>,
    %get3A_2077 = vector.shape_cast %get3A_2076 : vector<1x16xf32> to vector<16xf32>
    %get3A_2078 = arith.constant 4 : i32
    %get3A_2079 = arith.index_cast %get3A_2078 : i32 to index
    %get3A_2080 = arith.constant 112 : index
    %get3A_2081 = tpu.vector_load %arg4[%get3A_2079, %get3A_2080] {strides = array<i32>} : memref<8x128xf32, #tpu.memory_space<vmem>>, vector<1x16xf32>,
    %get3A_2082 = vector.shape_cast %get3A_2081 : vector<1x16xf32> to vector<16xf32>
    %get3A_2083 = arith.constant 5 : i32
    %get3A_2084 = arith.index_cast %get3A_2083 : i32 to index
    %get3A_2085 = arith.constant 112 : index
    %get3A_2086 = tpu.vector_load %arg4[%get3A_2084, %get3A_2085] {strides = array<i32>} : memref<8x128xf32, #tpu.memory_space<vmem>>, vector<1x16xf32>,
    %get3A_2087 = vector.shape_cast %get3A_2086 : vector<1x16xf32> to vector<16xf32>
    %get3A_2088 = arith.constant 6 : i32
    %get3A_2089 = arith.index_cast %get3A_2088 : i32 to index
    %get3A_2090 = arith.constant 112 : index
    %get3A_2091 = tpu.vector_load %arg4[%get3A_2089, %get3A_2090] {strides = array<i32>} : memref<8x128xf32, #tpu.memory_space<vmem>>, vector<1x16xf32>,
    %get3A_2092 = vector.shape_cast %get3A_2091 : vector<1x16xf32> to vector<16xf32>
    %get3A_2093 = arith.constant 7 : i32
    %get3A_2094 = arith.index_cast %get3A_2093 : i32 to index
    %get3A_2095 = arith.constant 112 : index
    %get3A_2096 = tpu.vector_load %arg4[%get3A_2094, %get3A_2095] {strides = array<i32>} : memref<8x128xf32, #tpu.memory_space<vmem>>, vector<1x16xf32>,
    %get3A_2097 = vector.shape_cast %get3A_2096 : vector<1x16xf32> to vector<16xf32>
    %max3A_2098 = arith.maximumf %get3A_2062, %get3A_2067 : vector<16xf32>
    %max3A_2099 = arith.maximumf %max3A_2098, %get3A_2072 : vector<16xf32>
    %max3A_2100 = arith.maximumf %max3A_2099, %get3A_2077 : vector<16xf32>
    %max3A_2101 = arith.maximumf %max3A_2100, %get3A_2082 : vector<16xf32>
    %max3A_2102 = arith.maximumf %max3A_2101, %get3A_2087 : vector<16xf32>
    %max3A_2103 = arith.maximumf %max3A_2102, %get3A_2092 : vector<16xf32>
    %max3A_2104 = arith.maximumf %max3A_2103, %get3A_2097 : vector<16xf32>
    %broadcast_in_dim3A_2105 = arith.constant 0 : i32
    %broadcast_in_dim3A_2106 = vector.broadcast %broadcast_in_dim3A_2105 : i32 to vector<16xi32>
    %eq3A_2107 = arith.cmpf oeq, %get3A_2097, %max3A_2104 : vector<16xf32>
    %jit3A_2108 = arith.constant 7 : i32
    %broadcast_in_dim3A_2109 = vector.broadcast %jit3A_2108 : i32 to vector<16xi32>
    %select_n3A_2110 = arith.select %eq3A_2107, %broadcast_in_dim3A_2109, %broadcast_in_dim3A_2106 : vector<16xi1>, vector<16xi32>
    %eq3A_2111 = arith.cmpf oeq, %get3A_2092, %max3A_2104 : vector<16xf32>
    %jit3A_2112 = arith.constant 6 : i32
    %broadcast_in_dim3A_2113 = vector.broadcast %jit3A_2112 : i32 to vector<16xi32>
    %select_n3A_2114 = arith.select %eq3A_2111, %broadcast_in_dim3A_2113, %select_n3A_2110 : vector<16xi1>, vector<16xi32>
    %eq3A_2115 = arith.cmpf oeq, %get3A_2087, %max3A_2104 : vector<16xf32>
    %jit3A_2116 = arith.constant 5 : i32
    %broadcast_in_dim3A_2117 = vector.broadcast %jit3A_2116 : i32 to vector<16xi32>
    %select_n3A_2118 = arith.select %eq3A_2115, %broadcast_in_dim3A_2117, %select_n3A_2114 : vector<16xi1>, vector<16xi32>
    %eq3A_2119 = arith.cmpf oeq, %get3A_2082, %max3A_2104 : vector<16xf32>
    %jit3A_2120 = arith.constant 4 : i32
    %broadcast_in_dim3A_2121 = vector.broadcast %jit3A_2120 : i32 to vector<16xi32>
    %select_n3A_2122 = arith.select %eq3A_2119, %broadcast_in_dim3A_2121, %select_n3A_2118 : vector<16xi1>, vector<16xi32>
    %eq3A_2123 = arith.cmpf oeq, %get3A_2077, %max3A_2104 : vector<16xf32>
    %jit3A_2124 = arith.constant 3 : i32
    %broadcast_in_dim3A_2125 = vector.broadcast %jit3A_2124 : i32 to vector<16xi32>
    %select_n3A_2126 = arith.select %eq3A_2123, %broadcast_in_dim3A_2125, %select_n3A_2122 : vector<16xi1>, vector<16xi32>
    %eq3A_2127 = arith.cmpf oeq, %get3A_2072, %max3A_2104 : vector<16xf32>
    %jit3A_2128 = arith.constant 2 : i32
    %broadcast_in_dim3A_2129 = vector.broadcast %jit3A_2128 : i32 to vector<16xi32>
    %select_n3A_2130 = arith.select %eq3A_2127, %broadcast_in_dim3A_2129, %select_n3A_2126 : vector<16xi1>, vector<16xi32>
    %eq3A_2131 = arith.cmpf oeq, %get3A_2067, %max3A_2104 : vector<16xf32>
    %jit3A_2132 = arith.constant 1 : i32
    %broadcast_in_dim3A_2133 = vector.broadcast %jit3A_2132 : i32 to vector<16xi32>
    %select_n3A_2134 = arith.select %eq3A_2131, %broadcast_in_dim3A_2133, %select_n3A_2130 : vector<16xi1>, vector<16xi32>
    %eq3A_2135 = arith.cmpf oeq, %get3A_2062, %max3A_2104 : vector<16xf32>
    %jit3A_2136 = arith.constant 0 : i32
    %broadcast_in_dim3A_2137 = vector.broadcast %jit3A_2136 : i32 to vector<16xi32>
    %select_n3A_2138 = arith.select %eq3A_2135, %broadcast_in_dim3A_2137, %select_n3A_2134 : vector<16xi1>, vector<16xi32>
    %broadcast_in_dim3A_2139 = arith.constant -1.000000e+00 : f32
    %broadcast_in_dim3A_2140 = vector.broadcast %broadcast_in_dim3A_2139 : f32 to vector<16xf32>
    %eq3A_2141 = arith.constant 0 : i32
    %eq3A_2142 = vector.broadcast %eq3A_2141 : i32 to vector<16xi32>
    %eq3A_2143 = arith.cmpi eq, %select_n3A_2138, %eq3A_2142 : vector<16xi32>
    %select_n3A_2144 = arith.select %eq3A_2143, %broadcast_in_dim3A_2140, %get3A_2062 : vector<16xi1>, vector<16xf32>
    %eq3A_2145 = arith.constant 1 : i32
    %eq3A_2146 = vector.broadcast %eq3A_2145 : i32 to vector<16xi32>
    %eq3A_2147 = arith.cmpi eq, %select_n3A_2138, %eq3A_2146 : vector<16xi32>
    %select_n3A_2148 = arith.select %eq3A_2147, %broadcast_in_dim3A_2140, %get3A_2067 : vector<16xi1>, vector<16xf32>
    %eq3A_2149 = arith.constant 2 : i32
    %eq3A_2150 = vector.broadcast %eq3A_2149 : i32 to vector<16xi32>
    %eq3A_2151 = arith.cmpi eq, %select_n3A_2138, %eq3A_2150 : vector<16xi32>
    %select_n3A_2152 = arith.select %eq3A_2151, %broadcast_in_dim3A_2140, %get3A_2072 : vector<16xi1>, vector<16xf32>
    %eq3A_2153 = arith.constant 3 : i32
    %eq3A_2154 = vector.broadcast %eq3A_2153 : i32 to vector<16xi32>
    %eq3A_2155 = arith.cmpi eq, %select_n3A_2138, %eq3A_2154 : vector<16xi32>
    %select_n3A_2156 = arith.select %eq3A_2155, %broadcast_in_dim3A_2140, %get3A_2077 : vector<16xi1>, vector<16xf32>
    %eq3A_2157 = arith.constant 4 : i32
    %eq3A_2158 = vector.broadcast %eq3A_2157 : i32 to vector<16xi32>
    %eq3A_2159 = arith.cmpi eq, %select_n3A_2138, %eq3A_2158 : vector<16xi32>
    %select_n3A_2160 = arith.select %eq3A_2159, %broadcast_in_dim3A_2140, %get3A_2082 : vector<16xi1>, vector<16xf32>
    %eq3A_2161 = arith.constant 5 : i32
    %eq3A_2162 = vector.broadcast %eq3A_2161 : i32 to vector<16xi32>
    %eq3A_2163 = arith.cmpi eq, %select_n3A_2138, %eq3A_2162 : vector<16xi32>
    %select_n3A_2164 = arith.select %eq3A_2163, %broadcast_in_dim3A_2140, %get3A_2087 : vector<16xi1>, vector<16xf32>
    %eq3A_2165 = arith.constant 6 : i32
    %eq3A_2166 = vector.broadcast %eq3A_2165 : i32 to vector<16xi32>
    %eq3A_2167 = arith.cmpi eq, %select_n3A_2138, %eq3A_2166 : vector<16xi32>
    %select_n3A_2168 = arith.select %eq3A_2167, %broadcast_in_dim3A_2140, %get3A_2092 : vector<16xi1>, vector<16xf32>
    %eq3A_2169 = arith.constant 7 : i32
    %eq3A_2170 = vector.broadcast %eq3A_2169 : i32 to vector<16xi32>
    %eq3A_2171 = arith.cmpi eq, %select_n3A_2138, %eq3A_2170 : vector<16xi32>
    %select_n3A_2172 = arith.select %eq3A_2171, %broadcast_in_dim3A_2140, %get3A_2097 : vector<16xi1>, vector<16xf32>
    %max3A_2173 = arith.maximumf %select_n3A_2144, %select_n3A_2148 : vector<16xf32>
    %max3A_2174 = arith.maximumf %max3A_2173, %select_n3A_2152 : vector<16xf32>
    %max3A_2175 = arith.maximumf %max3A_2174, %select_n3A_2156 : vector<16xf32>
    %max3A_2176 = arith.maximumf %max3A_2175, %select_n3A_2160 : vector<16xf32>
    %max3A_2177 = arith.maximumf %max3A_2176, %select_n3A_2164 : vector<16xf32>
    %max3A_2178 = arith.maximumf %max3A_2177, %select_n3A_2168 : vector<16xf32>
    %max3A_2179 = arith.maximumf %max3A_2178, %select_n3A_2172 : vector<16xf32>
    %broadcast_in_dim3A_2180 = arith.constant 0 : i32
    %broadcast_in_dim3A_2181 = vector.broadcast %broadcast_in_dim3A_2180 : i32 to vector<16xi32>
    %eq3A_2182 = arith.cmpf oeq, %select_n3A_2172, %max3A_2179 : vector<16xf32>
    %jit3A_2183 = arith.constant 7 : i32
    %broadcast_in_dim3A_2184 = vector.broadcast %jit3A_2183 : i32 to vector<16xi32>
    %select_n3A_2185 = arith.select %eq3A_2182, %broadcast_in_dim3A_2184, %broadcast_in_dim3A_2181 : vector<16xi1>, vector<16xi32>
    %eq3A_2186 = arith.cmpf oeq, %select_n3A_2168, %max3A_2179 : vector<16xf32>
    %jit3A_2187 = arith.constant 6 : i32
    %broadcast_in_dim3A_2188 = vector.broadcast %jit3A_2187 : i32 to vector<16xi32>
    %select_n3A_2189 = arith.select %eq3A_2186, %broadcast_in_dim3A_2188, %select_n3A_2185 : vector<16xi1>, vector<16xi32>
    %eq3A_2190 = arith.cmpf oeq, %select_n3A_2164, %max3A_2179 : vector<16xf32>
    %jit3A_2191 = arith.constant 5 : i32
    %broadcast_in_dim3A_2192 = vector.broadcast %jit3A_2191 : i32 to vector<16xi32>
    %select_n3A_2193 = arith.select %eq3A_2190, %broadcast_in_dim3A_2192, %select_n3A_2189 : vector<16xi1>, vector<16xi32>
    %eq3A_2194 = arith.cmpf oeq, %select_n3A_2160, %max3A_2179 : vector<16xf32>
    %jit3A_2195 = arith.constant 4 : i32
    %broadcast_in_dim3A_2196 = vector.broadcast %jit3A_2195 : i32 to vector<16xi32>
    %select_n3A_2197 = arith.select %eq3A_2194, %broadcast_in_dim3A_2196, %select_n3A_2193 : vector<16xi1>, vector<16xi32>
    %eq3A_2198 = arith.cmpf oeq, %select_n3A_2156, %max3A_2179 : vector<16xf32>
    %jit3A_2199 = arith.constant 3 : i32
    %broadcast_in_dim3A_2200 = vector.broadcast %jit3A_2199 : i32 to vector<16xi32>
    %select_n3A_2201 = arith.select %eq3A_2198, %broadcast_in_dim3A_2200, %select_n3A_2197 : vector<16xi1>, vector<16xi32>
    %eq3A_2202 = arith.cmpf oeq, %select_n3A_2152, %max3A_2179 : vector<16xf32>
    %jit3A_2203 = arith.constant 2 : i32
    %broadcast_in_dim3A_2204 = vector.broadcast %jit3A_2203 : i32 to vector<16xi32>
    %select_n3A_2205 = arith.select %eq3A_2202, %broadcast_in_dim3A_2204, %select_n3A_2201 : vector<16xi1>, vector<16xi32>
    %eq3A_2206 = arith.cmpf oeq, %select_n3A_2148, %max3A_2179 : vector<16xf32>
    %jit3A_2207 = arith.constant 1 : i32
    %broadcast_in_dim3A_2208 = vector.broadcast %jit3A_2207 : i32 to vector<16xi32>
    %select_n3A_2209 = arith.select %eq3A_2206, %broadcast_in_dim3A_2208, %select_n3A_2205 : vector<16xi1>, vector<16xi32>
    %eq3A_2210 = arith.cmpf oeq, %select_n3A_2144, %max3A_2179 : vector<16xf32>
    %jit3A_2211 = arith.constant 0 : i32
    %broadcast_in_dim3A_2212 = vector.broadcast %jit3A_2211 : i32 to vector<16xi32>
    %select_n3A_2213 = arith.select %eq3A_2210, %broadcast_in_dim3A_2212, %select_n3A_2209 : vector<16xi1>, vector<16xi32>
    %sub3A_2214 = arith.subf %max3A_2179, %max3A_2104 : vector<16xf32>
    %exp3A_2215 = math.exp %sub3A_2214 : vector<16xf32>
    %add3A_2216 = arith.constant 1.000000e+00 : f32
    %add3A_2217 = vector.broadcast %add3A_2216 : f32 to vector<16xf32>
    %add3A_2218 = arith.addf %add3A_2217, %exp3A_2215 : vector<16xf32>
    %div3A_2219 = arith.constant 1.000000e+00 : f32
    %div3A_2220 = vector.broadcast %div3A_2219 : f32 to vector<16xf32>
    %div3A_2221 = arith.divf %div3A_2220, %add3A_2218 : vector<16xf32>
    %sub3A_2222 = arith.constant 1.000000e+00 : f32
    %sub3A_2223 = vector.broadcast %sub3A_2222 : f32 to vector<16xf32>
    %sub3A_2224 = arith.subf %sub3A_2223, %div3A_2221 : vector<16xf32>
    %eq3A_2225 = arith.constant 0 : i32
    %eq3A_2226 = vector.broadcast %eq3A_2225 : i32 to vector<16xi32>
    %eq3A_2227 = arith.cmpi eq, %select_n3A_2138, %eq3A_2226 : vector<16xi32>
    %eq3A_2228 = arith.constant 0 : i32
    %eq3A_2229 = vector.broadcast %eq3A_2228 : i32 to vector<16xi32>
    %eq3A_2230 = arith.cmpi eq, %select_n3A_2213, %eq3A_2229 : vector<16xi32>
    %jit3A_2231 = arith.constant 0.000000e+00 : f32
    %broadcast_in_dim3A_2232 = vector.broadcast %jit3A_2231 : f32 to vector<16xf32>
    %select_n3A_2233 = arith.select %eq3A_2230, %sub3A_2224, %broadcast_in_dim3A_2232 : vector<16xi1>, vector<16xf32>
    %select_n3A_2234 = arith.select %eq3A_2227, %div3A_2221, %select_n3A_2233 : vector<16xi1>, vector<16xf32>
    %swap3A_2235 = arith.constant 0 : i32
    %swap3A_2236 = arith.index_cast %swap3A_2235 : i32 to index
    %swap3A_2237 = arith.constant 112 : index
    %swap3A_2238 = tpu.vector_load %arg5[%swap3A_2236, %swap3A_2237] {strides = array<i32>} : memref<8x128xf32, #tpu.memory_space<vmem>>, vector<1x16xf32>,
    %swap3A_2239 = vector.shape_cast %swap3A_2238 : vector<1x16xf32> to vector<16xf32>
    %swap3A_2240 = vector.shape_cast %select_n3A_2234 : vector<16xf32> to vector<1x16xf32>
    tpu.vector_store %arg5[%swap3A_2236, %swap3A_2237], %swap3A_2240 {strides = array<i32>} : memref<8x128xf32, #tpu.memory_space<vmem>>, vector<1x16xf32>,
    %eq3A_2241 = arith.constant 1 : i32
    %eq3A_2242 = vector.broadcast %eq3A_2241 : i32 to vector<16xi32>
    %eq3A_2243 = arith.cmpi eq, %select_n3A_2138, %eq3A_2242 : vector<16xi32>
    %eq3A_2244 = arith.constant 1 : i32
    %eq3A_2245 = vector.broadcast %eq3A_2244 : i32 to vector<16xi32>
    %eq3A_2246 = arith.cmpi eq, %select_n3A_2213, %eq3A_2245 : vector<16xi32>
    %jit3A_2247 = arith.constant 0.000000e+00 : f32
    %broadcast_in_dim3A_2248 = vector.broadcast %jit3A_2247 : f32 to vector<16xf32>
    %select_n3A_2249 = arith.select %eq3A_2246, %sub3A_2224, %broadcast_in_dim3A_2248 : vector<16xi1>, vector<16xf32>
    %select_n3A_2250 = arith.select %eq3A_2243, %div3A_2221, %select_n3A_2249 : vector<16xi1>, vector<16xf32>
    %swap3A_2251 = arith.constant 1 : i32
    %swap3A_2252 = arith.index_cast %swap3A_2251 : i32 to index
    %swap3A_2253 = arith.constant 112 : index
    %swap3A_2254 = tpu.vector_load %arg5[%swap3A_2252, %swap3A_2253] {strides = array<i32>} : memref<8x128xf32, #tpu.memory_space<vmem>>, vector<1x16xf32>,
    %swap3A_2255 = vector.shape_cast %swap3A_2254 : vector<1x16xf32> to vector<16xf32>
    %swap3A_2256 = vector.shape_cast %select_n3A_2250 : vector<16xf32> to vector<1x16xf32>
    tpu.vector_store %arg5[%swap3A_2252, %swap3A_2253], %swap3A_2256 {strides = array<i32>} : memref<8x128xf32, #tpu.memory_space<vmem>>, vector<1x16xf32>,
    %eq3A_2257 = arith.constant 2 : i32
    %eq3A_2258 = vector.broadcast %eq3A_2257 : i32 to vector<16xi32>
    %eq3A_2259 = arith.cmpi eq, %select_n3A_2138, %eq3A_2258 : vector<16xi32>
    %eq3A_2260 = arith.constant 2 : i32
    %eq3A_2261 = vector.broadcast %eq3A_2260 : i32 to vector<16xi32>
    %eq3A_2262 = arith.cmpi eq, %select_n3A_2213, %eq3A_2261 : vector<16xi32>
    %jit3A_2263 = arith.constant 0.000000e+00 : f32
    %broadcast_in_dim3A_2264 = vector.broadcast %jit3A_2263 : f32 to vector<16xf32>
    %select_n3A_2265 = arith.select %eq3A_2262, %sub3A_2224, %broadcast_in_dim3A_2264 : vector<16xi1>, vector<16xf32>
    %select_n3A_2266 = arith.select %eq3A_2259, %div3A_2221, %select_n3A_2265 : vector<16xi1>, vector<16xf32>
    %swap3A_2267 = arith.constant 2 : i32
    %swap3A_2268 = arith.index_cast %swap3A_2267 : i32 to index
    %swap3A_2269 = arith.constant 112 : index
    %swap3A_2270 = tpu.vector_load %arg5[%swap3A_2268, %swap3A_2269] {strides = array<i32>} : memref<8x128xf32, #tpu.memory_space<vmem>>, vector<1x16xf32>,
    %swap3A_2271 = vector.shape_cast %swap3A_2270 : vector<1x16xf32> to vector<16xf32>
    %swap3A_2272 = vector.shape_cast %select_n3A_2266 : vector<16xf32> to vector<1x16xf32>
    tpu.vector_store %arg5[%swap3A_2268, %swap3A_2269], %swap3A_2272 {strides = array<i32>} : memref<8x128xf32, #tpu.memory_space<vmem>>, vector<1x16xf32>,
    %eq3A_2273 = arith.constant 3 : i32
    %eq3A_2274 = vector.broadcast %eq3A_2273 : i32 to vector<16xi32>
    %eq3A_2275 = arith.cmpi eq, %select_n3A_2138, %eq3A_2274 : vector<16xi32>
    %eq3A_2276 = arith.constant 3 : i32
    %eq3A_2277 = vector.broadcast %eq3A_2276 : i32 to vector<16xi32>
    %eq3A_2278 = arith.cmpi eq, %select_n3A_2213, %eq3A_2277 : vector<16xi32>
    %jit3A_2279 = arith.constant 0.000000e+00 : f32
    %broadcast_in_dim3A_2280 = vector.broadcast %jit3A_2279 : f32 to vector<16xf32>
    %select_n3A_2281 = arith.select %eq3A_2278, %sub3A_2224, %broadcast_in_dim3A_2280 : vector<16xi1>, vector<16xf32>
    %select_n3A_2282 = arith.select %eq3A_2275, %div3A_2221, %select_n3A_2281 : vector<16xi1>, vector<16xf32>
    %swap3A_2283 = arith.constant 3 : i32
    %swap3A_2284 = arith.index_cast %swap3A_2283 : i32 to index
    %swap3A_2285 = arith.constant 112 : index
    %swap3A_2286 = tpu.vector_load %arg5[%swap3A_2284, %swap3A_2285] {strides = array<i32>} : memref<8x128xf32, #tpu.memory_space<vmem>>, vector<1x16xf32>,
    %swap3A_2287 = vector.shape_cast %swap3A_2286 : vector<1x16xf32> to vector<16xf32>
    %swap3A_2288 = vector.shape_cast %select_n3A_2282 : vector<16xf32> to vector<1x16xf32>
    tpu.vector_store %arg5[%swap3A_2284, %swap3A_2285], %swap3A_2288 {strides = array<i32>} : memref<8x128xf32, #tpu.memory_space<vmem>>, vector<1x16xf32>,
    %eq3A_2289 = arith.constant 4 : i32
    %eq3A_2290 = vector.broadcast %eq3A_2289 : i32 to vector<16xi32>
    %eq3A_2291 = arith.cmpi eq, %select_n3A_2138, %eq3A_2290 : vector<16xi32>
    %eq3A_2292 = arith.constant 4 : i32
    %eq3A_2293 = vector.broadcast %eq3A_2292 : i32 to vector<16xi32>
    %eq3A_2294 = arith.cmpi eq, %select_n3A_2213, %eq3A_2293 : vector<16xi32>
    %jit3A_2295 = arith.constant 0.000000e+00 : f32
    %broadcast_in_dim3A_2296 = vector.broadcast %jit3A_2295 : f32 to vector<16xf32>
    %select_n3A_2297 = arith.select %eq3A_2294, %sub3A_2224, %broadcast_in_dim3A_2296 : vector<16xi1>, vector<16xf32>
    %select_n3A_2298 = arith.select %eq3A_2291, %div3A_2221, %select_n3A_2297 : vector<16xi1>, vector<16xf32>
    %swap3A_2299 = arith.constant 4 : i32
    %swap3A_2300 = arith.index_cast %swap3A_2299 : i32 to index
    %swap3A_2301 = arith.constant 112 : index
    %swap3A_2302 = tpu.vector_load %arg5[%swap3A_2300, %swap3A_2301] {strides = array<i32>} : memref<8x128xf32, #tpu.memory_space<vmem>>, vector<1x16xf32>,
    %swap3A_2303 = vector.shape_cast %swap3A_2302 : vector<1x16xf32> to vector<16xf32>
    %swap3A_2304 = vector.shape_cast %select_n3A_2298 : vector<16xf32> to vector<1x16xf32>
    tpu.vector_store %arg5[%swap3A_2300, %swap3A_2301], %swap3A_2304 {strides = array<i32>} : memref<8x128xf32, #tpu.memory_space<vmem>>, vector<1x16xf32>,
    %eq3A_2305 = arith.constant 5 : i32
    %eq3A_2306 = vector.broadcast %eq3A_2305 : i32 to vector<16xi32>
    %eq3A_2307 = arith.cmpi eq, %select_n3A_2138, %eq3A_2306 : vector<16xi32>
    %eq3A_2308 = arith.constant 5 : i32
    %eq3A_2309 = vector.broadcast %eq3A_2308 : i32 to vector<16xi32>
    %eq3A_2310 = arith.cmpi eq, %select_n3A_2213, %eq3A_2309 : vector<16xi32>
    %jit3A_2311 = arith.constant 0.000000e+00 : f32
    %broadcast_in_dim3A_2312 = vector.broadcast %jit3A_2311 : f32 to vector<16xf32>
    %select_n3A_2313 = arith.select %eq3A_2310, %sub3A_2224, %broadcast_in_dim3A_2312 : vector<16xi1>, vector<16xf32>
    %select_n3A_2314 = arith.select %eq3A_2307, %div3A_2221, %select_n3A_2313 : vector<16xi1>, vector<16xf32>
    %swap3A_2315 = arith.constant 5 : i32
    %swap3A_2316 = arith.index_cast %swap3A_2315 : i32 to index
    %swap3A_2317 = arith.constant 112 : index
    %swap3A_2318 = tpu.vector_load %arg5[%swap3A_2316, %swap3A_2317] {strides = array<i32>} : memref<8x128xf32, #tpu.memory_space<vmem>>, vector<1x16xf32>,
    %swap3A_2319 = vector.shape_cast %swap3A_2318 : vector<1x16xf32> to vector<16xf32>
    %swap3A_2320 = vector.shape_cast %select_n3A_2314 : vector<16xf32> to vector<1x16xf32>
    tpu.vector_store %arg5[%swap3A_2316, %swap3A_2317], %swap3A_2320 {strides = array<i32>} : memref<8x128xf32, #tpu.memory_space<vmem>>, vector<1x16xf32>,
    %eq3A_2321 = arith.constant 6 : i32
    %eq3A_2322 = vector.broadcast %eq3A_2321 : i32 to vector<16xi32>
    %eq3A_2323 = arith.cmpi eq, %select_n3A_2138, %eq3A_2322 : vector<16xi32>
    %eq3A_2324 = arith.constant 6 : i32
    %eq3A_2325 = vector.broadcast %eq3A_2324 : i32 to vector<16xi32>
    %eq3A_2326 = arith.cmpi eq, %select_n3A_2213, %eq3A_2325 : vector<16xi32>
    %jit3A_2327 = arith.constant 0.000000e+00 : f32
    %broadcast_in_dim3A_2328 = vector.broadcast %jit3A_2327 : f32 to vector<16xf32>
    %select_n3A_2329 = arith.select %eq3A_2326, %sub3A_2224, %broadcast_in_dim3A_2328 : vector<16xi1>, vector<16xf32>
    %select_n3A_2330 = arith.select %eq3A_2323, %div3A_2221, %select_n3A_2329 : vector<16xi1>, vector<16xf32>
    %swap3A_2331 = arith.constant 6 : i32
    %swap3A_2332 = arith.index_cast %swap3A_2331 : i32 to index
    %swap3A_2333 = arith.constant 112 : index
    %swap3A_2334 = tpu.vector_load %arg5[%swap3A_2332, %swap3A_2333] {strides = array<i32>} : memref<8x128xf32, #tpu.memory_space<vmem>>, vector<1x16xf32>,
    %swap3A_2335 = vector.shape_cast %swap3A_2334 : vector<1x16xf32> to vector<16xf32>
    %swap3A_2336 = vector.shape_cast %select_n3A_2330 : vector<16xf32> to vector<1x16xf32>
    tpu.vector_store %arg5[%swap3A_2332, %swap3A_2333], %swap3A_2336 {strides = array<i32>} : memref<8x128xf32, #tpu.memory_space<vmem>>, vector<1x16xf32>,
    %eq3A_2337 = arith.constant 7 : i32
    %eq3A_2338 = vector.broadcast %eq3A_2337 : i32 to vector<16xi32>
    %eq3A_2339 = arith.cmpi eq, %select_n3A_2138, %eq3A_2338 : vector<16xi32>
    %eq3A_2340 = arith.constant 7 : i32
    %eq3A_2341 = vector.broadcast %eq3A_2340 : i32 to vector<16xi32>
    %eq3A_2342 = arith.cmpi eq, %select_n3A_2213, %eq3A_2341 : vector<16xi32>
    %jit3A_2343 = arith.constant 0.000000e+00 : f32
    %broadcast_in_dim3A_2344 = vector.broadcast %jit3A_2343 : f32 to vector<16xf32>
    %select_n3A_2345 = arith.select %eq3A_2342, %sub3A_2224, %broadcast_in_dim3A_2344 : vector<16xi1>, vector<16xf32>
    %select_n3A_2346 = arith.select %eq3A_2339, %div3A_2221, %select_n3A_2345 : vector<16xi1>, vector<16xf32>
    %swap3A_2347 = arith.constant 7 : i32
    %swap3A_2348 = arith.index_cast %swap3A_2347 : i32 to index
    %swap3A_2349 = arith.constant 112 : index
    %swap3A_2350 = tpu.vector_load %arg5[%swap3A_2348, %swap3A_2349] {strides = array<i32>} : memref<8x128xf32, #tpu.memory_space<vmem>>, vector<1x16xf32>,
    %swap3A_2351 = vector.shape_cast %swap3A_2350 : vector<1x16xf32> to vector<16xf32>
    %swap3A_2352 = vector.shape_cast %select_n3A_2346 : vector<16xf32> to vector<1x16xf32>
    tpu.vector_store %arg5[%swap3A_2348, %swap3A_2349], %swap3A_2352 {strides = array<i32>} : memref<8x128xf32, #tpu.memory_space<vmem>>, vector<1x16xf32>,
    "tpu.region"() ({
      %run_scoped3A = tpu.sem_alloc : memref<!tpu.dma_semaphore, #tpu.memory_space<semaphore_mem>>
      %dma_start3A = arith.constant 0 : i32
      %dma_start3A_2353 = tpu.memref_slice %arg3[%dma_start3A, %mul3A_2] : memref<8x4096xf32, #tpu.memory_space<hbm>> -> memref<8x128xf32, #tpu.memory_space<hbm>>
      %dma_start3A_2354 = arith.constant 0 : i32
      %dma_start3A_2355 = tpu.memref_slice %arg3[%dma_start3A_2354, %mul3A_2] : memref<8x4096xf32, #tpu.memory_space<hbm>> -> memref<8x128xf32, #tpu.memory_space<hbm>>
      tpu.enqueue_dma source(%arg5 : memref<8x128xf32, #tpu.memory_space<vmem>>) target(%dma_start3A_2355 : memref<8x128xf32, #tpu.memory_space<hbm>>) target_semaphore(%run_scoped3A : memref<!tpu.dma_semaphore, #tpu.memory_space<semaphore_mem>>)
      %dma_wait3A = arith.constant 0 : i32
      %dma_wait3A_2356 = tpu.memref_slice %arg3[%dma_wait3A, %mul3A_2] : memref<8x4096xf32, #tpu.memory_space<hbm>> -> memref<8x128xf32, #tpu.memory_space<hbm>>
      %dma_wait3A_2357 = arith.constant 0 : i32
      %dma_wait3A_2358 = tpu.memref_slice %arg3[%dma_wait3A_2357, %mul3A_2] : memref<8x4096xf32, #tpu.memory_space<hbm>> -> memref<8x128xf32, #tpu.memory_space<hbm>>
      tpu.wait_dma2 semaphore(%run_scoped3A : memref<!tpu.dma_semaphore, #tpu.memory_space<semaphore_mem>>) src(%arg5 : memref<8x128xf32, #tpu.memory_space<vmem>>) dst(%dma_wait3A_2358 : memref<8x128xf32, #tpu.memory_space<hbm>>)
      tpu.yield
    }) : () -> ()
    return
  }
}

module attributes {stable_mosaic.version = 14 : i64} {
  func.func @_sim_z_block(%arg0: i32, %arg1: memref<1024x2048xf32, #tpu.memory_space<vmem>>, %arg2: memref<8x2048xf32, #tpu.memory_space<vmem>>, %arg3: memref<256x2048xbf16, #tpu.memory_space<vmem>>, %arg4: memref<8x1024xf32, #tpu.memory_space<vmem>>, %arg5: memref<1024x256xbf16, #tpu.memory_space<vmem>>) attributes {dimension_semantics = [#tpu.dimension_semantics<arbitrary>], iteration_bounds = array<i64: 4>, scalar_prefetch = 0 : i64, scratch_operands = 0 : i64, tpu.core_type = #tpu.core_type<tc>, window_params = [{transform_indices = @transform_0, window_bounds = array<i64: 1024, 2048>}, {pipeline_mode = #tpu.pipeline_mode<synchronous>, transform_indices = @transform_1, window_bounds = array<i64: 8, 2048>}, {pipeline_mode = #tpu.pipeline_mode<synchronous>, transform_indices = @transform_2, window_bounds = array<i64: 256, 2048>}, {transform_indices = @transform_3, window_bounds = array<i64: 8, 1024>}, {transform_indices = @transform_4, window_bounds = array<i64: 1024, 256>}]} {
    %get3A = arith.constant 0 : index
    %get3A_0 = arith.constant 0 : index
    %get3A_1 = vector.load %arg1[%get3A, %get3A_0] : memref<1024x2048xf32, #tpu.memory_space<vmem>>, vector<1024x2048xf32>
    %get3A_2 = arith.constant 0 : index
    %get3A_3 = arith.constant 0 : index
    %get3A_4 = vector.load %arg2[%get3A_2, %get3A_3] : memref<8x2048xf32, #tpu.memory_space<vmem>>, vector<8x2048xf32>
    %mul3A = arith.mulf %get3A_1, %get3A_1 : vector<1024x2048xf32>
    %reduce_sum3A = arith.constant dense<0.000000e+00> : vector<1024xf32>
    %reduce_sum3A_5 = vector.multi_reduction <add>, %mul3A, %reduce_sum3A [1] : vector<1024x2048xf32> to vector<1024xf32>
    %broadcast_in_dim3A = vector.shape_cast %reduce_sum3A_5 : vector<1024xf32> to vector<1024x1xf32>
    %sqrt3A = math.sqrt %broadcast_in_dim3A : vector<1024x1xf32>
    %mul3A_6 = arith.mulf %get3A_4, %get3A_4 : vector<8x2048xf32>
    %reduce_sum3A_7 = arith.constant dense<0.000000e+00> : vector<8xf32>
    %reduce_sum3A_8 = vector.multi_reduction <add>, %mul3A_6, %reduce_sum3A_7 [1] : vector<8x2048xf32> to vector<8xf32>
    %broadcast_in_dim3A_9 = vector.shape_cast %reduce_sum3A_8 : vector<8xf32> to vector<8x1xf32>
    %sqrt3A_10 = math.sqrt %broadcast_in_dim3A_9 : vector<8x1xf32>
    %add3A = arith.constant 9.99999993E-9 : f32
    %add3A_11 = vector.broadcast %add3A : f32 to vector<1024x1xf32>
    %add3A_12 = arith.addf %sqrt3A, %add3A_11 : vector<1024x1xf32>
    %div3A = vector.broadcast %add3A_12 : vector<1024x1xf32> to vector<1024x2048xf32>
    %div3A_13 = arith.divf %get3A_1, %div3A : vector<1024x2048xf32>
    %add3A_14 = arith.constant 9.99999993E-9 : f32
    %add3A_15 = vector.broadcast %add3A_14 : f32 to vector<8x1xf32>
    %add3A_16 = arith.addf %sqrt3A_10, %add3A_15 : vector<8x1xf32>
    %div3A_17 = vector.broadcast %add3A_16 : vector<8x1xf32> to vector<8x2048xf32>
    %div3A_18 = arith.divf %get3A_4, %div3A_17 : vector<8x2048xf32>
    %dot_general3A = arith.constant dense<0.000000e+00> : vector<8x1024xf32>
    %dot_general3A_19 = tpu.matmul %div3A_18, %div3A_13, %dot_general3A {dimension_numbers = #tpu.dot_dimension_numbers<[1], [1], [0], [0], [0, 0, 1, 0], [], []>, transpose_lhs_hint = false} : vector<8x2048xf32>, vector<1024x2048xf32>, vector<8x1024xf32> -> vector<8x1024xf32>
    %abs3A = math.absf %dot_general3A_19 : vector<8x1024xf32>
    %swap3A = arith.constant 0 : index
    %swap3A_20 = arith.constant 0 : index
    %swap3A_21 = vector.load %arg4[%swap3A, %swap3A_20] : memref<8x1024xf32, #tpu.memory_space<vmem>>, vector<8x1024xf32>
    tpu.vector_store %arg4[%swap3A, %swap3A_20], %abs3A {strides = array<i32>} : memref<8x1024xf32, #tpu.memory_space<vmem>>, vector<8x1024xf32>,
    %convert_element_type3A = arith.truncf %get3A_1 : vector<1024x2048xf32> to vector<1024x2048xbf16>
    %get3A_22 = arith.constant 0 : index
    %get3A_23 = arith.constant 0 : index
    %get3A_24 = vector.load %arg3[%get3A_22, %get3A_23] : memref<256x2048xbf16, #tpu.memory_space<vmem>>, vector<256x2048xbf16>
    %dot_general3A_25 = arith.constant dense<0.000000e+00> : vector<1024x256xf32>
    %dot_general3A_26 = tpu.matmul %convert_element_type3A, %get3A_24, %dot_general3A_25 {dimension_numbers = #tpu.dot_dimension_numbers<[1], [1], [0], [0], [0, 0, 1, 0], [], []>, transpose_lhs_hint = false} : vector<1024x2048xbf16>, vector<256x2048xbf16>, vector<1024x256xf32> -> vector<1024x256xf32>
    %convert_element_type3A_27 = arith.truncf %dot_general3A_26 : vector<1024x256xf32> to vector<1024x256xbf16>
    %swap3A_28 = arith.constant 0 : index
    %swap3A_29 = arith.constant 0 : index
    %swap3A_30 = vector.load %arg5[%swap3A_28, %swap3A_29] : memref<1024x256xbf16, #tpu.memory_space<vmem>>, vector<1024x256xbf16>
    tpu.vector_store %arg5[%swap3A_28, %swap3A_29], %convert_element_type3A_27 {strides = array<i32>} : memref<1024x256xbf16, #tpu.memory_space<vmem>>, vector<1024x256xbf16>,
    return
  }
  func.func @transform_0(%arg0: i32) -> (i32, i32) {
    %c0_i32 = arith.constant 0 : i32
    %c0_i32_0 = arith.constant 0 : i32
    return %arg0, %c0_i32 : i32, i32
  }
  func.func @transform_1(%arg0: i32) -> (i32, i32) {
    %c0_i32 = arith.constant 0 : i32
    %c0_i32_0 = arith.constant 0 : i32
    %c0_i32_1 = arith.constant 0 : i32
    return %c0_i32, %c0_i32_0 : i32, i32
  }
  func.func @transform_2(%arg0: i32) -> (i32, i32) {
    %c0_i32 = arith.constant 0 : i32
    %c0_i32_0 = arith.constant 0 : i32
    %c0_i32_1 = arith.constant 0 : i32
    return %c0_i32, %c0_i32_0 : i32, i32
  }
  func.func @transform_3(%arg0: i32) -> (i32, i32) {
    %c0_i32 = arith.constant 0 : i32
    %c0_i32_0 = arith.constant 0 : i32
    return %c0_i32, %arg0 : i32, i32
  }
  func.func @transform_4(%arg0: i32) -> (i32, i32) {
    %c0_i32 = arith.constant 0 : i32
    %c0_i32_0 = arith.constant 0 : i32
    return %arg0, %c0_i32 : i32, i32
  }
}

module attributes {stable_mosaic.version = 14 : i64} {
  func.func @_delta_block(%arg0: i32, %arg1: memref<1024x256xbf16, #tpu.memory_space<vmem>>, %arg2: memref<8x1024xf32, #tpu.memory_space<vmem>>, %arg3: memref<256x2048xbf16, #tpu.memory_space<vmem>>, %arg4: memref<1024x2048xf32, #tpu.memory_space<vmem>>) attributes {dimension_semantics = [#tpu.dimension_semantics<arbitrary>], iteration_bounds = array<i64: 4>, scalar_prefetch = 0 : i64, scratch_operands = 0 : i64, tpu.core_type = #tpu.core_type<tc>, window_params = [{transform_indices = @transform_0, window_bounds = array<i64: 1024, 256>}, {transform_indices = @transform_1, window_bounds = array<i64: 8, 1024>}, {pipeline_mode = #tpu.pipeline_mode<synchronous>, transform_indices = @transform_2, window_bounds = array<i64: 256, 2048>}, {transform_indices = @transform_3, window_bounds = array<i64: 1024, 2048>}]} {
    %get3A = arith.constant 0 : index
    %get3A_0 = arith.constant 0 : index
    %get3A_1 = vector.load %arg2[%get3A, %get3A_0] : memref<8x1024xf32, #tpu.memory_space<vmem>>, vector<8x1024xf32>
    %iota3A = tpu.iota {dimensions = array<i32: 0>} : vector<8x256xi32>
    %iota3A_2 = tpu.iota {dimensions = array<i32: 1>} : vector<8x256xi32>
    %jit3A = arith.constant 32 : i32
    %div3A = vector.broadcast %jit3A : i32 to vector<8x256xi32>
    %div3A_3 = arith.divsi %iota3A_2, %div3A : vector<8x256xi32>
    %sign3A = arith.constant 0 : i32
    %sign3A_4 = vector.broadcast %sign3A : i32 to vector<8x256xi32>
    %sign3A_5 = arith.cmpi sgt, %iota3A_2, %sign3A_4 : vector<8x256xi32>
    %sign3A_6 = arith.extui %sign3A_5 : vector<8x256xi1> to vector<8x256xi32>
    %sign3A_7 = arith.constant 0 : i32
    %sign3A_8 = vector.broadcast %sign3A_7 : i32 to vector<8x256xi32>
    %sign3A_9 = arith.cmpi slt, %iota3A_2, %sign3A_8 : vector<8x256xi32>
    %sign3A_10 = arith.extui %sign3A_9 : vector<8x256xi1> to vector<8x256xi32>
    %sign3A_11 = arith.subi %sign3A_6, %sign3A_10 : vector<8x256xi32>
    %sign3A_12 = arith.constant 0 : i32
    %sign3A_13 = arith.cmpi sgt, %jit3A, %sign3A_12 : i32
    %sign3A_14 = arith.extui %sign3A_13 : i1 to i32
    %sign3A_15 = arith.constant 0 : i32
    %sign3A_16 = arith.cmpi slt, %jit3A, %sign3A_15 : i32
    %sign3A_17 = arith.extui %sign3A_16 : i1 to i32
    %sign3A_18 = arith.subi %sign3A_14, %sign3A_17 : i32
    %ne3A = vector.broadcast %sign3A_18 : i32 to vector<8x256xi32>
    %ne3A_19 = arith.cmpi ne, %sign3A_11, %ne3A : vector<8x256xi32>
    %rem3A = vector.broadcast %jit3A : i32 to vector<8x256xi32>
    %rem3A_20 = arith.remsi %iota3A_2, %rem3A : vector<8x256xi32>
    %ne3A_21 = arith.constant 0 : i32
    %ne3A_22 = vector.broadcast %ne3A_21 : i32 to vector<8x256xi32>
    %ne3A_23 = arith.cmpi ne, %rem3A_20, %ne3A_22 : vector<8x256xi32>
    %and3A = arith.andi %ne3A_19, %ne3A_23 : vector<8x256xi1>
    %sub3A = arith.constant 1 : i32
    %sub3A_24 = vector.broadcast %sub3A : i32 to vector<8x256xi32>
    %sub3A_25 = arith.subi %div3A_3, %sub3A_24 : vector<8x256xi32>
    %select_n3A = arith.select %and3A, %sub3A_25, %div3A_3 : vector<8x256xi1>, vector<8x256xi32>
    %eq3A = arith.cmpi eq, %iota3A, %select_n3A : vector<8x256xi32>
    %convert_element_type3A = arith.extui %eq3A : vector<8x256xi1> to vector<8x256xi32>
    %convert_element_type3A_26 = arith.sitofp %convert_element_type3A : vector<8x256xi32> to vector<8x256xf32>
    %dot_general3A = arith.constant dense<0.000000e+00> : vector<1024x256xf32>
    %dot_general3A_27 = tpu.matmul %get3A_1, %convert_element_type3A_26, %dot_general3A {dimension_numbers = #tpu.dot_dimension_numbers<[0], [0], [1], [1], [0, 1, 1, 1], [], []>, precision = #tpu.contract_precision<fp32>, transpose_lhs_hint = false} : vector<8x1024xf32>, vector<8x256xf32>, vector<1024x256xf32> -> vector<1024x256xf32>
    %get3A_28 = arith.constant 0 : index
    %get3A_29 = arith.constant 0 : index
    %get3A_30 = vector.load %arg1[%get3A_28, %get3A_29] : memref<1024x256xbf16, #tpu.memory_space<vmem>>, vector<1024x256xbf16>
    %convert_element_type3A_31 = arith.extf %get3A_30 : vector<1024x256xbf16> to vector<1024x256xf32>
    %mul3A = arith.mulf %convert_element_type3A_31, %dot_general3A_27 : vector<1024x256xf32>
    %convert_element_type3A_32 = arith.truncf %mul3A : vector<1024x256xf32> to vector<1024x256xbf16>
    %get3A_33 = arith.constant 0 : index
    %get3A_34 = arith.constant 0 : index
    %get3A_35 = vector.load %arg3[%get3A_33, %get3A_34] : memref<256x2048xbf16, #tpu.memory_space<vmem>>, vector<256x2048xbf16>
    %dot_general3A_36 = arith.constant dense<0.000000e+00> : vector<1024x2048xf32>
    %dot_general3A_37 = tpu.matmul %convert_element_type3A_32, %get3A_35, %dot_general3A_36 {dimension_numbers = #tpu.dot_dimension_numbers<[1], [0], [0], [1], [0, 0, 1, 1], [], []>, transpose_lhs_hint = false} : vector<1024x256xbf16>, vector<256x2048xbf16>, vector<1024x2048xf32> -> vector<1024x2048xf32>
    %swap3A = arith.constant 0 : index
    %swap3A_38 = arith.constant 0 : index
    %swap3A_39 = vector.load %arg4[%swap3A, %swap3A_38] : memref<1024x2048xf32, #tpu.memory_space<vmem>>, vector<1024x2048xf32>
    tpu.vector_store %arg4[%swap3A, %swap3A_38], %dot_general3A_37 {strides = array<i32>} : memref<1024x2048xf32, #tpu.memory_space<vmem>>, vector<1024x2048xf32>,
    return
  }
  func.func @transform_0(%arg0: i32) -> (i32, i32) {
    %c0_i32 = arith.constant 0 : i32
    %c0_i32_0 = arith.constant 0 : i32
    return %arg0, %c0_i32 : i32, i32
  }
  func.func @transform_1(%arg0: i32) -> (i32, i32) {
    %c0_i32 = arith.constant 0 : i32
    %c0_i32_0 = arith.constant 0 : i32
    return %c0_i32, %arg0 : i32, i32
  }
  func.func @transform_2(%arg0: i32) -> (i32, i32) {
    %c0_i32 = arith.constant 0 : i32
    %c0_i32_0 = arith.constant 0 : i32
    %c0_i32_1 = arith.constant 0 : i32
    return %c0_i32, %c0_i32_0 : i32, i32
  }
  func.func @transform_3(%arg0: i32) -> (i32, i32) {
    %c0_i32 = arith.constant 0 : i32
    %c0_i32_0 = arith.constant 0 : i32
    return %arg0, %c0_i32 : i32, i32
  }
}

</mosaic_0001>

<sc_bundles>
// kernel: kernel.5.cloned.1.call-start
scs
__scs_entry_jumppad:
0x0: {  	(pc) =	sbr.rel $0x88, $3  }
0x1: {  	(tag) =	ssettag $0x0;
	lr =	simm.s32 $0x1  }
0x2: {  	[smem:$0x3F9C] =	sst lr;
	_ =	strace $0xD0000000  }
0x3: {  	_ = 	snop  }
0x4: {  	_ = 	snop  }
0x5: {  	_ = 	snop  }
0x6: {  	_ = 	snop  }
0x7: {  	_ = 	snop  }
__scs_overlays_trampoline_lowered:
0x8: {  	[smem:$0x3FAB] =	sst s0  }
0x9: {  	[smem:$0x3FAC] =	sst s1  }
0xa: {  	[smem:$0x3FAD] =	sst s2  }
0xb: {  	[smem:$0x3FAE] =	sst s3  }
0xc: {  	[smem:$0x3FAF] =	sst s4  }
0xd: {  	[smem:$0x3FB0] =	sst s5  }
0xe: {  	[smem:$0x3FB1] =	sst s6  }
0xf: {  	[smem:$0x3FB2] =	sst s7  }
0x10: {  	[smem:$0x3FB3] =	sst s8  }
0x11: {  	[smem:$0x3FB4] =	sst s9;
	s0 =	simm.s32 @!p0 $0x0  }
0x12: {  	s1 =	sld [smem:$0x3F9A];
	s0 =	simm.s32 @p0 $0x1  }
0x13: {  	[smem:$0x3FB5] =	sst s0;
	s0 =	simm.s32 @!p1 $0x0  }
0x14: {  	s2 =	sld [smem:$0x3F99];
	s0 =	simm.s32 @p1 $0x1  }
0x15: {  	[smem:$0x3FB6] =	sst s0;
	s0 =	simm.s32 @!p2 $0x0  }
0x16: {  	s3 =	sld [smem:$0x3FDB];
	s0 =	simm.s32 @p2 $0x1  }
0x17: {  	s4 =	simm.s32 $0x1BF5;
	[smem:$0x3FB8] =	sst s0  }
0x18: {  	s0 =	sld [smem:$0x3F9B];
	_ =	swait.ge [sflag:s4], $0x0  }
0x19: {  	s7 =	sld [smem:$0x3F9C]  }
0x1a: {  	s8 =	sadd.s32 $0xFFFFE003, lr  }
0x1b: {  	s9 =	sadd.s32 $0xFFFFFEF7, lr;
	s5 =	simm.s32 $0xFFFFFFFF;
	p2 =	slt.u32 s8, $0xFFFFF086  }
0x1c: {  	p1 =	slt.u32 s9, $0xF7A;
	s5 =	simm.s32 @!p2 $0x0  }
0x1d: {  	s5 =	simm.s32 @p1 $0x1;
	p0 =	seq.s32 s7, s2  }
0x1e: {  	s7 =	smul.u32 @!p0 $0xF7A, s2;
	p2 =	seq.s32 @!p0 s5, $0x0  }
0x1f: {  	s9 =	smul.u32 $0xF7A, s1;
	s8 =	simm.s32 @!p0 $0x1BF5;
	p2 =	por !p2, p0  }
0x20: {  	[sflag:s8] =	ssyncset.s32 @!p0 $0xFFFFF086;
	s6 =	sadd.s32 @!p0 s3, s7;
	s7 =	simm.s32 @!p0 $0x108  }
0x21: {  	s3 =	sadd.s32 s3, s9;
	s6 =	sadd.s32 @!p0 $0x88, s6;
	s7 =	simm.s32 @p2 $0x1082  }
0x22: {  	[simem:s7], [sflag:s8] =	dma.local @!p0 [hbm:s6], $0xF7A  }
0x23: {  	s9 =	sor.u32 $0xD0000000, s2;
	s6 =	simm.s32 $0x108;
	_ =	swait.ge @!p0 [sflag:s8], $0x0  }
0x24: {  	s3 =	sadd.s32 $0x88, s3;
	s6 =	simm.s32 @!p1 $0x1082;
	[sflag:s4] =	ssyncset.s32 $0xFFFFF086  }
0x25: {  	[simem:s6], [sflag:s4] =	dma.local [hbm:s3], $0xF7A  }
0x26: {  	[smem:$0x3F9C] =	sst s1;
	(tag) =	ssettag s2;
	_ =	strace s9  }
0x27: {  	s1 =	sld [smem:$0x3FAC]  }
0x28: {  	s2 =	sld [smem:$0x3FAD]  }
0x29: {  	s4 =	sld [smem:$0x3FAF]  }
0x2a: {  	p0 =	seq.s32 s5, $0x0;
	s5 =	sld [smem:$0x3FB0]  }
0x2b: {  	s6 =	sld [smem:$0x3FB1]  }
0x2c: {  	s7 =	sld [smem:$0x3FB2]  }
0x2d: {  	s3 =	simm.s32 $0x108;
	s8 =	sld [smem:$0x3FB3]  }
0x2e: {  	s3 =	simm.s32 @!p0 $0x1082;
	s9 =	sld [smem:$0x3FB4]  }
0x2f: {  	lr =	sadd.s32 s0, s3;
	s0 =	sld [smem:$0x3FAB]  }
0x30: {  	s3 =	sld [smem:$0x3FAE]  }
0x31: {  	[smem:$0x3FB7] =	sst s10  }
0x32: {  	s10 =	sld [smem:$0x3FB5];
	_ =	sdelay $0x3  }
0x33: {  	p0 =	seq.s32 s10, $0x1;
	s10 =	sld [smem:$0x3FB7];
	_ =	sdelay $0x3  }
0x34: {  	[smem:$0x3FB7] =	sst s10  }
0x35: {  	s10 =	sld [smem:$0x3FB6];
	_ =	sdelay $0x3  }
0x36: {  	p1 =	seq.s32 s10, $0x1;
	s10 =	sld [smem:$0x3FB7];
	_ =	sdelay $0x3  }
0x37: {  	[smem:$0x3FB7] =	sst s10  }
0x38: {  	s10 =	sld [smem:$0x3FB8]  }
0x39: {  	_ = 	snop;
	(pc) =	sbr.ind lr, $3  }
0x3a: {  	_ = 	snop  }
0x3b: {  	_ = 	snop  }
0x3c: {  	p2 =	seq.s32 s10, $0x1;
	s10 =	sld [smem:$0x3FB7]  }
0x3d: {  	_ =	shalt  }
0x3e: {  	_ =	shalt  }
0x3f: {  	_ =	shalt  }
0x40: {  	_ =	shalt  }
0x41: {  	_ =	shalt  }
0x42: {  	_ =	shalt  }
0x43: {  	_ =	shalt  }
0x44: {  	_ =	shalt  }
0x45: {  	_ =	shalt  }
0x46: {  	_ =	shalt  }
0x47: {  	_ =	shalt  }
0x48: {  	_ =	shalt  }
0x49: {  	_ =	shalt  }
0x4a: {  	_ =	shalt  }
0x4b: {  	_ =	shalt  }
0x4c: {  	_ =	shalt  }
0x4d: {  	_ =	shalt  }
0x4e: {  	_ =	shalt  }
0x4f: {  	_ =	shalt  }
0x50: {  	_ =	shalt  }
0x51: {  	_ =	shalt  }
0x52: {  	_ =	shalt  }
0x53: {  	_ =	shalt  }
0x54: {  	_ =	shalt  }
0x55: {  	_ =	shalt  }
0x56: {  	_ =	shalt  }
0x57: {  	_ =	shalt  }
0x58: {  	_ =	shalt  }
0x59: {  	_ =	shalt  }
0x5a: {  	_ =	shalt  }
0x5b: {  	_ =	shalt  }
0x5c: {  	_ =	shalt  }
0x5d: {  	_ =	shalt  }
0x5e: {  	_ =	shalt  }
0x5f: {  	_ =	shalt  }
0x60: {  	_ =	shalt  }
0x61: {  	_ =	shalt  }
0x62: {  	_ =	shalt  }
0x63: {  	_ =	shalt  }
0x64: {  	_ =	shalt  }
0x65: {  	_ =	shalt  }
0x66: {  	_ =	shalt  }
0x67: {  	_ =	shalt  }
0x68: {  	_ =	shalt  }
0x69: {  	_ =	shalt  }
0x6a: {  	_ =	shalt  }
0x6b: {  	_ =	shalt  }
0x6c: {  	_ =	shalt  }
0x6d: {  	_ =	shalt  }
0x6e: {  	_ =	shalt  }
0x6f: {  	_ =	shalt  }
0x70: {  	_ =	shalt  }
0x71: {  	_ =	shalt  }
0x72: {  	_ =	shalt  }
0x73: {  	_ =	shalt  }
0x74: {  	_ =	shalt  }
0x75: {  	_ =	shalt  }
0x76: {  	_ =	shalt  }
0x77: {  	_ =	shalt  }
0x78: {  	_ =	shalt  }
0x79: {  	_ =	shalt  }
0x7a: {  	_ =	shalt  }
0x7b: {  	_ =	shalt  }
0x7c: {  	_ =	shalt  }
0x7d: {  	_ =	shalt  }
0x7e: {  	_ =	shalt  }
0x7f: {  	_ =	shalt  }
0x80: {  	_ =	shalt  }
0x81: {  	_ =	shalt  }
0x82: {  	_ =	shalt  }
0x83: {  	_ =	shalt  }
0x84: {  	_ =	shalt  }
0x85: {  	_ =	shalt  }
0x86: {  	_ =	shalt  }
0x87: {  	_ =	shalt  }
.Lfunc_end0:
.L_simem_size_0:
called_computation_lowered:
.L_overlay_start_0:
0x88: {  	s2 =	sld [smem:$0x3FD9]  }
0x89: {  	s3 =	sld [smem:$0x3FFE];
	_ =	sdelay $0x1  }
0x8a: {  	s1 =	srdreg.scid  }
0x8b: {  	s0 =	sand.u32 $0x1, s1  }
0x8c: {  	s17 =	sshll.u32 s0, $0xA;
	s2 =	sadd.s32 s3, s2  }
0x8d: {  	s2 =	sadd.s32 s2, s17  }
0x8e: {  	[smem:$0x3FC3] =	sst s2  }
0x8f: {  	_ = 	snop  }
0x90: {  	s2 =	sld [smem:$0x3FD0];
	(tm) =	ssettm $0x1  }
0x91: {  	s18 =	sld [smem:$0x3FFB];
	_ =	sdelay $0x3  }
0x92: {  	_ =	strace s18  }
0x93: {  	s3 =	sld [smem:$0x3FFC];
	_ =	sdelay $0x3  }
0x94: {  	_ =	strace s3  }
0x95: {  	s3 =	sld [smem:$0x3FFD];
	_ =	sdelay $0x3  }
0x96: {  	_ =	strace s3  }
0x97: {  	_ =	strace $0x8FFFFFFF  }
0x98: {  	s19 =	sld [smem:$0x3FDB];
	_ =	sdelay $0x1  }
0x99: {  	s4 =	simm.s32 $_scs_section_size  }
0x9a: {  	s5 =	simm.s32 $_size__tile_overlayer_lowered;
	s6 =	simm.s32 $_tile_overlayer_lowered  }
0x9b: {  	s22 =	simm.s32 $0x1BFF;
	s21 =	sshll.u32 s6, $0x1;
	s3 =	sadd.s32 s4, s19  }
0x9c: {  	s7 =	simm.s32 $0x0;
	s20 =	sshll.u32 s5, $0x1;
	s5 =	sadd.s32 s21, s3  }
0x9d: {  	[timem:s7], [sflag:s22] =	dma.local [hbm:s5], s20  }
0x9e: {  	_ =	swait.ge [sflag:s22], s20  }
0x9f: {  	s4 =	ssub.s32 $0x0, s20;
	[sflag:s22] =	ssyncset.done $0x0  }
0xa0: {  	[sflag:s22] =	ssyncadd.s32 s4;
	_ =	sdelay $0x1  }
0xa1: {  	s23 =	simm.s32 $0x1B8B  }
0xa2: {  	_ =	swait.ge [sflag:s23], $0x1  }
0xa3: {  	[sflag:s23] =	ssyncset.done $0x0  }
0xa4: {  	s25 =	simm.s32 $0x1B8E;
	s24 =	sld [smem:$0x3FFE];
	[sflag:s23] =	ssyncadd.s32 $0xFFFFFFFF  }
0xa5: {  	s26 =	simm.s32 $execute0_lowered;
	[smem:$0x3FD2] =	sst s25  }
0xa6: {  	s5 =	sshll.u32 s26, $0x1;
	_ =	strace $0x80000046;
	[dreg:$0x1] =	wrdreg $0xFFFFFFFF  }
0xa7: {  	s28 =	simm.s32 $_size_execute0_lowered;
	s3 =	sadd.s32 s3, s5;
	[dreg:$0x0] =	wrdreg $0x0  }
0xa8: {  	s5 =	sshll.u32 s28, $0x1;
	[dreg:$0x2] =	wrdreg s3  }
0xa9: {  	[dreg:$0x3] =	wrdreg s5  }
0xaa: {  	[dreg:$0x4] =	wrdreg $0xC0  }
0xab: {  	_ =	task [dreg:s7], $0x5FFFF  }
0xac: {  	[dreg:$0x1] =	wrdreg $0xFFFFFFFF  }
0xad: {  	[dreg:$0x0] =	wrdreg $0x60  }
0xae: {  	[dreg:$0x2] =	wrdreg s2  }
0xaf: {  	[dreg:$0x3] =	wrdreg s24  }
0xb0: {  	[dreg:$0x4] =	wrdreg $0x9  }
0xb1: {  	_ =	task.clear_ibuf [dreg:s7], $0x5FFFF;
	_ =	strace $0x90000046  }
0xb2: {  	s29 =	simm.s32 $0x9;
	_ =	strace $0x80000048  }
0xb3: {  	_ =	swait.ge [sflag:s29], $0x1  }
0xb4: {  	[sflag:s29] =	ssyncadd.s32 $0xFFFFFFFF  }
0xb5: {  	_ =	strace $0x90000048  }
0xb6: {  	_ =	sfence  }
0xb7: {  	s30 =	sld [smem:$0x0];
	_ =	sdelay $0x2  }
0xb8: {  	s31 =	sshll.u32 s1, $0xD;
	s1 =	sshrl.u32 s1, $0x2  }
0xb9: {  	s3 =	sand.u32 $0x4000, s31;
	s1 =	sadd.s32 s1, s30  }
0xba: {  	s0 =	sor.u32 s3, s0;
	s1 =	sshll.u32 s1, $0x11  }
0xbb: {  	s0 =	sor.u32 s1, s0  }
0xbc: {  	s0 =	sadd.s32 $0x8F2B, s0  }
0xbd: {  	[sflag:s0] =	ssyncadd.remote.s32 $0x1  }
0xbe: {  	_ =	sfence.sel $0xFFFF  }
0xbf: {  	[dreg:$0x0] =	wrdreg $0xFFFFFFFF;
	(pc) =	sbr.abs _section_cstart, $3  }
0xc0: {  	[dreg:$0x1] =	wrdreg $0xFFFFFFFF  }
0xc1: {  	_ =	task.clear_ibuf [dreg:s7], $0x2FFFF;
	_ =	strace $0x9FFFFFFF  }
0xc2: {  	(tm) =	ssettm $0x7FFFFFFF  }
0xc3: {  	_ =	shalt  }
tec
execute0_lowered:
.L_overlay_start_1:
0x0: {  	(tag) =	ssettag $0x1  }
0x1: {  	s3 =	rddreg [dreg:$0x0]  }
0x2: {  	s4 =	rddreg [dreg:$0x1];
	s2 =	srdreg.scid  }
0x3: {  	s0 =	rddreg [dreg:$0x2];
	s1 =	stileid.u32;
	s5 =	sand.u32 $0x1, s2  }
0x4: {  	s2 =	simm.s32 $0x0;
	s6 =	sshll.u32 s1, $0x8;
	s7 =	sshll.u32 s5, $0x7  }
0x5: {  	[smem:$0x7FF] =	sst s2;
	s5 =	ssub.s32 $0x2, s5;
	s6 =	sor.u32 s7, s6  }
0x6: {  	_ =	strace $0x80000047;
	s31 =	sshrl.u32 s5, $0x1;
	s7 =	simm.s32 $0x400  }
0x7: {  	s4 =	sadd.s32 s6, s4;
	s5 =	ssub.s32 s5, s31;
	s3 =	sadd.s32 s3, s6  }
0x8: {  	s6 =	simm.s32 $0x1;
	s4 =	sadd.s32 $0xE00, s4;
	s5 =	smax.u32 s5, $0x1  }
.LBB2_1:
0x9: {  	[tilespmem:s2], [sflag:$0x1] =	stream.linear.gather [hbm4b:s3+s2], $0x400, $0x38;
	[tilespmem:$0x800] =	vst v63  }
0xa: {  	_ =	swait.ge [sflag:s6], $0x400  }
0xb: {  	[sflag:s6] =	ssyncset.done $0x0  }
0xc: {  	[sflag:s6] =	ssyncadd.s32 $0xFFFFFC00  }
0xd: {  	v1 =	vld [tilespmem:$0x0]  }
0xe: {  	v2 =	vld [tilespmem:$0x80]  }
0xf: {  	v3 =	vld [tilespmem:$0x100]  }
0x10: {  	v4 =	vld [tilespmem:$0x180]  }
0x11: {  	v5 =	vld [tilespmem:$0x200]  }
0x12: {  	v6 =	vld [tilespmem:$0x280]  }
0x13: {  	v7 =	vld [tilespmem:$0x300];
	v8 =	vmax.f32 v1, v2  }
0x14: {  	v9 =	vld [tilespmem:$0x380];
	v8 =	vmax.f32 v8, v3  }
0x15: {  	v8 =	vmax.f32 v8, v4  }
0x16: {  	v8 =	vmax.f32 v8, v5  }
0x17: {  	v8 =	vmax.f32 v8, v6  }
0x18: {  	v8 =	vmax.f32 v8, v7  }
0x19: {  	v8 =	vmax.f32 v8, v9  }
0x1a: {  	v0 =	vimm.s32 $0x0;
	vm0 =	veq.f32 v9, v8  }
0x1b: {  	vm11 =	veq.f32 v7, v8;
	v10 =	vsel vm0, $0x7, v0  }
0x1c: {  	vm12 =	veq.f32 v6, v8;
	v10 =	vsel vm11, $0x6, v10  }
0x1d: {  	vm13 =	veq.f32 v5, v8;
	v10 =	vsel vm12, $0x5, v10  }
0x1e: {  	vm14 =	veq.f32 v4, v8;
	v10 =	vsel vm13, $0x4, v10  }
0x1f: {  	vm15 =	veq.f32 v3, v8;
	v10 =	vsel vm14, $0x3, v10  }
0x20: {  	vm4 =	veq.f32 v2, v8;
	v10 =	vsel vm15, $0x2, v10  }
0x21: {  	vm1 =	vne.f32 v1, v8;
	v10 =	vsel vm4, $0x1, v10  }
0x22: {  	v10 =	vnsel vm1, $0x0, v10  }
0x23: {  	vm11 =	vmand vm1, vm4;
	vm15 =	veq.s32 v10, $0x0  }
0x24: {  	v12 =	vld [tilespmem:$0x10];
	v2 =	vsel vm11, $0xBF800000, v2;
	vm8 =	veq.s32 v10, $0x2;
	v1 =	vsel vm15, $0xBF800000, v1  }
0x25: {  	v13 =	vld [tilespmem:$0x90];
	vm14 =	veq.s32 v10, $0x3;
	v3 =	vsel vm8, $0xBF800000, v3;
	v11 =	vmax.f32 v1, v2  }
0x26: {  	v14 =	vld [tilespmem:$0x110];
	vm4 =	veq.s32 v10, $0x4;
	v4 =	vsel vm14, $0xBF800000, v4;
	v11 =	vmax.f32 v11, v3  }
0x27: {  	v53 =	vld [tilespmem:$0x190];
	vm6 =	veq.s32 v10, $0x5;
	v5 =	vsel vm4, $0xBF800000, v5;
	v11 =	vmax.f32 v11, v4  }
0x28: {  	v15 =	vld [tilespmem:$0x210];
	vm10 =	veq.s32 v10, $0x6;
	v6 =	vsel vm6, $0xBF800000, v6;
	v11 =	vmax.f32 v11, v5  }
0x29: {  	v16 =	vld [tilespmem:$0x290];
	vm2 =	veq.s32 v10, $0x7;
	v7 =	vsel vm10, $0xBF800000, v7;
	v52 =	vmax.f32 v11, v6  }
0x2a: {  	v17 =	vld [tilespmem:$0x310];
	v9 =	vsel vm2, $0xBF800000, v9;
	v10 =	vmax.f32 v52, v7  }
0x2b: {  	v19 =	vld [tilespmem:$0x390];
	v18 =	vmax.f32 v12, v13;
	v10 =	vmax.f32 v10, v9  }
0x2c: {  	v37 =	vld [tilespmem:$0x20];
	v18 =	vmax.f32 v18, v14;
	v8 =	vsub.f32 v10, v8  }
0x2d: {  	v21 =	vld [tilespmem:$0xA0];
	v18 =	vmax.f32 v18, v53  }
0x2e: {  	v22 =	vld [tilespmem:$0x120];
	v18 =	vmax.f32 v18, v15;
	v8 =	vmul.f32 $1.442695020e+00, v8  }
0x2f: {  	v23 =	vld [tilespmem:$0x1A0];
	v54 =	vmax.f32 v18, v16  }
0x30: {  	(erf) = vpow2.f32 v8;
	v8 =	vmax.f32 v54, v17  }
0x31: {  	v20 =	vimm.s32 $0x0;
	v60 =	vimm.s32 $0x0;
	v8 =	vmax.f32 v8, v19  }
0x32: {  	v61 =	vimm.s32 $0x0;
	v26 =	vmax.f32 v37, v21;
	vm5 =	veq.f32 v19, v8  }
0x33: {  	v26 =	vmax.f32 v26, v22;
	vm7 =	veq.f32 v17, v8;
	v55 =	vsel vm5, $0x7, v0  }
0x34: {  	v47 =	vmax.f32 v26, v23;
	vm9 =	veq.f32 v16, v8;
	v18 =	vsel vm7, $0x6, v55  }
0x35: {  	vm13 =	veq.f32 v9, v10;
	vm12 =	veq.f32 v15, v8;
	v18 =	vsel vm9, $0x5, v18  }
0x36: {  	vm0 =	veq.f32 v4, v10;
	vm5 =	veq.f32 v53, v8;
	v56 =	vsel vm12, $0x4, v18  }
0x37: {  	v57 =	vsel vm13, $0x7, v0;
	vm7 =	veq.f32 v14, v8;
	v9 =	vsel vm5, $0x3, v56  }
0x38: {  	vm9 =	veq.f32 v7, v10;
	vm12 =	veq.f32 v13, v8;
	v9 =	vsel vm7, $0x2, v9  }
0x39: {  	v18 =	vsel vm9, $0x6, v57;
	vm5 =	vne.f32 v12, v8;
	v9 =	vsel vm12, $0x1, v9  }
0x3a: {  	v57 =	vimm.s32 $0x0;
	v58 =	vpop (erf);
	vm12 =	vmand vm5, vm12;
	v9 =	vnsel vm5, $0x0, v9  }
0x3b: {  	v7 =	vadd.f32 $1.000000000e+00, v58;
	v13 =	vsel vm12, $0xBF800000, v13;
	vm3 =	veq.s32 v9, $0x0  }
0x3c: {  	vm1 =	veq.s32 v9, $0x2;
	vm9 =	veq.s32 v9, $0x3;
	vm7 =	veq.s32 v9, $0x4  }
0x3d: {  	vm13 =	veq.s32 v9, $0x5;
	vm5 =	veq.s32 v9, $0x6;
	(erf) = vrcp.f32 v7  }
0x3e: {  	v12 =	vsel vm3, $0xBF800000, v12;
	v14 =	vsel vm1, $0xBF800000, v14;
	v11 =	vsel vm9, $0xBF800000, v53  }
0x3f: {  	v15 =	vsel vm7, $0xBF800000, v15;
	v20 =	vsel vm13, $0xFFFFFFFF, v20;
	v16 =	vsel vm13, $0xBF800000, v16  }
0x40: {  	v25 =	vld [tilespmem:$0x220];
	v17 =	vsel vm5, $0xBF800000, v17;
	vm13 =	veq.s32 v9, $0x7;
	v59 =	vmax.f32 v12, v13  }
0x41: {  	[tilespmem:$0x1FEA0] =	vst v20;
	v20 =	vsel vm5, $0xFFFFFFFF, v60;
	v9 =	vsel vm13, $0xFFFFFFFF, v61;
	v7 =	vmax.f32 v59, v14  }
0x42: {  	v44 =	vld [tilespmem:$0x2A0];
	v62 =	vsel vm13, $0xBF800000, v19;
	vm13 =	veq.f32 v6, v10;
	v7 =	vmax.f32 v7, v11  }
0x43: {  	v46 =	vld [tilespmem:$0x320];
	vm5 =	veq.f32 v5, v10;
	v61 =	vimm.s32 $0x0;
	v7 =	vmax.f32 v7, v15  }
0x44: {  	v28 =	vld [tilespmem:$0x3A0];
	v6 =	vsel vm13, $0x5, v18;
	vm13 =	veq.f32 v2, v10;
	v7 =	vmax.f32 v7, v16  }
0x45: {  	[tilespmem:$0x1FEC0] =	vst v9;
	v9 =	vmax.f32 v47, v25;
	v59 =	vimm.s32 $0x0;
	v7 =	vmax.f32 v7, v17  }
0x46: {  	v5 =	vsel vm5, $0x4, v6;
	vm5 =	veq.f32 v3, v10;
	v63 =	vmax.f32 v7, v62  }
0x47: {  	v9 =	vmax.f32 v9, v44;
	v4 =	vsel vm0, $0x3, v5;
	v31 =	vsub.f32 v63, v8  }
0x48: {  	vm0 =	vne.f32 v1, v10;
	v9 =	vmax.f32 v9, v46;
	v3 =	vsel vm5, $0x2, v4  }
0x49: {  	v48 =	vmax.f32 v9, v28;
	v2 =	vsel vm13, $0x1, v3;
	v33 =	vpop (erf);
	v32 =	vmul.f32 $1.442695020e+00, v31  }
0x4a: {  	v10 =	vnsel vm0, $0x0, v2;
	vm0 =	vmand vm0, vm13;
	v34 =	vsub.f32 $1.000000000e+00, v33  }
0x4b: {  	vm5 =	veq.s32 v10, $0x0;
	vm13 =	veq.s32 v10, $0x2;
	(erf) = vpow2.f32 v32  }
0x4c: {  	v35 =	vnsel vm5, $0x0, v34;
	v36 =	vnsel vm0, $0x0, v34;
	v38 =	vnsel vm13, $0x0, v34  }
0x4d: {  	vm13 =	veq.s32 v10, $0x6;
	vm5 =	veq.f32 v17, v63;
	v3 =	vsel vm15, v33, v35  }
0x4e: {  	vm15 =	veq.s32 v10, $0x3;
	v4 =	vsel vm11, v33, v36;
	v5 =	vsel vm8, v33, v38  }
0x4f: {  	vm8 =	veq.s32 v10, $0x4;
	vm11 =	veq.s32 v10, $0x5;
	v24 =	vnsel vm13, $0x0, v34  }
0x50: {  	vm13 =	veq.f32 v28, v48;
	v39 =	vnsel vm15, $0x0, v34;
	v41 =	vnsel vm8, $0x0, v34  }
0x51: {  	v42 =	vnsel vm11, $0x0, v34;
	v2 =	vsel vm10, v33, v24;
	vm15 =	veq.f32 v62, v63  }
0x52: {  	vm8 =	veq.f32 v15, v63;
	vm10 =	veq.f32 v11, v63;
	vm11 =	veq.f32 v14, v63  }
0x53: {  	v50 =	vsel vm13, $0x7, v0;
	v40 =	vsel vm14, v33, v39;
	v6 =	vsel vm4, v33, v41  }
0x54: {  	v7 =	vsel vm6, v33, v42;
	vm14 =	veq.s32 v10, $0x7;
	v27 =	vsel vm15, $0x7, v0  }
0x55: {  	vm6 =	veq.f32 v16, v63;
	vm15 =	veq.f32 v44, v48;
	vm4 =	vne.f32 v12, v63  }
0x56: {  	v39 =	vimm.s32 $0x0;
	v19 =	vnsel vm14, $0x0, v34;
	v17 =	vsel vm5, $0x6, v27  }
0x57: {  	vm14 =	veq.f32 v46, v48;
	v16 =	vsel vm6, $0x5, v17;
	v8 =	vsel vm2, v33, v19;
	v43 =	vpop (erf)  }
0x58: {  	vm2 =	veq.f32 v13, v63;
	v15 =	vsel vm8, $0x4, v16;
	v45 =	vadd.f32 $1.000000000e+00, v43  }
0x59: {  	vm8 =	veq.f32 v25, v48;
	v11 =	vsel vm10, $0x3, v15;
	vm10 =	veq.f32 v23, v48  }
0x5a: {  	v49 =	vsel vm11, $0x2, v11;
	v11 =	vsel vm14, $0x6, v50;
	(erf) = vrcp.f32 v45  }
0x5b: {  	vm11 =	veq.f32 v22, v48;
	vm14 =	veq.f32 v21, v48;
	v11 =	vsel vm15, $0x5, v11  }
0x5c: {  	v9 =	vsel vm2, $0x1, v49;
	vm15 =	vne.f32 v37, v48;
	v51 =	vsel vm8, $0x4, v11  }
0x5d: {  	vm2 =	vmand vm4, vm2;
	v17 =	vnsel vm4, $0x0, v9;
	v9 =	vsel vm10, $0x3, v51  }
0x5e: {  	vm8 =	vmand vm15, vm14;
	vm13 =	veq.s32 v17, $0x0;
	v9 =	vsel vm11, $0x2, v9  }
0x5f: {  	[tilespmem:$0x1FEB0] =	vst v20;
	v20 =	vsel vm8, $0xBF800000, v21;
	vm4 =	veq.s32 v17, $0x3;
	v53 =	vsel vm14, $0x1, v9  }
0x60: {  	v51 =	vimm.s32 $0x0;
	v54 =	vnsel vm15, $0x0, v53;
	vm15 =	veq.s32 v17, $0x2  }
0x61: {  	vm10 =	veq.s32 v54, $0x0;
	vm11 =	veq.s32 v54, $0x2;
	vm5 =	veq.s32 v54, $0x4  }
0x62: {  	vm6 =	veq.s32 v54, $0x5;
	vm14 =	veq.s32 v54, $0x7;
	v19 =	vsel vm10, $0xBF800000, v37  }
0x63: {  	v21 =	vsel vm11, $0xBF800000, v22;
	v0 =	vsel vm5, $0xFFFFFFFF, v57;
	v58 =	vsel vm5, $0xBF800000, v25;
	v16 =	vpop (erf)  }
0x64: {  	v24 =	vsel vm6, $0xBF800000, v44;
	v28 =	vsel vm14, $0xBF800000, v28;
	v18 =	vsub.f32 $1.000000000e+00, v16  }
0x65: {  	vm5 =	veq.s32 v17, $0x4;
	v56 =	vmax.f32 v19, v20;
	[tilespmem:$0x1FED0] =	vst v0;
	v0 =	vsel vm6, $0xFFFFFFFF, v59  }
0x66: {  	vm6 =	veq.s32 v17, $0x5;
	v13 =	vmax.f32 v56, v21;
	v52 =	vnsel vm13, $0x0, v18  }
0x67: {  	v60 =	vld [tilespmem:$0xB0];
	v55 =	vnsel vm2, $0x0, v18;
	v9 =	vsel vm3, v16, v52;
	vm3 =	veq.s32 v54, $0x3  }
0x68: {  	vm13 =	veq.s32 v54, $0x6;
	v42 =	vnsel vm15, $0x0, v18;
	v22 =	vsel vm3, $0xBF800000, v23;
	v23 =	vld [tilespmem:$0x30]  }
0x69: {  	v62 =	vld [tilespmem:$0x130];
	v45 =	vnsel vm4, $0x0, v18;
	v35 =	vnsel vm5, $0x0, v18;
	v47 =	vnsel vm6, $0x0, v18  }
0x6a: {  	v29 =	vld [tilespmem:$0x1B0];
	[tilespmem:$0x1FEE0] =	vst v0;
	v0 =	vsel vm13, $0xFFFFFFFF, v61;
	v63 =	vsel vm13, $0xBF800000, v46;
	v13 =	vmax.f32 v13, v22  }
0x6b: {  	v30 =	vld [tilespmem:$0x230];
	v10 =	vsel vm12, v16, v55;
	v11 =	vsel vm1, v16, v42;
	v13 =	vmax.f32 v13, v58  }
0x6c: {  	v32 =	vld [tilespmem:$0x2B0];
	[tilespmem:$0x1FF40] =	vst v40;
	v12 =	vsel vm9, v16, v45;
	vm12 =	veq.s32 v17, $0x6;
	v40 =	vmax.f32 v13, v24  }
0x6d: {  	v33 =	vld [tilespmem:$0x330];
	[tilespmem:$0x1FEF0] =	vst v0;
	v0 =	vsel vm14, $0xFFFFFFFF, v39;
	v41 =	vmax.f32 v40, v63;
	v44 =	vmax.f32 v23, v60  }
0x6e: {  	v34 =	vld [tilespmem:$0x3B0];
	v50 =	vnsel vm12, $0x0, v18;
	v31 =	vmax.f32 v41, v28;
	v14 =	vmax.f32 v44, v62  }
0x6f: {  	[tilespmem:$0x1FF00] =	vst v0;
	v0 =	vimm.s32 $0x0;
	v43 =	vsub.f32 v31, v48;
	v14 =	vmax.f32 v14, v29  }
0x70: {  	vm13 =	veq.f32 v28, v31;
	vm4 =	veq.f32 v63, v31;
	v14 =	vmax.f32 v14, v30  }
0x71: {  	v48 =	vld [tilespmem:$0x1FEA0];
	vm1 =	veq.f32 v20, v31;
	v13 =	vmul.f32 $1.442695020e+00, v43;
	v46 =	vmax.f32 v14, v32  }
0x72: {  	vm0 =	vne.f32 v19, v31;
	v28 =	vsel vm13, $0x7, v51;
	v36 =	vmax.f32 v46, v33  }
0x73: {  	vm13 =	veq.f32 v58, v31;
	(erf) = vpow2.f32 v13;
	v49 =	vmax.f32 v36, v34  }
0x74: {  	v28 =	vsel vm4, $0x6, v28;
	v14 =	vsel vm7, v16, v35;
	vm14 =	veq.f32 v34, v49  }
0x75: {  	vm7 =	veq.f32 v24, v31;
	vm15 =	veq.f32 v33, v49;
	v37 =	vsel vm14, $0x7, v51  }
0x76: {  	v57 =	vld [tilespmem:$0x1FEB0];
	vm9 =	vnez.u8 v48;
	vm5 =	veq.f32 v32, v49;
	v52 =	vsel vm15, $0x6, v37  }
0x77: {  	v13 =	vsel vm9, v16, v47;
	vm6 =	veq.f32 v30, v49;
	v27 =	vsel vm5, $0x5, v52  }
0x78: {  	vm9 =	veq.f32 v29, v49;
	vm12 =	veq.f32 v62, v49;
	v53 =	vsel vm6, $0x4, v27  }
0x79: {  	vm14 =	veq.f32 v60, v49;
	vm15 =	vne.f32 v23, v49;
	v24 =	vsel vm9, $0x3, v53  }
0x7a: {  	v54 =	vsel vm7, $0x5, v28;
	vm4 =	vmand vm15, vm14;
	v24 =	vsel vm12, $0x2, v24  }
0x7b: {  	v27 =	vsel vm13, $0x4, v54;
	vm9 =	vnez.u8 v57;
	v24 =	vsel vm14, $0x1, v24  }
0x7c: {  	v25 =	vsel vm4, $0xBF800000, v60;
	v15 =	vsel vm9, v16, v50;
	v55 =	vpop (erf);
	v24 =	vnsel vm15, $0x0, v24  }
0x7d: {  	vm12 =	veq.f32 v22, v31;
	v56 =	vadd.f32 $1.000000000e+00, v55;
	vm9 =	veq.s32 v24, $0x0  }
0x7e: {  	vm6 =	veq.s32 v24, $0x2;
	vm14 =	veq.s32 v24, $0x3;
	v23 =	vsel vm9, $0xBF800000, v23  }
0x7f: {  	v59 =	vld [tilespmem:$0x40];
	vm5 =	veq.s32 v24, $0x4;
	v26 =	vsel vm6, $0xBF800000, v62;
	v58 =	vmax.f32 v23, v25  }
0x80: {  	v60 =	vld [tilespmem:$0xC0];
	(erf) = vrcp.f32 v56;
	v29 =	vsel vm14, $0xBF800000, v29;
	v28 =	vmax.f32 v58, v26  }
0x81: {  	v38 =	vld [tilespmem:$0x140];
	vm13 =	veq.s32 v24, $0x5;
	v30 =	vsel vm5, $0xBF800000, v30;
	v28 =	vmax.f32 v28, v29  }
0x82: {  	v47 =	vld [tilespmem:$0x1FEC0];
	vm7 =	veq.s32 v24, $0x6;
	v32 =	vsel vm13, $0xBF800000, v32;
	v28 =	vmax.f32 v28, v30  }
0x83: {  	v39 =	vld [tilespmem:$0x1C0];
	vm15 =	veq.s32 v24, $0x7;
	v33 =	vsel vm7, $0xBF800000, v33;
	v28 =	vmax.f32 v28, v32  }
0x84: {  	v22 =	vsel vm12, $0x3, v27;
	v24 =	vsel vm15, $0xBF800000, v34;
	v34 =	vld [tilespmem:$0x240];
	v28 =	vmax.f32 v28, v33  }
0x85: {  	vm12 =	veq.f32 v21, v31;
	v40 =	vmax.f32 v59, v60;
	v27 =	vmax.f32 v28, v24;
	v28 =	vld [tilespmem:$0x2C0]  }
0x86: {  	v35 =	vld [tilespmem:$0x340];
	v21 =	vsel vm12, $0x2, v22;
	vm12 =	veq.s32 v17, $0x7;
	v40 =	vmax.f32 v40, v38  }
0x87: {  	v41 =	vld [tilespmem:$0x3C0];
	vm2 =	vnez.u8 v47;
	v17 =	vnsel vm12, $0x0, v18;
	v61 =	vsub.f32 v27, v49  }
0x88: {  	v62 =	vsel vm1, $0x1, v21;
	v18 =	vsel vm2, v16, v17;
	v63 =	vmax.f32 v40, v39  }
0x89: {  	v31 =	vnsel vm0, $0x0, v62;
	v20 =	vmax.f32 v63, v34;
	v40 =	vpop (erf);
	v1 =	vmul.f32 $1.442695020e+00, v61  }
0x8a: {  	vm0 =	vmand vm0, vm1;
	v42 =	vsub.f32 $1.000000000e+00, v40;
	v45 =	vmax.f32 v20, v28  }
0x8b: {  	vm12 =	veq.s32 v31, $0x0;
	(erf) = vpow2.f32 v1;
	v46 =	vmax.f32 v45, v35  }
0x8c: {  	v62 =	vimm.s32 $0x0;
	v48 =	vnsel vm12, $0x0, v42;
	v49 =	vmax.f32 v46, v41  }
0x8d: {  	v61 =	vimm.s32 $0x0;
	v16 =	vsel vm10, v40, v48;
	vm10 =	veq.f32 v41, v49  }
0x8e: {  	v50 =	vnsel vm0, $0x0, v42;
	vm12 =	veq.f32 v35, v49;
	v51 =	vsel vm10, $0x7, v0  }
0x8f: {  	v17 =	vsel vm8, v40, v50;
	vm10 =	veq.f32 v28, v49;
	v19 =	vsel vm12, $0x6, v51  }
0x90: {  	vm8 =	veq.f32 v34, v49;
	vm12 =	veq.s32 v31, $0x2;
	v19 =	vsel vm10, $0x5, v19  }
0x91: {  	v52 =	vnsel vm12, $0x0, v42;
	vm10 =	veq.f32 v39, v49;
	vm12 =	veq.s32 v31, $0x3  }
0x92: {  	v53 =	vsel vm8, $0x4, v19;
	v19 =	vsel vm11, v40, v52;
	vm11 =	veq.f32 v38, v49  }
0x93: {  	v55 =	vnsel vm12, $0x0, v42;
	vm12 =	veq.f32 v24, v27;
	v54 =	vsel vm10, $0x3, v53  }
0x94: {  	vm8 =	veq.f32 v60, v49;
	v58 =	vsel vm12, $0x7, v0;
	v20 =	vsel vm11, $0x2, v54;
	v43 =	vpop (erf)  }
0x95: {  	vm11 =	vne.f32 v59, v49;
	v20 =	vsel vm8, $0x1, v20;
	v56 =	vadd.f32 $1.000000000e+00, v43  }
0x96: {  	v57 =	vnsel vm11, $0x0, v20;
	v20 =	vsel vm3, v40, v55;
	vm3 =	vmand vm11, vm8  }
0x97: {  	vm2 =	veq.s32 v57, $0x0;
	(erf) = vrcp.f32 v56;
	v37 =	vsel vm3, $0xBF800000, v60  }
0x98: {  	vm8 =	veq.s32 v57, $0x2;
	vm12 =	veq.s32 v57, $0x3;
	vm0 =	veq.s32 v57, $0x4  }
0x99: {  	v60 =	vimm.s32 $0x0;
	vm11 =	veq.s32 v57, $0x5;
	vm1 =	veq.s32 v57, $0x6  }
0x9a: {  	vm10 =	veq.s32 v57, $0x7;
	v36 =	vsel vm2, $0xBF800000, v59;
	v38 =	vsel vm8, $0xBF800000, v38  }
0x9b: {  	v39 =	vsel vm12, $0xBF800000, v39;
	v1 =	vsel vm0, $0xFFFFFFFF, v60;
	v34 =	vsel vm0, $0xBF800000, v34  }
0x9c: {  	v44 =	vsel vm11, $0xBF800000, v28;
	v35 =	vsel vm1, $0xBF800000, v35;
	v41 =	vsel vm10, $0xBF800000, v41  }
0x9d: {  	vm0 =	veq.s32 v31, $0x4;
	v59 =	vmax.f32 v36, v37;
	[tilespmem:$0x1FF10] =	vst v1;
	v1 =	vsel vm1, $0xFFFFFFFF, v61  }
0x9e: {  	v46 =	vld [tilespmem:$0x1FED0];
	v63 =	vnsel vm0, $0x0, v42;
	vm0 =	veq.s32 v31, $0x5;
	v24 =	vmax.f32 v59, v38  }
0x9f: {  	vm1 =	vne.f32 v23, v27;
	[tilespmem:$0x1FF20] =	vst v1;
	v1 =	vsel vm10, $0xFFFFFFFF, v62;
	v24 =	vmax.f32 v24, v39  }
0xa0: {  	v47 =	vld [tilespmem:$0x1FEE0];
	vm10 =	veq.f32 v33, v27;
	v43 =	vnsel vm0, $0x0, v42;
	v24 =	vmax.f32 v24, v34  }
0xa1: {  	v22 =	vsel vm10, $0x6, v58;
	vm10 =	veq.f32 v32, v27;
	v24 =	vmax.f32 v24, v44  }
0xa2: {  	v22 =	vsel vm10, $0x5, v22;
	vm10 =	veq.f32 v30, v27;
	v24 =	vmax.f32 v24, v35  }
0xa3: {  	v51 =	vld [tilespmem:$0x1FEF0];
	v30 =	vsel vm10, $0x4, v22;
	vm10 =	vnez.u8 v46;
	v33 =	vmax.f32 v24, v41  }
0xa4: {  	vm0 =	veq.f32 v29, v27;
	v22 =	vsel vm10, v40, v63;
	v21 =	vsub.f32 v33, v49  }
0xa5: {  	vm10 =	vnez.u8 v47;
	v48 =	vsel vm0, $0x3, v30;
	vm0 =	veq.s32 v31, $0x6  }
0xa6: {  	v56 =	vld [tilespmem:$0x1FF00];
	v49 =	vnsel vm0, $0x0, v42;
	vm0 =	veq.f32 v25, v27;
	v52 =	vpop (erf);
	v45 =	vmul.f32 $1.442695020e+00, v21  }
0xa7: {  	v54 =	vsub.f32 $1.000000000e+00, v52;
	v21 =	vsel vm10, v40, v43;
	vm10 =	veq.f32 v26, v27  }
0xa8: {  	v50 =	vsel vm10, $0x2, v48;
	vm10 =	vnez.u8 v51;
	(erf) = vpow2.f32 v45  }
0xa9: {  	v24 =	vsel vm10, v40, v49;
	v25 =	vsel vm0, $0x1, v50;
	vm10 =	veq.s32 v31, $0x7  }
0xaa: {  	vm0 =	vmand vm1, vm0;
	v53 =	vnsel vm1, $0x0, v25;
	v55 =	vnsel vm10, $0x0, v42  }
0xab: {  	vm10 =	vnez.u8 v56;
	v58 =	vnsel vm0, $0x0, v54;
	vm1 =	veq.s32 v53, $0x0  }
0xac: {  	v32 =	vsel vm10, v40, v55;
	v25 =	vsel vm4, v52, v58;
	vm4 =	veq.s32 v53, $0x2  }
0xad: {  	vm10 =	veq.s32 v53, $0x4;
	v57 =	vnsel vm1, $0x0, v54;
	v59 =	vnsel vm4, $0x0, v54  }
0xae: {  	v61 =	vnsel vm10, $0x0, v54;
	vm4 =	veq.s32 v53, $0x6;
	v31 =	vsel vm9, v52, v57  }
0xaf: {  	v45 =	vld [tilespmem:$0xD0];
	vm9 =	veq.s32 v53, $0x3;
	v29 =	vsel vm6, v52, v59;
	v62 =	vsel vm5, v52, v61  }
0xb0: {  	v40 =	vld [tilespmem:$0x50];
	v26 =	vnsel vm4, $0x0, v54;
	vm5 =	veq.s32 v53, $0x7;
	vm6 =	veq.f32 v41, v33  }
0xb1: {  	v46 =	vld [tilespmem:$0x150];
	v60 =	vnsel vm9, $0x0, v54;
	v30 =	vsel vm7, v52, v26;
	v51 =	vnsel vm5, $0x0, v54;
	v63 =	vpop (erf)  }
0xb2: {  	v48 =	vld [tilespmem:$0x1D0];
	vm7 =	veq.f32 v35, v33;
	vm9 =	veq.f32 v44, v33;
	v47 =	vadd.f32 $1.000000000e+00, v63  }
0xb3: {  	v49 =	vld [tilespmem:$0x250];
	v23 =	vsel vm14, v52, v60;
	vm14 =	veq.s32 v53, $0x5;
	v28 =	vsel vm15, v52, v51  }
0xb4: {  	[tilespmem:$0x1FF30] =	vst v1;
	v53 =	vsel vm6, $0x7, v0;
	v1 =	vnsel vm14, $0x0, v54;
	(erf) = vrcp.f32 v47;
	v47 =	vld [tilespmem:$0x2D0]  }
0xb5: {  	v41 =	vld [tilespmem:$0x350];
	v43 =	vsel vm7, $0x6, v53;
	v27 =	vsel vm13, v52, v1;
	v52 =	vmax.f32 v40, v45  }
0xb6: {  	vm10 =	veq.f32 v34, v33;
	v35 =	vld [tilespmem:$0x3D0];
	v43 =	vsel vm9, $0x5, v43;
	v42 =	vmax.f32 v52, v46  }
0xb7: {  	vm13 =	veq.f32 v39, v33;
	v55 =	vsel vm10, $0x4, v43;
	v42 =	vmax.f32 v42, v48  }
0xb8: {  	vm14 =	veq.f32 v38, v33;
	v39 =	vsel vm13, $0x3, v55;
	v54 =	vmax.f32 v42, v49  }
0xb9: {  	vm0 =	veq.f32 v37, v33;
	v38 =	vsel vm14, $0x2, v39;
	v34 =	vmax.f32 v54, v47  }
0xba: {  	vm1 =	vne.f32 v36, v33;
	v56 =	vsel vm0, $0x1, v38;
	v34 =	vmax.f32 v34, v41  }
0xbb: {  	v38 =	vnsel vm1, $0x0, v56;
	v37 =	vmax.f32 v34, v35  }
0xbc: {  	vm0 =	vmand vm1, vm0;
	vm13 =	veq.s32 v38, $0x0;
	vm15 =	veq.f32 v35, v37  }
0xbd: {  	vm9 =	veq.f32 v41, v37;
	vm10 =	veq.f32 v47, v37;
	vm14 =	veq.f32 v49, v37  }
0xbe: {  	vm7 =	veq.f32 v46, v37;
	v50 =	vpop (erf);
	v57 =	vsel vm15, $0x7, v0;
	vm15 =	veq.f32 v48, v37  }
0xbf: {  	v51 =	vsub.f32 $1.000000000e+00, v50;
	v33 =	vsel vm9, $0x6, v57;
	vm9 =	veq.f32 v45, v37  }
0xc0: {  	v57 =	vimm.s32 $0x0;
	v33 =	vsel vm10, $0x5, v33;
	vm10 =	vne.f32 v40, v37  }
0xc1: {  	v58 =	vnsel vm13, $0x0, v51;
	v59 =	vsel vm14, $0x4, v33;
	v61 =	vnsel vm0, $0x0, v51  }
0xc2: {  	vm13 =	veq.s32 v38, $0x2;
	vm0 =	vmand vm10, vm9;
	v33 =	vsel vm2, v50, v58  }
0xc3: {  	v60 =	vsel vm15, $0x3, v59;
	v26 =	vnsel vm13, $0x0, v51;
	v58 =	vimm.s32 $0x0  }
0xc4: {  	v43 =	vsel vm0, $0xBF800000, v45;
	v59 =	vimm.s32 $0x0;
	v34 =	vsel vm7, $0x2, v60  }
0xc5: {  	[tilespmem:$0x1FF70] =	vst v62;
	vm13 =	veq.s32 v38, $0x5;
	v60 =	vimm.s32 $0x0;
	v62 =	vsel vm9, $0x1, v34  }
0xc6: {  	v34 =	vsel vm3, v50, v61;
	v61 =	vimm.s32 $0x0;
	vm9 =	veq.s32 v38, $0x3  }
0xc7: {  	v63 =	vnsel vm10, $0x0, v62;
	v62 =	vimm.s32 $0x0;
	v1 =	vnsel vm9, $0x0, v51  }
0xc8: {  	vm14 =	veq.s32 v63, $0x0;
	vm15 =	veq.s32 v63, $0x2;
	vm4 =	veq.s32 v63, $0x3  }
0xc9: {  	vm5 =	veq.s32 v63, $0x4;
	vm10 =	veq.s32 v63, $0x5;
	v0 =	vsel vm14, $0xFFFFFFFF, v57  }
0xca: {  	vm6 =	veq.s32 v63, $0x6;
	vm7 =	veq.s32 v63, $0x7;
	[tilespmem:$0x1FF50] =	vst v0;
	v0 =	vsel vm0, $0xFFFFFFFF, v58  }
0xcb: {  	v42 =	vsel vm14, $0xBF800000, v40;
	v44 =	vsel vm15, $0xBF800000, v46;
	[tilespmem:$0x1FF60] =	vst v0;
	v0 =	vsel vm15, $0xFFFFFFFF, v59  }
0xcc: {  	v45 =	vsel vm4, $0xBF800000, v48;
	v48 =	vld [tilespmem:$0x60];
	v40 =	vmax.f32 v42, v43;
	[tilespmem:$0x1FF80] =	vst v0;
	v0 =	vsel vm4, $0xFFFFFFFF, v60  }
0xcd: {  	v46 =	vsel vm5, $0xBF800000, v49;
	v49 =	vld [tilespmem:$0xE0];
	v40 =	vmax.f32 v40, v44;
	[tilespmem:$0x1FF90] =	vst v0;
	v0 =	vsel vm5, $0xFFFFFFFF, v61  }
0xce: {  	v52 =	vld [tilespmem:$0x160];
	v63 =	vimm.s32 $0x0;
	v40 =	vmax.f32 v40, v45;
	[tilespmem:$0x1FFA0] =	vst v0;
	v0 =	vsel vm6, $0xFFFFFFFF, v62  }
0xcf: {  	v54 =	vld [tilespmem:$0x1E0];
	v47 =	vsel vm10, $0xBF800000, v47;
	v40 =	vmax.f32 v40, v46;
	[tilespmem:$0x1FFB0] =	vst v0;
	v0 =	vsel vm7, $0xFFFFFFFF, v63  }
0xd0: {  	v56 =	vld [tilespmem:$0x260];
	v41 =	vsel vm6, $0xBF800000, v41;
	v53 =	vsel vm7, $0xBF800000, v35;
	[tilespmem:$0x1FFC0] =	vst v0;
	v0 =	vmax.f32 v40, v47  }
0xd1: {  	v35 =	vsel vm8, v50, v26;
	v57 =	vld [tilespmem:$0x2E0];
	v59 =	vnsel vm13, $0x0, v51;
	v36 =	vmax.f32 v0, v41  }
0xd2: {  	vm15 =	veq.s32 v38, $0x6;
	v26 =	vmax.f32 v48, v49;
	v63 =	vld [tilespmem:$0x1FF20];
	v55 =	vmax.f32 v36, v53  }
0xd3: {  	v58 =	vld [tilespmem:$0x360];
	vm4 =	veq.s32 v38, $0x7;
	v40 =	vmax.f32 v26, v52;
	v37 =	vsub.f32 v55, v37  }
0xd4: {  	v40 =	vmax.f32 v40, v54;
	v36 =	vsel vm12, v50, v1;
	vm12 =	veq.s32 v38, $0x4;
	v38 =	vld [tilespmem:$0x1FF30]  }
0xd5: {  	v40 =	vmax.f32 v40, v56;
	v39 =	vnsel vm12, $0x0, v51;
	v60 =	vmul.f32 $1.442695020e+00, v37;
	v37 =	vld [tilespmem:$0x1FF10]  }
0xd6: {  	v62 =	vmax.f32 v40, v57;
	vm7 =	veq.f32 v53, v55;
	vm8 =	veq.f32 v41, v55  }
0xd7: {  	v61 =	vld [tilespmem:$0x3E0];
	vm12 =	veq.f32 v47, v55;
	vm1 =	veq.f32 v43, v55;
	vm5 =	vnez.u8 v63  }
0xd8: {  	v26 =	vmax.f32 v62, v58;
	(erf) = vpow2.f32 v60;
	v60 =	vnsel vm15, $0x0, v51  }
0xd9: {  	v51 =	vnsel vm4, $0x0, v51;
	vm6 =	vnez.u8 v38;
	vm15 =	veq.f32 v46, v55  }
0xda: {  	v40 =	vsel vm5, v50, v60;
	v38 =	vsel vm6, v50, v51;
	vm14 =	vnez.u8 v37  }
0xdb: {  	v37 =	vsel vm11, v50, v59;
	v59 =	vimm.s32 $0x0;
	v39 =	vsel vm14, v50, v39  }
0xdc: {  	v50 =	vmax.f32 v26, v61;
	v60 =	vsel vm7, $0x7, v59;
	v26 =	vimm.s32 $0x0  }
0xdd: {  	vm7 =	veq.f32 v45, v55;
	vm9 =	veq.f32 v61, v50;
	v41 =	vsel vm8, $0x6, v60  }
0xde: {  	v53 =	vld [tilespmem:$0x70];
	vm11 =	veq.f32 v58, v50;
	vm13 =	veq.f32 v57, v50;
	v62 =	vsel vm9, $0x7, v59  }
0xdf: {  	v51 =	vld [tilespmem:$0xF0];
	vm14 =	veq.f32 v56, v50;
	vm6 =	veq.f32 v54, v50;
	v63 =	vsel vm11, $0x6, v62  }
0xe0: {  	vm8 =	veq.f32 v52, v50;
	v41 =	vsel vm12, $0x5, v41;
	v59 =	vld [tilespmem:$0x170];
	v47 =	vsel vm13, $0x5, v63  }
0xe1: {  	vm9 =	veq.f32 v49, v50;
	vm11 =	vne.f32 v48, v50;
	v0 =	vsel vm14, $0x4, v47;
	v47 =	vld [tilespmem:$0x1F0]  }
0xe2: {  	v41 =	vsel vm15, $0x4, v41;
	vm12 =	vmand vm11, vm9;
	v1 =	vpop (erf);
	v46 =	vsel vm6, $0x3, v0  }
0xe3: {  	[tilespmem:$0x400] =	vst v3;
	v60 =	vld [tilespmem:$0x270];
	v3 =	vsel vm12, $0xBF800000, v49;
	v45 =	vadd.f32 $1.000000000e+00, v1;
	v46 =	vsel vm8, $0x2, v46  }
0xe4: {  	v62 =	vld [tilespmem:$0x2F0];
	v0 =	vmax.f32 v53, v51;
	v1 =	vsel vm7, $0x3, v41;
	v46 =	vsel vm9, $0x1, v46  }
0xe5: {  	v63 =	vld [tilespmem:$0x370];
	v0 =	vmax.f32 v0, v59;
	(erf) = vrcp.f32 v45;
	v45 =	vnsel vm11, $0x0, v46  }
0xe6: {  	v46 =	vld [tilespmem:$0x3F0];
	vm14 =	veq.s32 v45, $0x0;
	v0 =	vmax.f32 v0, v47;
	vm13 =	veq.s32 v45, $0x2  }
0xe7: {  	[tilespmem:$0x480] =	vst v4;
	vm15 =	veq.s32 v45, $0x3;
	vm11 =	veq.s32 v45, $0x4;
	vm5 =	veq.s32 v45, $0x5  }
0xe8: {  	[tilespmem:$0x500] =	vst v5;
	vm9 =	veq.s32 v45, $0x6;
	v0 =	vmax.f32 v0, v60;
	v4 =	vsel vm13, $0xBF800000, v52;
	v52 =	vld [tilespmem:$0x1FF40]  }
0xe9: {  	[tilespmem:$0x700] =	vst v2;
	v41 =	vsel vm14, $0xBF800000, v48;
	v5 =	vsel vm15, $0xBF800000, v54;
	v0 =	vmax.f32 v0, v62  }
0xea: {  	[tilespmem:$0x600] =	vst v6;
	v48 =	vsel vm11, $0xBF800000, v56;
	v54 =	vimm.s32 $0x0;
	v0 =	vmax.f32 v0, v63  }
0xeb: {  	[tilespmem:$0x680] =	vst v7;
	v6 =	vsel vm5, $0xFFFFFFFF, v54;
	v54 =	vimm.s32 $0x0;
	v0 =	vmax.f32 v0, v46  }
0xec: {  	[tilespmem:$0x780] =	vst v8;
	v49 =	vmax.f32 v41, v3;
	v7 =	vsel vm9, $0xFFFFFFFF, v54;
	vm4 =	veq.f32 v46, v0  }
0xed: {  	vm6 =	veq.f32 v63, v0;
	[tilespmem:$0x580] =	vst v52;
	v56 =	vsel vm4, $0x7, v26;
	v52 =	vmax.f32 v49, v4  }
0xee: {  	[tilespmem:$0x1FFD0] =	vst v6;
	vm4 =	veq.s32 v45, $0x7;
	v6 =	vsel vm6, $0x6, v56;
	v56 =	vimm.s32 $0x0  }
0xef: {  	vm0 =	vne.f32 v42, v55;
	[tilespmem:$0x1FFE0] =	vst v7;
	v2 =	vmax.f32 v52, v5;
	v7 =	vsel vm4, $0xFFFFFFFF, v56  }
0xf0: {  	v8 =	vsel vm9, $0xBF800000, v58;
	v2 =	vmax.f32 v2, v48;
	[tilespmem:$0x1FFF0] =	vst v7;
	v7 =	vsel vm5, $0xBF800000, v57  }
0xf1: {  	vm7 =	veq.f32 v62, v0;
	vm8 =	veq.f32 v60, v0;
	v2 =	vmax.f32 v2, v7  }
0xf2: {  	[tilespmem:$0x410] =	vst v9;
	vm2 =	veq.f32 v51, v0;
	v9 =	vsel vm4, $0xBF800000, v61;
	v2 =	vmax.f32 v2, v8  }
0xf3: {  	[tilespmem:$0x490] =	vst v10;
	vm6 =	veq.f32 v47, v0;
	v6 =	vsel vm7, $0x5, v6;
	v10 =	vmax.f32 v2, v9  }
0xf4: {  	[tilespmem:$0x590] =	vst v12;
	v12 =	vpop (erf);
	vm7 =	veq.f32 v59, v0;
	vm5 =	veq.f32 v44, v55;
	v2 =	vsub.f32 v10, v50  }
0xf5: {  	[tilespmem:$0x690] =	vst v13;
	v13 =	vsub.f32 $1.000000000e+00, v12;
	v6 =	vsel vm8, $0x4, v6;
	v1 =	vsel vm5, $0x2, v1  }
0xf6: {  	v6 =	vsel vm6, $0x3, v6;
	v1 =	vsel vm1, $0x1, v1;
	v61 =	vmul.f32 $1.442695020e+00, v2  }
0xf7: {  	[tilespmem:$0x510] =	vst v11;
	vm8 =	vne.f32 v53, v0;
	v6 =	vsel vm7, $0x2, v6;
	v11 =	vnsel vm0, $0x0, v1  }
0xf8: {  	v42 =	vsel vm2, $0x1, v6;
	vm0 =	vmand vm0, vm1;
	(erf) = vpow2.f32 v61  }
0xf9: {  	v6 =	vnsel vm8, $0x0, v42;
	vm9 =	veq.s32 v11, $0x0;
	v55 =	vnsel vm0, $0x0, v13  }
0xfa: {  	vm0 =	veq.s32 v11, $0x2;
	v43 =	vnsel vm9, $0x0, v13;
	vm9 =	vmand vm8, vm2  }
0xfb: {  	vm2 =	veq.s32 v6, $0x0;
	vm5 =	veq.s32 v6, $0x2;
	vm6 =	veq.s32 v6, $0x3  }
0xfc: {  	[tilespmem:$0x610] =	vst v14;
	vm7 =	veq.s32 v6, $0x4;
	v1 =	vsel vm2, $0xBF800000, v53;
	v44 =	vsel vm9, $0xBF800000, v51  }
0xfd: {  	[tilespmem:$0x710] =	vst v15;
	vm8 =	veq.s32 v6, $0x5;
	v45 =	vsel vm5, $0xBF800000, v59;
	v49 =	vmax.f32 v1, v44  }
0xfe: {  	[tilespmem:$0x420] =	vst v16;
	vm4 =	veq.s32 v6, $0x6;
	v50 =	vsel vm6, $0xBF800000, v47;
	v16 =	vmax.f32 v49, v45;
	v61 =	vld [tilespmem:$0x1FF80]  }
0xff: {  	[tilespmem:$0x790] =	vst v18;
	v51 =	vsel vm7, $0xBF800000, v60;
	v52 =	vsel vm8, $0xBF800000, v62;
	v62 =	vld [tilespmem:$0x1FF90];
	v16 =	vmax.f32 v16, v50  }
0x100: {  	[tilespmem:$0x4A0] =	vst v17;
	vm3 =	veq.s32 v6, $0x7;
	v58 =	vnsel vm0, $0x0, v13;
	v16 =	vmax.f32 v16, v51  }
0x101: {  	[tilespmem:$0x520] =	vst v19;
	vm0 =	veq.s32 v11, $0x3;
	v53 =	vsel vm4, $0xBF800000, v63;
	v16 =	vmax.f32 v16, v52;
	v56 =	vpop (erf)  }
0x102: {  	[tilespmem:$0x620] =	vst v22;
	v6 =	vsel vm3, $0xBF800000, v46;
	v16 =	vmax.f32 v16, v53;
	v22 =	vadd.f32 $1.000000000e+00, v56  }
0x103: {  	[tilespmem:$0x5A0] =	vst v20;
	v59 =	vnsel vm0, $0x0, v13;
	v16 =	vmax.f32 v16, v6;
	vm0 =	vnez.u8 v61  }
0x104: {  	[tilespmem:$0x6A0] =	vst v21;
	v54 =	vld [tilespmem:$0x1FF50];
	(erf) = vrcp.f32 v22;
	v22 =	vsel vm0, v12, v58;
	vm0 =	vnez.u8 v62  }
0x105: {  	[tilespmem:$0x5B0] =	vst v23;
	v57 =	vld [tilespmem:$0x1FF60];
	v0 =	vsub.f32 v16, v0;
	v23 =	vsel vm0, v12, v59;
	vm0 =	veq.s32 v11, $0x4  }
0x106: {  	[tilespmem:$0x720] =	vst v24;
	v63 =	vnsel vm0, $0x0, v13;
	vm0 =	veq.f32 v9, v10;
	v9 =	vld [tilespmem:$0x1FFA0]  }
0x107: {  	[tilespmem:$0x7A0] =	vst v32;
	v0 =	vmul.f32 $1.442695020e+00, v0  }
0x108: {  	[tilespmem:$0x4B0] =	vst v25  }
0x109: {  	[tilespmem:$0x430] =	vst v31;
	vm1 =	vnez.u8 v54;
	(erf) = vpow2.f32 v0  }
0x10a: {  	[tilespmem:$0x530] =	vst v29;
	v14 =	vsel vm1, v12, v43;
	vm1 =	vnez.u8 v57  }
0x10b: {  	[tilespmem:$0x730] =	vst v30;
	v21 =	vsel vm1, v12, v55;
	vm1 =	vnez.u8 v9  }
0x10c: {  	[tilespmem:$0x7B0] =	vst v28;
	v9 =	vsel vm0, $0x7, v26;
	vm0 =	veq.f32 v8, v10;
	v0 =	vsel vm1, v12, v63  }
0x10d: {  	[tilespmem:$0x6B0] =	vst v27;
	v8 =	vsel vm0, $0x6, v9;
	vm0 =	veq.s32 v11, $0x5;
	vm1 =	veq.f32 v7, v10  }
0x10e: {  	[tilespmem:$0x440] =	vst v33;
	v7 =	vsel vm1, $0x5, v8;
	v24 =	vnsel vm0, $0x0, v13  }
0x10f: {  	[tilespmem:$0x4C0] =	vst v34;
	v30 =	vld [tilespmem:$0x1FFB0];
	vm0 =	veq.f32 v48, v10;
	vm1 =	vne.f32 v41, v10;
	v8 =	vsel vm10, v12, v24  }
0x110: {  	[tilespmem:$0x540] =	vst v35;
	v27 =	vpop (erf);
	v7 =	vsel vm0, $0x4, v7;
	vm10 =	veq.f32 v5, v10;
	vm0 =	veq.s32 v11, $0x6  }
0x111: {  	v31 =	vld [tilespmem:$0x1FFC0];
	[tilespmem:$0x5C0] =	vst v36;
	v29 =	vsub.f32 $1.000000000e+00, v27;
	v5 =	vsel vm10, $0x3, v7;
	vm10 =	veq.f32 v4, v10  }
0x112: {  	[tilespmem:$0x740] =	vst v40;
	v32 =	vpop (erf);
	v25 =	vnsel vm0, $0x0, v13;
	vm0 =	veq.f32 v3, v10;
	v4 =	vsel vm10, $0x2, v5  }
0x113: {  	[tilespmem:$0x7C0] =	vst v38;
	v60 =	vld [tilespmem:$0x1FF70];
	v10 =	vadd.f32 $1.000000000e+00, v32;
	vm10 =	veq.s32 v11, $0x7;
	v4 =	vsel vm0, $0x1, v4  }
0x114: {  	[tilespmem:$0x6C0] =	vst v37;
	v28 =	vnsel vm10, $0x0, v13;
	vm10 =	vnez.u8 v30;
	vm0 =	vmand vm1, vm0  }
0x115: {  	[tilespmem:$0x640] =	vst v39;
	(erf) = vrcp.f32 v10;
	v4 =	vnsel vm1, $0x0, v4;
	v5 =	vsel vm10, v12, v25  }
0x116: {  	[tilespmem:$0x450] =	vst v14;
	vm10 =	vnez.u8 v31;
	v34 =	vnsel vm0, $0x0, v29;
	vm1 =	veq.f32 v44, v16  }
0x117: {  	[tilespmem:$0x4D0] =	vst v21;
	vm0 =	vne.f32 v1, v16;
	v7 =	vsel vm10, v12, v28;
	vm10 =	veq.s32 v4, $0x0  }
0x118: {  	[tilespmem:$0x630] =	vst v60;
	v12 =	vsel vm12, v27, v34;
	vm12 =	veq.s32 v4, $0x5;
	v33 =	vnsel vm10, $0x0, v29  }
0x119: {  	[tilespmem:$0x550] =	vst v22;
	vm10 =	veq.s32 v4, $0x3;
	v42 =	vnsel vm12, $0x0, v29;
	vm12 =	veq.s32 v4, $0x7  }
0x11a: {  	[tilespmem:$0x5D0] =	vst v23;
	v11 =	vsel vm14, v27, v33;
	vm14 =	veq.s32 v4, $0x2;
	v36 =	vnsel vm10, $0x0, v29  }
0x11b: {  	v43 =	vld [tilespmem:$0x1FFD0];
	[tilespmem:$0x650] =	vst v0;
	vm10 =	veq.f32 v52, v16;
	v48 =	vnsel vm12, $0x0, v29;
	v35 =	vnsel vm14, $0x0, v29  }
0x11c: {  	v49 =	vld [tilespmem:$0x1FFF0];
	[tilespmem:$0x6D0] =	vst v8;
	v37 =	vsel vm15, v27, v36;
	vm14 =	veq.f32 v6, v16;
	vm15 =	veq.f32 v53, v16  }
0x11d: {  	[tilespmem:$0x750] =	vst v5;
	v10 =	vsel vm13, v27, v35;
	vm13 =	veq.s32 v4, $0x4;
	v39 =	vsel vm14, $0x7, v26  }
0x11e: {  	[tilespmem:$0x7D0] =	vst v7;
	vm14 =	veq.f32 v45, v16;
	v38 =	vnsel vm13, $0x0, v29;
	v41 =	vsel vm15, $0x6, v39  }
0x11f: {  	v47 =	vld [tilespmem:$0x1FFE0];
	[tilespmem:$0x4E0] =	vst v12;
	v40 =	vsel vm11, v27, v38;
	vm11 =	veq.f32 v51, v16;
	v6 =	vsel vm10, $0x5, v41  }
0x120: {  	[tilespmem:$0x460] =	vst v11;
	vm13 =	veq.f32 v50, v16;
	vm15 =	vnez.u8 v43;
	v6 =	vsel vm11, $0x4, v6  }
0x121: {  	[tilespmem:$0x5E0] =	vst v37;
	v7 =	vsel vm15, v27, v42;
	vm15 =	vnez.u8 v49;
	v6 =	vsel vm13, $0x3, v6  }
0x122: {  	[tilespmem:$0x560] =	vst v10;
	vm11 =	veq.s32 v4, $0x6;
	v45 =	vpop (erf);
	v3 =	vsel vm15, v27, v48;
	v6 =	vsel vm14, $0x2, v6  }
0x123: {  	[tilespmem:$0x660] =	vst v40;
	v44 =	vnsel vm11, $0x0, v29;
	v46 =	vsub.f32 $1.000000000e+00, v45;
	v2 =	vsel vm1, $0x1, v6  }
0x124: {  	[tilespmem:$0x6E0] =	vst v7;
	vm13 =	vnez.u8 v47;
	v2 =	vnsel vm0, $0x0, v2;
	vm0 =	vmand vm0, vm1  }
0x125: {  	[tilespmem:$0x7E0] =	vst v3;
	v0 =	vsel vm13, v27, v44;
	vm14 =	veq.s32 v2, $0x0;
	v51 =	vnsel vm0, $0x0, v46  }
0x126: {  	[tilespmem:$0x760] =	vst v0;
	vm10 =	veq.s32 v2, $0x2;
	v50 =	vnsel vm14, $0x0, v46;
	v52 =	vsel vm9, v45, v51  }
0x127: {  	vm11 =	veq.s32 v2, $0x3;
	v53 =	vnsel vm10, $0x0, v46;
	v0 =	vsel vm2, v45, v50;
	[tilespmem:$0x4F0] =	vst v52  }
0x128: {  	vm12 =	veq.s32 v2, $0x4;
	v55 =	vnsel vm11, $0x0, v46;
	v54 =	vsel vm5, v45, v53;
	[tilespmem:$0x470] =	vst v0  }
0x129: {  	vm13 =	veq.s32 v2, $0x5;
	v57 =	vnsel vm12, $0x0, v46;
	v56 =	vsel vm6, v45, v55;
	[tilespmem:$0x570] =	vst v54  }
0x12a: {  	vm15 =	veq.s32 v2, $0x7;
	v59 =	vnsel vm13, $0x0, v46;
	v58 =	vsel vm7, v45, v57;
	[tilespmem:$0x5F0] =	vst v56  }
0x12b: {  	vm14 =	veq.s32 v2, $0x6;
	v2 =	vnsel vm15, $0x0, v46;
	v60 =	vsel vm8, v45, v59;
	[tilespmem:$0x670] =	vst v58  }
0x12c: {  	v61 =	vnsel vm14, $0x0, v46;
	v63 =	vsel vm3, v45, v2;
	[tilespmem:$0x6F0] =	vst v60  }
0x12d: {  	p0 =	sne.s32 s5, $0x1;
	v62 =	vsel vm4, v45, v61;
	[tilespmem:$0x7F0] =	vst v63  }
.Ltmp0:
0x12e: {  	[tilespmem:$0x770] =	vst v62;
	(pc) =	sbr.rel @p0 .LBB2_1-.Ltmp0, $4  }
0x12f: {  	[hbm4b:s4+s2] =	stream.linear.scatter [tilespmem:s7], [sflag:$0x1], $0x400, $0x38;
	[tilespmem:$0x800] =	vst v63  }
0x130: {  	_ =	swait.ge [sflag:s6], $0x400  }
0x131: {  	[sflag:s6] =	ssyncset.done $0x0  }
0x132: {  	s5 =	sadd.s32 $0xFFFFFFFF, s5;
	[sflag:s6] =	ssyncadd.s32 $0xFFFFFC00  }
0x133: {  	_ =	sfence.sel $0x180000  }
0x134: {  	[bflag:$0x0] =	sbarrier.arrive $0xFFFF  }
0x135: {  	p0 =	sne.s32 s1, $0x0;
	_ =	strace $0x90000047  }
0x136: {  	s0 =	sadd.s32 @!p0 $0x100000, s0;
	[bflag:$0x2] =	sbarrier.arrive $0xFFFF  }
0x137: {  	[sflag:s0] =	ssyncadd.tile.s32 @!p0 $0x1;
	_ =	shalt  }
.Lfunc_end2:
_tile_overlayer_lowered:
.L_overlay_start_2:
0x138: {  	(tag) =	ssettag $0x2  }
0x139: {  	s0 =	rddreg [dreg:$0x0];
	s2 =	stileid.u32  }
0x13a: {  	s1 =	rddreg [dreg:$0x1];
	p0 =	sne.s32 s2, $0x0  }
0x13b: {  	s3 =	rddreg [dreg:$0x2];
	[bflag:$0x3] =	sbarrier.arrive $0xFFFF;
	s2 =	simm.s32 @!p0 $0x1C01  }
0x13c: {  	[timem:s3], [sflag:s2] =	dma.local @!p0 [hbm:s0], s1  }
0x13d: {  	s0 =	simm.s32 @!p0 $0x1  }
0x13e: {  	_ =	swait.ge @!p0 [sflag:s0], s1  }
0x13f: {  	s1 =	ssub.s32 @!p0 $0x0, s1;
	[sflag:s0] =	ssyncset.done @!p0 $0x0  }
0x140: {  	[sflag:s0] =	ssyncadd.s32 @!p0 s1  }
0x141: {  	[bflag:$0x3] =	sbarrier.arrive $0xFFFF  }
0x142: {  	_ =	shalt  }

</sc_bundles>
